<compile_context>
chip_gen: v7x
topology: tpu7x:2x2x1
jax: 0.10.2.dev20260603
libtpu: 0.0.44.dev20260713+nightly
codegen_flags: <defaults>
</compile_context>

<pallas_src>
import functools

import jax
import jax.numpy as jnp
from jax import lax
from jax.experimental import pallas as pl
from jax.experimental.pallas import tpu as pltpu
from jax.experimental.pallas import tpu_sc as plsc

N_NODES = 10000
NP = 10240
D = 32
E = 320000
NC, NS, B = 2, 16, 256
BD = 128
EP = 327680
BLOCKS = EP // (NC * NS * B)
BLOCKS_D = EP // (NC * NS * BD)
ROWS_PT = NP // NS
TRASH = N_NODES

_MESH = plsc.VectorSubcoreMesh(
    core_axis_name="c", subcore_axis_name="s", num_cores=NC, num_subcores=NS)



@functools.partial(
    pl.kernel,
    out_type=jax.ShapeDtypeStruct((NC, NP), jnp.float32),
    mesh=_MESH,
    scratch_types=[
        pltpu.VMEM_SHARED((NP,), jnp.float32),
        pltpu.VMEM((BLOCKS_D, BD), jnp.int32),
        pltpu.VMEM((BD,), jnp.float32),
        pltpu.SemaphoreType.DMA,
        pltpu.SemaphoreType.DMA,
    ],
)
def _sc_degree(dst_hbm, zeros_hbm, out_hbm, acc_sh, didx, ones_v, sem0, sem1):
    c = lax.axis_index("c")
    s = lax.axis_index("s")
    r0 = s * ROWS_PT
    blk0 = (c * NS + s) * BLOCKS_D
    pltpu.async_copy(zeros_hbm.at[pl.ds(r0, ROWS_PT)], acc_sh.at[pl.ds(r0, ROWS_PT)], sem0)
    pltpu.async_copy(dst_hbm.at[pl.ds(blk0, BLOCKS_D)], didx, sem1)
    for i in range(BD // 16):
        ones_v[pl.ds(i * 16, 16)] = jnp.full((16,), 1.0, jnp.float32)
    pltpu.make_async_copy(zeros_hbm.at[pl.ds(r0, ROWS_PT)], acc_sh.at[pl.ds(r0, ROWS_PT)], sem0).wait()
    pltpu.make_async_copy(dst_hbm.at[pl.ds(blk0, BLOCKS_D)], didx, sem1).wait()
    plsc.subcore_barrier()

    def body(j, carry):
        pltpu.sync_copy(ones_v, acc_sh.at[didx.at[j]], add=True)
        return carry

    lax.fori_loop(0, BLOCKS_D, body, 0)
    plsc.subcore_barrier()
    pltpu.sync_copy(acc_sh.at[pl.ds(r0, ROWS_PT)], out_hbm.at[c].at[pl.ds(r0, ROWS_PT)])


@functools.partial(
    pl.kernel,
    out_type=jax.ShapeDtypeStruct((NC, NP, D), jnp.float32),
    mesh=_MESH,
    scratch_types=[
        pltpu.VMEM_SHARED((NP, D), jnp.float32),
        pltpu.VMEM_SHARED((NP, D), jnp.float32),
        pltpu.VMEM((BLOCKS, B), jnp.int32),
        pltpu.VMEM((BLOCKS, B), jnp.int32),
        pltpu.VMEM((B, D), jnp.float32),
        pltpu.VMEM((B, D), jnp.float32),
        pltpu.SemaphoreType.DMA,
        pltpu.SemaphoreType.DMA,
        pltpu.SemaphoreType.DMA,
        pltpu.SemaphoreType.DMA,
    ],
    compiler_params=pltpu.CompilerParams(use_tc_tiling_on_sc=False),
)
def _sc_aggregate(g_hbm, src_hbm, dst_hbm, zeros_hbm, out_hbm,
                  acc_sh, g_spm, sidx, didx, rows0, rows1, sem0, sem1,
                  sem2, sem3):
    c = lax.axis_index("c")
    s = lax.axis_index("s")
    r0 = s * ROWS_PT
    blk0 = (c * NS + s) * BLOCKS
    pltpu.async_copy(zeros_hbm.at[pl.ds(r0, ROWS_PT)], acc_sh.at[pl.ds(r0, ROWS_PT)], sem0)
    pltpu.async_copy(g_hbm.at[pl.ds(r0, ROWS_PT)], g_spm.at[pl.ds(r0, ROWS_PT)], sem1)
    pltpu.async_copy(src_hbm.at[pl.ds(blk0, BLOCKS)], sidx, sem2)
    pltpu.async_copy(dst_hbm.at[pl.ds(blk0, BLOCKS)], didx, sem3)
    pltpu.make_async_copy(zeros_hbm.at[pl.ds(r0, ROWS_PT)], acc_sh.at[pl.ds(r0, ROWS_PT)], sem0).wait()
    pltpu.make_async_copy(g_hbm.at[pl.ds(r0, ROWS_PT)], g_spm.at[pl.ds(r0, ROWS_PT)], sem1).wait()
    pltpu.make_async_copy(src_hbm.at[pl.ds(blk0, BLOCKS)], sidx, sem2).wait()
    pltpu.make_async_copy(dst_hbm.at[pl.ds(blk0, BLOCKS)], didx, sem3).wait()
    plsc.subcore_barrier()

    pltpu.async_copy(g_spm.at[sidx.at[0]], rows0, sem0)

    def body(j, carry):
        b0 = j * 2
        b1 = b0 + 1
        pltpu.make_async_copy(g_spm.at[sidx.at[b0]], rows0, sem0).wait()
        pltpu.async_copy(g_spm.at[sidx.at[b1]], rows1, sem1)
        pltpu.sync_copy(rows0, acc_sh.at[didx.at[b0]], add=True)
        pltpu.make_async_copy(g_spm.at[sidx.at[b1]], rows1, sem1).wait()

        @pl.when(b1 + 1 < BLOCKS)
        def _():
            pltpu.async_copy(g_spm.at[sidx.at[b1 + 1]], rows0, sem0)

        pltpu.sync_copy(rows1, acc_sh.at[didx.at[b1]], add=True)
        return carry

    lax.fori_loop(0, BLOCKS // 2, body, 0)
    plsc.subcore_barrier()
    pltpu.sync_copy(acc_sh.at[pl.ds(r0, ROWS_PT)], out_hbm.at[c].at[pl.ds(r0, ROWS_PT)])


CH = 320
NCH = ROWS_PT // CH


@functools.partial(
    pl.kernel,
    out_type=[jax.ShapeDtypeStruct((NC, NP, D), jnp.float32),
              jax.ShapeDtypeStruct((NP, D), jnp.float32)],
    mesh=_MESH,
    scratch_types=[
        pltpu.VMEM_SHARED((NP, D), jnp.float32),
        pltpu.VMEM_SHARED((NP, D), jnp.float32),
        pltpu.VMEM((BLOCKS, B), jnp.int32),
        pltpu.VMEM((BLOCKS, B), jnp.int32),
        pltpu.VMEM((B, D), jnp.float32),
        pltpu.VMEM((B, D), jnp.float32),
        pltpu.VMEM((CH, D), jnp.float32),
        pltpu.VMEM((CH, D), jnp.float32),
        pltpu.VMEM((CH, D), jnp.float32),
        pltpu.VMEM((CH, 16), jnp.float32),
        pltpu.VMEM((8, D), jnp.float32),
        pltpu.SemaphoreType.DMA,
        pltpu.SemaphoreType.DMA,
        pltpu.SemaphoreType.DMA,
        pltpu.SemaphoreType.DMA,
    ],
    compiler_params=pltpu.CompilerParams(use_tc_tiling_on_sc=False),
)
def _sc_fused_last(a_hbm, g3_hbm, dinvb_hbm, b_hbm, src_hbm, dst_hbm, zeros_hbm,
                   out_hbm, g4_hbm, acc_sh, g_spm, sidx, didx, rows0, rows1,
                   a0c, a1c, gc, dvc, bc, sem0, sem1, sem2, sem3):
    c = lax.axis_index("c")
    s = lax.axis_index("s")
    r0 = s * ROWS_PT
    blk0 = (c * NS + s) * BLOCKS
    pltpu.async_copy(zeros_hbm.at[pl.ds(r0, ROWS_PT)], acc_sh.at[pl.ds(r0, ROWS_PT)], sem0)
    pltpu.async_copy(src_hbm.at[pl.ds(blk0, BLOCKS)], sidx, sem2)
    pltpu.async_copy(dst_hbm.at[pl.ds(blk0, BLOCKS)], didx, sem3)
    pltpu.sync_copy(b_hbm, bc)
    pltpu.make_async_copy(zeros_hbm.at[pl.ds(r0, ROWS_PT)], acc_sh.at[pl.ds(r0, ROWS_PT)], sem0).wait()
    pltpu.make_async_copy(src_hbm.at[pl.ds(blk0, BLOCKS)], sidx, sem2).wait()
    pltpu.make_async_copy(dst_hbm.at[pl.ds(blk0, BLOCKS)], didx, sem3).wait()
    blo = bc[0, pl.ds(0, 16)]
    bhi = bc[0, pl.ds(16, 16)]

    for ci in range(NCH):
        rc = r0 + ci * CH
        pltpu.async_copy(a_hbm.at[0].at[pl.ds(rc, CH)], a0c, sem0)
        pltpu.async_copy(a_hbm.at[1].at[pl.ds(rc, CH)], a1c, sem1)
        pltpu.async_copy(g3_hbm.at[pl.ds(rc, CH)], gc, sem2)
        pltpu.async_copy(dinvb_hbm.at[pl.ds(rc, CH)], dvc, sem3)
        pltpu.make_async_copy(a_hbm.at[0].at[pl.ds(rc, CH)], a0c, sem0).wait()
        pltpu.make_async_copy(a_hbm.at[1].at[pl.ds(rc, CH)], a1c, sem1).wait()
        pltpu.make_async_copy(g3_hbm.at[pl.ds(rc, CH)], gc, sem2).wait()
        pltpu.make_async_copy(dinvb_hbm.at[pl.ds(rc, CH)], dvc, sem3).wait()

        def row_body(r, carry):
            vd = dvc[r, :]
            lo = a0c[r, pl.ds(0, 16)] + a1c[r, pl.ds(0, 16)] + gc[r, pl.ds(0, 16)]
            hi = a0c[r, pl.ds(16, 16)] + a1c[r, pl.ds(16, 16)] + gc[r, pl.ds(16, 16)]
            a0c[r, pl.ds(0, 16)] = jnp.maximum(lo * vd + blo, 0.0) * vd
            a0c[r, pl.ds(16, 16)] = jnp.maximum(hi * vd + bhi, 0.0) * vd
            return carry

        lax.fori_loop(0, CH, row_body, 0)
        pltpu.sync_copy(a0c, g_spm.at[pl.ds(rc, CH)])

        @pl.when(c == 0)
        def _():
            pltpu.sync_copy(a0c, g4_hbm.at[pl.ds(rc, CH)])

    plsc.subcore_barrier()

    pltpu.async_copy(g_spm.at[sidx.at[0]], rows0, sem0)

    def body(j, carry):
        b0 = j * 2
        b1 = b0 + 1
        pltpu.make_async_copy(g_spm.at[sidx.at[b0]], rows0, sem0).wait()
        pltpu.async_copy(g_spm.at[sidx.at[b1]], rows1, sem1)
        pltpu.sync_copy(rows0, acc_sh.at[didx.at[b0]], add=True)
        pltpu.make_async_copy(g_spm.at[sidx.at[b1]], rows1, sem1).wait()

        @pl.when(b1 + 1 < BLOCKS)
        def _():
            pltpu.async_copy(g_spm.at[sidx.at[b1 + 1]], rows0, sem0)

        pltpu.sync_copy(rows1, acc_sh.at[didx.at[b1]], add=True)
        return carry

    lax.fori_loop(0, BLOCKS // 2, body, 0)
    plsc.subcore_barrier()
    pltpu.sync_copy(acc_sh.at[pl.ds(r0, ROWS_PT)], out_hbm.at[c].at[pl.ds(r0, ROWS_PT)])



def _tc_matmul1(x_ref, w1_ref, h_ref):
    h_ref[...] = jnp.dot(x_ref[...], w1_ref[...],
                         preferred_element_type=jnp.float32)


def _tc_head(degpt_ref, h_ref, dinv_ref, dinvb_ref, g1_ref):
    dp = degpt_ref[...]
    deg = dp[:, 0:1] + dp[:, 1:2] + 1.0
    dinv = lax.rsqrt(deg)
    dinv_ref[...] = dinv
    dinvb_ref[...] = jnp.broadcast_to(dinv, (NP, 16))
    g1_ref[...] = h_ref[...] * dinv


def _tc_mid(a0_ref, a1_ref, g_ref, dinv_ref, b_ref, w_ref, gn_ref):
    dinv = dinv_ref[...]
    agg = (a0_ref[...] + a1_ref[...] + g_ref[...]) * dinv + b_ref[...]
    out = jnp.maximum(agg, 0.0)
    gn_ref[...] = jnp.dot(out, w_ref[...], preferred_element_type=jnp.float32) * dinv


def _tc_tail(a0_ref, a1_ref, g_ref, dinv_ref, w4_ref, b4_ref, out_ref):
    a = (a0_ref[...] + a1_ref[...] + g_ref[...]) * dinv_ref[...]
    logits = jnp.dot(a, w4_ref[...], preferred_element_type=jnp.float32) + b4_ref[...]
    m = jnp.max(logits, axis=1, keepdims=True)
    z = logits - m
    out_ref[...] = z - jnp.log(jnp.sum(jnp.exp(z), axis=1, keepdims=True))


def _call(body, out_shapes, *args):
    return pl.pallas_call(
        body,
        out_shape=[jax.ShapeDtypeStruct(s, jnp.float32) for s in out_shapes],
    )(*args)



@jax.jit
def kernel(x, edge_index, W1, b1, W2, b2, W3, b3, W4, b4):
    src = edge_index[0].astype(jnp.int32)
    dst = edge_index[1].astype(jnp.int32)
    pad = EP - E
    src_p = jnp.concatenate([src, jnp.zeros((pad,), jnp.int32)])
    dst_p = jnp.concatenate([dst, jnp.full((pad,), TRASH, jnp.int32)])
    src2d = src_p.reshape(EP // B, B)
    dst2d = dst_p.reshape(EP // B, B)
    zeros1 = jnp.zeros((NP,), jnp.float32)
    zeros2 = jnp.zeros((NP, D), jnp.float32)

    degp = _sc_degree(dst_p.reshape(EP // BD, BD), zeros1)
    (h1,) = _call(_tc_matmul1, [(N_NODES, D)], x, W1)
    h1_p = jnp.pad(h1, ((0, NP - N_NODES), (0, 0)))
    dinv, dinvb, g = _call(_tc_head, [(NP, 1), (NP, 16), (NP, D)], degp.T, h1_p)

    for bk, wn in ((b1, W2), (b2, W3)):
        ap = _sc_aggregate(g, src2d, dst2d, zeros2)
        (g,) = _call(_tc_mid, [(NP, D)], ap[0], ap[1], g, dinv,
                     bk.reshape(1, D), wn)

    ap = _sc_aggregate(g, src2d, dst2d, zeros2)
    b3b = jnp.broadcast_to(b3.reshape(1, D), (8, D))
    ap4, g4 = _sc_fused_last(ap, g, dinvb, b3b, src2d, dst2d, zeros2)
    (out,) = _call(_tc_tail, [(NP, 2)], ap4[0], ap4[1], g4, dinv, W4,
                   b4.reshape(1, 2))
    return out[:N_NODES]

# --- scband reference (transcript-rebuilt; emitter-appended) ---
"""Pipeline reference for scband-gcn-28630251995713 (READ-ONLY COPY).

The authoritative reference and input builder live on the scoring server;
editing this copy changes nothing except your own understanding.
"""

import jax, jax.numpy as jnp
import numpy as np

N_NODES = 10000


def gcn_layer(x, src, dst, W, b):
    n = x.shape[0]
    loop = jnp.arange(n, dtype=src.dtype)
    s = jnp.concatenate([src, loop])
    d = jnp.concatenate([dst, loop])
    h = x @ W
    deg = jnp.zeros((n,), dtype=x.dtype).at[d].add(1.0)
    dinv = jnp.where(deg > 0, deg ** -0.5, 0.0)
    norm = dinv[s] * dinv[d]
    msg = h[s] * norm[:, None]
    out = jnp.zeros_like(h).at[d].add(msg)
    return out + b


def setup_inputs(seed: int = 0) -> dict:
    key = jax.random.key(seed)
    ks = jax.random.split(key, 10)
    x = jax.random.normal(ks[0], (N_NODES, 128), dtype=jnp.float32)
    edge_index = jax.random.randint(ks[1], (2, 320000), 0, N_NODES, dtype=jnp.int64)
    def glorot(k, shape):
        scale = (2.0 / (shape[0] + shape[1])) ** 0.5
        return jax.random.normal(k, shape, dtype=jnp.float32) * scale
    W1 = glorot(ks[2], (128, 32)); b1 = jnp.zeros((32,), jnp.float32)
    W2 = glorot(ks[3], (32, 32));  b2 = jnp.zeros((32,), jnp.float32)
    W3 = glorot(ks[4], (32, 32));  b3 = jnp.zeros((32,), jnp.float32)
    W4 = glorot(ks[5], (32, 2));   b4 = jnp.zeros((2,), jnp.float32)
    return {"x": x, "edge_index": edge_index,
            "W1": W1, "b1": b1, "W2": W2, "b2": b2,
            "W3": W3, "b3": b3, "W4": W4, "b4": b4}


def reference(x, edge_index, W1, b1, W2, b2, W3, b3, W4, b4):
    src = edge_index[0]
    dst = edge_index[1]
    h = gcn_layer(x, src, dst, W1, b1)
    h = jax.nn.relu(h)
    # dropout is identity in eval mode
    h = gcn_layer(h, src, dst, W2, b2)
    h = jax.nn.relu(h)
    h = gcn_layer(h, src, dst, W3, b3)
    h = jax.nn.relu(h)
    h = gcn_layer(h, src, dst, W4, b4)
    return jax.nn.log_softmax(h, axis=1)

if __name__ == "__main__":
    import jax
    _d = setup_inputs()
    print(jax.jit(kernel)(*tuple(_d.values())))

</pallas_src>

<mosaic_0001>
#map = affine_map<(d0, d1) -> (0, 0)>
#map1 = affine_map<(d0, d1) -> (0, 0, 0)>
module attributes {stable_mosaic.version = 14 : i64} {
  func.func @_sc_aggregate(%arg0: i32, %arg1: i32, %arg2: memref<10240x32xf32, #tpu.memory_space<hbm>>, %arg3: memref<1280x256xi32, #tpu.memory_space<hbm>>, %arg4: memref<1280x256xi32, #tpu.memory_space<hbm>>, %arg5: memref<10240x32xf32, #tpu.memory_space<hbm>>, %arg6: memref<2x10240x32xf32, #tpu.memory_space<hbm>>, %arg7: memref<10240x32xf32, #tpu.memory_space<vmem_shared>>, %arg8: memref<10240x32xf32, #tpu.memory_space<vmem_shared>>, %arg9: memref<40x256xi32, #tpu.memory_space<vmem>>, %arg10: memref<40x256xi32, #tpu.memory_space<vmem>>, %arg11: memref<256x32xf32, #tpu.memory_space<vmem>>, %arg12: memref<256x32xf32, #tpu.memory_space<vmem>>, %arg13: memref<!tpu.dma_semaphore, #tpu.memory_space<semaphore_mem>>, %arg14: memref<!tpu.dma_semaphore, #tpu.memory_space<semaphore_mem>>, %arg15: memref<!tpu.dma_semaphore, #tpu.memory_space<semaphore_mem>>, %arg16: memref<!tpu.dma_semaphore, #tpu.memory_space<semaphore_mem>>) attributes {dimension_semantics = [#tpu.dimension_semantics<core_parallel>, #tpu.dimension_semantics<subcore_parallel>], iteration_bounds = array<i64: 2, 16>, scalar_prefetch = 0 : i64, scratch_operands = 10 : i64, tpu.core_type = #tpu.core_type<sc_vector_subcore>, window_params = [{transform_indices = #map}, {transform_indices = #map}, {transform_indices = #map}, {transform_indices = #map}, {transform_indices = #map1}]} {
    %mul3A = arith.constant 640 : i32
    %mul3A_0 = arith.muli %arg1, %mul3A : i32
    %mul3A_1 = arith.constant 16 : i32
    %mul3A_2 = arith.muli %arg0, %mul3A_1 : i32
    %add3A = arith.addi %mul3A_2, %arg1 : i32
    %mul3A_3 = arith.constant 40 : i32
    %mul3A_4 = arith.muli %add3A, %mul3A_3 : i32
    %dma_start3A = arith.constant 0 : i32
    %dma_start3A_5 = tpu.memref_slice %arg7[%mul3A_0, %dma_start3A] : memref<10240x32xf32, #tpu.memory_space<vmem_shared>> -> memref<640x32xf32, #tpu.memory_space<vmem_shared>>
    %dma_start3A_6 = arith.constant 0 : i32
    %dma_start3A_7 = tpu.memref_slice %arg5[%mul3A_0, %dma_start3A_6] : memref<10240x32xf32, #tpu.memory_space<hbm>> -> memref<640x32xf32, #tpu.memory_space<hbm>>
    tpu.enqueue_dma source(%dma_start3A_7 : memref<640x32xf32, #tpu.memory_space<hbm>>) target(%dma_start3A_5 : memref<640x32xf32, #tpu.memory_space<vmem_shared>>) target_semaphore(%arg13 : memref<!tpu.dma_semaphore, #tpu.memory_space<semaphore_mem>>)
    %dma_start3A_8 = arith.constant 0 : i32
    %dma_start3A_9 = tpu.memref_slice %arg8[%mul3A_0, %dma_start3A_8] : memref<10240x32xf32, #tpu.memory_space<vmem_shared>> -> memref<640x32xf32, #tpu.memory_space<vmem_shared>>
    %dma_start3A_10 = arith.constant 0 : i32
    %dma_start3A_11 = tpu.memref_slice %arg2[%mul3A_0, %dma_start3A_10] : memref<10240x32xf32, #tpu.memory_space<hbm>> -> memref<640x32xf32, #tpu.memory_space<hbm>>
    tpu.enqueue_dma source(%dma_start3A_11 : memref<640x32xf32, #tpu.memory_space<hbm>>) target(%dma_start3A_9 : memref<640x32xf32, #tpu.memory_space<vmem_shared>>) target_semaphore(%arg14 : memref<!tpu.dma_semaphore, #tpu.memory_space<semaphore_mem>>)
    %dma_start3A_12 = arith.constant 0 : i32
    %dma_start3A_13 = tpu.memref_slice %arg3[%mul3A_4, %dma_start3A_12] : memref<1280x256xi32, #tpu.memory_space<hbm>> -> memref<40x256xi32, #tpu.memory_space<hbm>>
    %dma_start3A_14 = arith.constant 0 : i32
    %dma_start3A_15 = tpu.memref_slice %arg3[%mul3A_4, %dma_start3A_14] : memref<1280x256xi32, #tpu.memory_space<hbm>> -> memref<40x256xi32, #tpu.memory_space<hbm>>
    tpu.enqueue_dma source(%dma_start3A_15 : memref<40x256xi32, #tpu.memory_space<hbm>>) target(%arg9 : memref<40x256xi32, #tpu.memory_space<vmem>>) target_semaphore(%arg15 : memref<!tpu.dma_semaphore, #tpu.memory_space<semaphore_mem>>)
    %dma_start3A_16 = arith.constant 0 : i32
    %dma_start3A_17 = tpu.memref_slice %arg4[%mul3A_4, %dma_start3A_16] : memref<1280x256xi32, #tpu.memory_space<hbm>> -> memref<40x256xi32, #tpu.memory_space<hbm>>
    %dma_start3A_18 = arith.constant 0 : i32
    %dma_start3A_19 = tpu.memref_slice %arg4[%mul3A_4, %dma_start3A_18] : memref<1280x256xi32, #tpu.memory_space<hbm>> -> memref<40x256xi32, #tpu.memory_space<hbm>>
    tpu.enqueue_dma source(%dma_start3A_19 : memref<40x256xi32, #tpu.memory_space<hbm>>) target(%arg10 : memref<40x256xi32, #tpu.memory_space<vmem>>) target_semaphore(%arg16 : memref<!tpu.dma_semaphore, #tpu.memory_space<semaphore_mem>>)
    %dma_wait3A = arith.constant 0 : i32
    %dma_wait3A_20 = tpu.memref_slice %arg7[%mul3A_0, %dma_wait3A] : memref<10240x32xf32, #tpu.memory_space<vmem_shared>> -> memref<640x32xf32, #tpu.memory_space<vmem_shared>>
    %dma_wait3A_21 = arith.constant 0 : i32
    %dma_wait3A_22 = tpu.memref_slice %arg5[%mul3A_0, %dma_wait3A_21] : memref<10240x32xf32, #tpu.memory_space<hbm>> -> memref<640x32xf32, #tpu.memory_space<hbm>>
    tpu.wait_dma2 semaphore(%arg13 : memref<!tpu.dma_semaphore, #tpu.memory_space<semaphore_mem>>) src(%dma_wait3A_22 : memref<640x32xf32, #tpu.memory_space<hbm>>) dst(%dma_wait3A_20 : memref<640x32xf32, #tpu.memory_space<vmem_shared>>)
    %dma_wait3A_23 = arith.constant 0 : i32
    %dma_wait3A_24 = tpu.memref_slice %arg8[%mul3A_0, %dma_wait3A_23] : memref<10240x32xf32, #tpu.memory_space<vmem_shared>> -> memref<640x32xf32, #tpu.memory_space<vmem_shared>>
    %dma_wait3A_25 = arith.constant 0 : i32
    %dma_wait3A_26 = tpu.memref_slice %arg2[%mul3A_0, %dma_wait3A_25] : memref<10240x32xf32, #tpu.memory_space<hbm>> -> memref<640x32xf32, #tpu.memory_space<hbm>>
    tpu.wait_dma2 semaphore(%arg14 : memref<!tpu.dma_semaphore, #tpu.memory_space<semaphore_mem>>) src(%dma_wait3A_26 : memref<640x32xf32, #tpu.memory_space<hbm>>) dst(%dma_wait3A_24 : memref<640x32xf32, #tpu.memory_space<vmem_shared>>)
    %dma_wait3A_27 = arith.constant 0 : i32
    %dma_wait3A_28 = tpu.memref_slice %arg3[%mul3A_4, %dma_wait3A_27] : memref<1280x256xi32, #tpu.memory_space<hbm>> -> memref<40x256xi32, #tpu.memory_space<hbm>>
    %dma_wait3A_29 = arith.constant 0 : i32
    %dma_wait3A_30 = tpu.memref_slice %arg3[%mul3A_4, %dma_wait3A_29] : memref<1280x256xi32, #tpu.memory_space<hbm>> -> memref<40x256xi32, #tpu.memory_space<hbm>>
    tpu.wait_dma2 semaphore(%arg15 : memref<!tpu.dma_semaphore, #tpu.memory_space<semaphore_mem>>) src(%dma_wait3A_30 : memref<40x256xi32, #tpu.memory_space<hbm>>) dst(%arg9 : memref<40x256xi32, #tpu.memory_space<vmem>>)
    %dma_wait3A_31 = arith.constant 0 : i32
    %dma_wait3A_32 = tpu.memref_slice %arg4[%mul3A_4, %dma_wait3A_31] : memref<1280x256xi32, #tpu.memory_space<hbm>> -> memref<40x256xi32, #tpu.memory_space<hbm>>
    %dma_wait3A_33 = arith.constant 0 : i32
    %dma_wait3A_34 = tpu.memref_slice %arg4[%mul3A_4, %dma_wait3A_33] : memref<1280x256xi32, #tpu.memory_space<hbm>> -> memref<40x256xi32, #tpu.memory_space<hbm>>
    tpu.wait_dma2 semaphore(%arg16 : memref<!tpu.dma_semaphore, #tpu.memory_space<semaphore_mem>>) src(%dma_wait3A_34 : memref<40x256xi32, #tpu.memory_space<hbm>>) dst(%arg10 : memref<40x256xi32, #tpu.memory_space<vmem>>)
    %barrier3A = arith.constant 0 : index
    tpu.barrier barrier_id(%barrier3A)
    %dma_start3A_35 = arith.constant 0 : i32
    %dma_start3A_36 = arith.constant 0 : i32
    %dma_start3A_37 = tpu.memref_slice %arg9[%dma_start3A_35, %dma_start3A_36] : memref<40x256xi32, #tpu.memory_space<vmem>> -> memref<1x256xi32, #tpu.memory_space<vmem>>
    %dma_start3A_38 = tpu.memref_squeeze %dma_start3A_37 : memref<1x256xi32, #tpu.memory_space<vmem>> -> memref<256xi32, #tpu.memory_space<vmem>>
    %dma_start3A_39 = arith.constant 0 : i32
    %dma_start3A_40 = arith.constant 0 : i32
    %dma_start3A_41 = tpu.memref_slice %arg8[%dma_start3A_39, %dma_start3A_40] : memref<10240x32xf32, #tpu.memory_space<vmem_shared>> -> memref<10240x32xf32, #tpu.memory_space<vmem_shared>>
    tpu.enqueue_indirect_dma source(%dma_start3A_41 : memref<10240x32xf32, #tpu.memory_space<vmem_shared>>) target(%arg11 : memref<256x32xf32, #tpu.memory_space<vmem>>) offsets(%dma_start3A_38 : memref<256xi32, #tpu.memory_space<vmem>>) semaphore(%arg13 : memref<!tpu.dma_semaphore, #tpu.memory_space<semaphore_mem>>)
    %scan3A = arith.constant 0 : i32
    %scan3A_42 = arith.constant 0 : i32
    %scan3A_43 = arith.constant 20 : i32
    %scan3A_44 = arith.addi %scan3A_42, %scan3A_43 : i32
    %scan3A_45 = arith.constant 1 : i32
    scf.for %scan3A_48 = %scan3A_42 to %scan3A_44 step %scan3A_45  : i32 {
      %mul3A_49 = arith.constant 2 : i32
      %mul3A_50 = arith.muli %scan3A_48, %mul3A_49 : i32
      %add3A_51 = arith.constant 1 : i32
      %add3A_52 = arith.addi %mul3A_50, %add3A_51 : i32
      %dma_wait3A_53 = arith.constant 0 : i32
      %dma_wait3A_54 = tpu.memref_slice %arg9[%mul3A_50, %dma_wait3A_53] : memref<40x256xi32, #tpu.memory_space<vmem>> -> memref<1x256xi32, #tpu.memory_space<vmem>>
      %dma_wait3A_55 = tpu.memref_squeeze %dma_wait3A_54 : memref<1x256xi32, #tpu.memory_space<vmem>> -> memref<256xi32, #tpu.memory_space<vmem>>
      %dma_wait3A_56 = arith.constant 0 : i32
      %dma_wait3A_57 = arith.constant 0 : i32
      %dma_wait3A_58 = tpu.memref_slice %arg8[%dma_wait3A_56, %dma_wait3A_57] : memref<10240x32xf32, #tpu.memory_space<vmem_shared>> -> memref<10240x32xf32, #tpu.memory_space<vmem_shared>>
      tpu.wait_indirect_dma semaphore(%arg13 : memref<!tpu.dma_semaphore, #tpu.memory_space<semaphore_mem>>) src(%dma_wait3A_58 : memref<10240x32xf32, #tpu.memory_space<vmem_shared>>) dst(%arg11 : memref<256x32xf32, #tpu.memory_space<vmem>>)
      %dma_start3A_59 = arith.constant 0 : i32
      %dma_start3A_60 = tpu.memref_slice %arg9[%add3A_52, %dma_start3A_59] : memref<40x256xi32, #tpu.memory_space<vmem>> -> memref<1x256xi32, #tpu.memory_space<vmem>>
      %dma_start3A_61 = tpu.memref_squeeze %dma_start3A_60 : memref<1x256xi32, #tpu.memory_space<vmem>> -> memref<256xi32, #tpu.memory_space<vmem>>
      %dma_start3A_62 = arith.constant 0 : i32
      %dma_start3A_63 = arith.constant 0 : i32
      %dma_start3A_64 = tpu.memref_slice %arg8[%dma_start3A_62, %dma_start3A_63] : memref<10240x32xf32, #tpu.memory_space<vmem_shared>> -> memref<10240x32xf32, #tpu.memory_space<vmem_shared>>
      tpu.enqueue_indirect_dma source(%dma_start3A_64 : memref<10240x32xf32, #tpu.memory_space<vmem_shared>>) target(%arg12 : memref<256x32xf32, #tpu.memory_space<vmem>>) offsets(%dma_start3A_61 : memref<256xi32, #tpu.memory_space<vmem>>) semaphore(%arg14 : memref<!tpu.dma_semaphore, #tpu.memory_space<semaphore_mem>>)
      "tpu.region"() ({
        %run_scoped3A = tpu.sem_alloc : memref<!tpu.dma_semaphore, #tpu.memory_space<semaphore_mem>>
        %dma_start3A_75 = arith.constant 0 : i32
        %dma_start3A_76 = tpu.memref_slice %arg10[%mul3A_50, %dma_start3A_75] : memref<40x256xi32, #tpu.memory_space<vmem>> -> memref<1x256xi32, #tpu.memory_space<vmem>>
        %dma_start3A_77 = tpu.memref_squeeze %dma_start3A_76 : memref<1x256xi32, #tpu.memory_space<vmem>> -> memref<256xi32, #tpu.memory_space<vmem>>
        %dma_start3A_78 = arith.constant 0 : i32
        %dma_start3A_79 = arith.constant 0 : i32
        %dma_start3A_80 = tpu.memref_slice %arg7[%dma_start3A_78, %dma_start3A_79] : memref<10240x32xf32, #tpu.memory_space<vmem_shared>> -> memref<10240x32xf32, #tpu.memory_space<vmem_shared>>
        tpu.enqueue_indirect_dma source(%arg11 : memref<256x32xf32, #tpu.memory_space<vmem>>) target(%dma_start3A_80 : memref<10240x32xf32, #tpu.memory_space<vmem_shared>>) offsets(%dma_start3A_77 : memref<256xi32, #tpu.memory_space<vmem>>) semaphore(%run_scoped3A : memref<!tpu.dma_semaphore, #tpu.memory_space<semaphore_mem>>) {add = true}
        %dma_wait3A_81 = arith.constant 0 : i32
        %dma_wait3A_82 = tpu.memref_slice %arg10[%mul3A_50, %dma_wait3A_81] : memref<40x256xi32, #tpu.memory_space<vmem>> -> memref<1x256xi32, #tpu.memory_space<vmem>>
        %dma_wait3A_83 = tpu.memref_squeeze %dma_wait3A_82 : memref<1x256xi32, #tpu.memory_space<vmem>> -> memref<256xi32, #tpu.memory_space<vmem>>
        %dma_wait3A_84 = arith.constant 0 : i32
        %dma_wait3A_85 = arith.constant 0 : i32
        %dma_wait3A_86 = tpu.memref_slice %arg7[%dma_wait3A_84, %dma_wait3A_85] : memref<10240x32xf32, #tpu.memory_space<vmem_shared>> -> memref<10240x32xf32, #tpu.memory_space<vmem_shared>>
        tpu.wait_indirect_dma semaphore(%run_scoped3A : memref<!tpu.dma_semaphore, #tpu.memory_space<semaphore_mem>>) src(%arg11 : memref<256x32xf32, #tpu.memory_space<vmem>>) dst(%dma_wait3A_86 : memref<10240x32xf32, #tpu.memory_space<vmem_shared>>)
        tpu.yield
      }) : () -> ()
      %dma_wait3A_65 = arith.constant 0 : i32
      %dma_wait3A_66 = tpu.memref_slice %arg9[%add3A_52, %dma_wait3A_65] : memref<40x256xi32, #tpu.memory_space<vmem>> -> memref<1x256xi32, #tpu.memory_space<vmem>>
      %dma_wait3A_67 = tpu.memref_squeeze %dma_wait3A_66 : memref<1x256xi32, #tpu.memory_space<vmem>> -> memref<256xi32, #tpu.memory_space<vmem>>
      %dma_wait3A_68 = arith.constant 0 : i32
      %dma_wait3A_69 = arith.constant 0 : i32
      %dma_wait3A_70 = tpu.memref_slice %arg8[%dma_wait3A_68, %dma_wait3A_69] : memref<10240x32xf32, #tpu.memory_space<vmem_shared>> -> memref<10240x32xf32, #tpu.memory_space<vmem_shared>>
      tpu.wait_indirect_dma semaphore(%arg14 : memref<!tpu.dma_semaphore, #tpu.memory_space<semaphore_mem>>) src(%dma_wait3A_70 : memref<10240x32xf32, #tpu.memory_space<vmem_shared>>) dst(%arg12 : memref<256x32xf32, #tpu.memory_space<vmem>>)
      %add3A_71 = arith.constant 1 : i32
      %add3A_72 = arith.addi %add3A_52, %add3A_71 : i32
      %lt3A = arith.constant 40 : i32
      %lt3A_73 = arith.cmpi slt, %add3A_72, %lt3A : i32
      %convert_element_type3A = arith.extui %lt3A_73 : i1 to i32
      %cond3A = arith.constant 0 : i32
      %cond3A_74 = arith.cmpi ne, %convert_element_type3A, %cond3A : i32
      scf.if %cond3A_74 {
        %add3A_75 = arith.constant 1 : i32
        %add3A_76 = arith.addi %add3A_52, %add3A_75 : i32
        %dma_start3A_77 = arith.constant 0 : i32
        %dma_start3A_78 = tpu.memref_slice %arg9[%add3A_76, %dma_start3A_77] : memref<40x256xi32, #tpu.memory_space<vmem>> -> memref<1x256xi32, #tpu.memory_space<vmem>>
        %dma_start3A_79 = tpu.memref_squeeze %dma_start3A_78 : memref<1x256xi32, #tpu.memory_space<vmem>> -> memref<256xi32, #tpu.memory_space<vmem>>
        %dma_start3A_80 = arith.constant 0 : i32
        %dma_start3A_81 = arith.constant 0 : i32
        %dma_start3A_82 = tpu.memref_slice %arg8[%dma_start3A_80, %dma_start3A_81] : memref<10240x32xf32, #tpu.memory_space<vmem_shared>> -> memref<10240x32xf32, #tpu.memory_space<vmem_shared>>
        tpu.enqueue_indirect_dma source(%dma_start3A_82 : memref<10240x32xf32, #tpu.memory_space<vmem_shared>>) target(%arg11 : memref<256x32xf32, #tpu.memory_space<vmem>>) offsets(%dma_start3A_79 : memref<256xi32, #tpu.memory_space<vmem>>) semaphore(%arg13 : memref<!tpu.dma_semaphore, #tpu.memory_space<semaphore_mem>>)
      } else {
      }
      "tpu.region"() ({
        %run_scoped3A = tpu.sem_alloc : memref<!tpu.dma_semaphore, #tpu.memory_space<semaphore_mem>>
        %dma_start3A_75 = arith.constant 0 : i32
        %dma_start3A_76 = tpu.memref_slice %arg10[%add3A_52, %dma_start3A_75] : memref<40x256xi32, #tpu.memory_space<vmem>> -> memref<1x256xi32, #tpu.memory_space<vmem>>
        %dma_start3A_77 = tpu.memref_squeeze %dma_start3A_76 : memref<1x256xi32, #tpu.memory_space<vmem>> -> memref<256xi32, #tpu.memory_space<vmem>>
        %dma_start3A_78 = arith.constant 0 : i32
        %dma_start3A_79 = arith.constant 0 : i32
        %dma_start3A_80 = tpu.memref_slice %arg7[%dma_start3A_78, %dma_start3A_79] : memref<10240x32xf32, #tpu.memory_space<vmem_shared>> -> memref<10240x32xf32, #tpu.memory_space<vmem_shared>>
        tpu.enqueue_indirect_dma source(%arg12 : memref<256x32xf32, #tpu.memory_space<vmem>>) target(%dma_start3A_80 : memref<10240x32xf32, #tpu.memory_space<vmem_shared>>) offsets(%dma_start3A_77 : memref<256xi32, #tpu.memory_space<vmem>>) semaphore(%run_scoped3A : memref<!tpu.dma_semaphore, #tpu.memory_space<semaphore_mem>>) {add = true}
        %dma_wait3A_81 = arith.constant 0 : i32
        %dma_wait3A_82 = tpu.memref_slice %arg10[%add3A_52, %dma_wait3A_81] : memref<40x256xi32, #tpu.memory_space<vmem>> -> memref<1x256xi32, #tpu.memory_space<vmem>>
        %dma_wait3A_83 = tpu.memref_squeeze %dma_wait3A_82 : memref<1x256xi32, #tpu.memory_space<vmem>> -> memref<256xi32, #tpu.memory_space<vmem>>
        %dma_wait3A_84 = arith.constant 0 : i32
        %dma_wait3A_85 = arith.constant 0 : i32
        %dma_wait3A_86 = tpu.memref_slice %arg7[%dma_wait3A_84, %dma_wait3A_85] : memref<10240x32xf32, #tpu.memory_space<vmem_shared>> -> memref<10240x32xf32, #tpu.memory_space<vmem_shared>>
        tpu.wait_indirect_dma semaphore(%run_scoped3A : memref<!tpu.dma_semaphore, #tpu.memory_space<semaphore_mem>>) src(%arg12 : memref<256x32xf32, #tpu.memory_space<vmem>>) dst(%dma_wait3A_86 : memref<10240x32xf32, #tpu.memory_space<vmem_shared>>)
        tpu.yield
      }) : () -> ()
    }
    %scan3A_46 = arith.constant 20 : i32
    %barrier3A_47 = arith.constant 0 : index
    tpu.barrier barrier_id(%barrier3A_47)
    "tpu.region"() ({
      %run_scoped3A = tpu.sem_alloc : memref<!tpu.dma_semaphore, #tpu.memory_space<semaphore_mem>>
      %dma_start3A_48 = arith.constant 0 : i32
      %dma_start3A_49 = arith.constant 0 : i32
      %dma_start3A_50 = tpu.memref_slice %arg6[%arg0, %dma_start3A_48, %dma_start3A_49] : memref<2x10240x32xf32, #tpu.memory_space<hbm>> -> memref<1x10240x32xf32, #tpu.memory_space<hbm>>
      %dma_start3A_51 = tpu.memref_squeeze %dma_start3A_50 : memref<1x10240x32xf32, #tpu.memory_space<hbm>> -> memref<10240x32xf32, #tpu.memory_space<hbm>>
      %dma_start3A_52 = arith.constant 0 : i32
      %dma_start3A_53 = tpu.memref_slice %dma_start3A_51[%mul3A_0, %dma_start3A_52] : memref<10240x32xf32, #tpu.memory_space<hbm>> -> memref<640x32xf32, #tpu.memory_space<hbm>>
      %dma_start3A_54 = arith.constant 0 : i32
      %dma_start3A_55 = tpu.memref_slice %arg7[%mul3A_0, %dma_start3A_54] : memref<10240x32xf32, #tpu.memory_space<vmem_shared>> -> memref<640x32xf32, #tpu.memory_space<vmem_shared>>
      tpu.enqueue_dma source(%dma_start3A_55 : memref<640x32xf32, #tpu.memory_space<vmem_shared>>) target(%dma_start3A_53 : memref<640x32xf32, #tpu.memory_space<hbm>>) target_semaphore(%run_scoped3A : memref<!tpu.dma_semaphore, #tpu.memory_space<semaphore_mem>>)
      %dma_wait3A_56 = arith.constant 0 : i32
      %dma_wait3A_57 = arith.constant 0 : i32
      %dma_wait3A_58 = tpu.memref_slice %arg6[%arg0, %dma_wait3A_56, %dma_wait3A_57] : memref<2x10240x32xf32, #tpu.memory_space<hbm>> -> memref<1x10240x32xf32, #tpu.memory_space<hbm>>
      %dma_wait3A_59 = tpu.memref_squeeze %dma_wait3A_58 : memref<1x10240x32xf32, #tpu.memory_space<hbm>> -> memref<10240x32xf32, #tpu.memory_space<hbm>>
      %dma_wait3A_60 = arith.constant 0 : i32
      %dma_wait3A_61 = tpu.memref_slice %dma_wait3A_59[%mul3A_0, %dma_wait3A_60] : memref<10240x32xf32, #tpu.memory_space<hbm>> -> memref<640x32xf32, #tpu.memory_space<hbm>>
      %dma_wait3A_62 = arith.constant 0 : i32
      %dma_wait3A_63 = tpu.memref_slice %arg7[%mul3A_0, %dma_wait3A_62] : memref<10240x32xf32, #tpu.memory_space<vmem_shared>> -> memref<640x32xf32, #tpu.memory_space<vmem_shared>>
      tpu.wait_dma2 semaphore(%run_scoped3A : memref<!tpu.dma_semaphore, #tpu.memory_space<semaphore_mem>>) src(%dma_wait3A_63 : memref<640x32xf32, #tpu.memory_space<vmem_shared>>) dst(%dma_wait3A_61 : memref<640x32xf32, #tpu.memory_space<hbm>>)
      tpu.yield
    }) : () -> ()
    return
  }
}

#map = affine_map<(d0, d1) -> (0, 0)>
#map1 = affine_map<(d0, d1) -> (0)>
module attributes {stable_mosaic.version = 14 : i64} {
  func.func @_sc_degree(%arg0: i32, %arg1: i32, %arg2: memref<2560x128xi32, #tpu.memory_space<hbm>>, %arg3: memref<10240xf32, #tpu.memory_space<hbm>>, %arg4: memref<2x10240xf32, #tpu.memory_space<hbm>>, %arg5: memref<10240xf32, #tpu.memory_space<vmem_shared>>, %arg6: memref<80x128xi32, #tpu.memory_space<vmem>>, %arg7: memref<128xf32, #tpu.memory_space<vmem>>, %arg8: memref<!tpu.dma_semaphore, #tpu.memory_space<semaphore_mem>>, %arg9: memref<!tpu.dma_semaphore, #tpu.memory_space<semaphore_mem>>) attributes {dimension_semantics = [#tpu.dimension_semantics<core_parallel>, #tpu.dimension_semantics<subcore_parallel>], iteration_bounds = array<i64: 2, 16>, scalar_prefetch = 0 : i64, scratch_operands = 5 : i64, tpu.core_type = #tpu.core_type<sc_vector_subcore>, window_params = [{transform_indices = #map}, {transform_indices = #map1}, {transform_indices = #map}]} {
    %mul3A = arith.constant 640 : i32
    %mul3A_0 = arith.muli %arg1, %mul3A : i32
    %mul3A_1 = arith.constant 16 : i32
    %mul3A_2 = arith.muli %arg0, %mul3A_1 : i32
    %add3A = arith.addi %mul3A_2, %arg1 : i32
    %mul3A_3 = arith.constant 80 : i32
    %mul3A_4 = arith.muli %add3A, %mul3A_3 : i32
    %dma_start3A = tpu.memref_slice %arg5[%mul3A_0] : memref<10240xf32, #tpu.memory_space<vmem_shared>> -> memref<640xf32, #tpu.memory_space<vmem_shared>>
    %dma_start3A_5 = tpu.memref_slice %arg3[%mul3A_0] : memref<10240xf32, #tpu.memory_space<hbm>> -> memref<640xf32, #tpu.memory_space<hbm>>
    tpu.enqueue_dma source(%dma_start3A_5 : memref<640xf32, #tpu.memory_space<hbm>>) target(%dma_start3A : memref<640xf32, #tpu.memory_space<vmem_shared>>) target_semaphore(%arg8 : memref<!tpu.dma_semaphore, #tpu.memory_space<semaphore_mem>>)
    %dma_start3A_6 = arith.constant 0 : i32
    %dma_start3A_7 = tpu.memref_slice %arg2[%mul3A_4, %dma_start3A_6] : memref<2560x128xi32, #tpu.memory_space<hbm>> -> memref<80x128xi32, #tpu.memory_space<hbm>>
    %dma_start3A_8 = arith.constant 0 : i32
    %dma_start3A_9 = tpu.memref_slice %arg2[%mul3A_4, %dma_start3A_8] : memref<2560x128xi32, #tpu.memory_space<hbm>> -> memref<80x128xi32, #tpu.memory_space<hbm>>
    tpu.enqueue_dma source(%dma_start3A_9 : memref<80x128xi32, #tpu.memory_space<hbm>>) target(%arg6 : memref<80x128xi32, #tpu.memory_space<vmem>>) target_semaphore(%arg9 : memref<!tpu.dma_semaphore, #tpu.memory_space<semaphore_mem>>)
    %broadcast_in_dim3A = arith.constant 1.000000e+00 : f32
    %broadcast_in_dim3A_10 = vector.broadcast %broadcast_in_dim3A : f32 to vector<16xf32>
    %swap3A = arith.constant 0 : index
    %swap3A_11 = tpu.vector_load %arg7[%swap3A] {strides = array<i32>} : memref<128xf32, #tpu.memory_space<vmem>>, vector<16xf32>,
    %swap3A_12 = vector.shape_cast %swap3A_11 : vector<16xf32> to vector<16xf32>
    %swap3A_13 = vector.shape_cast %broadcast_in_dim3A_10 : vector<16xf32> to vector<16xf32>
    tpu.vector_store %arg7[%swap3A], %swap3A_13 {strides = array<i32>} : memref<128xf32, #tpu.memory_space<vmem>>, vector<16xf32>,
    %broadcast_in_dim3A_14 = arith.constant 1.000000e+00 : f32
    %broadcast_in_dim3A_15 = vector.broadcast %broadcast_in_dim3A_14 : f32 to vector<16xf32>
    %swap3A_16 = arith.constant 16 : index
    %swap3A_17 = tpu.vector_load %arg7[%swap3A_16] {strides = array<i32>} : memref<128xf32, #tpu.memory_space<vmem>>, vector<16xf32>,
    %swap3A_18 = vector.shape_cast %swap3A_17 : vector<16xf32> to vector<16xf32>
    %swap3A_19 = vector.shape_cast %broadcast_in_dim3A_15 : vector<16xf32> to vector<16xf32>
    tpu.vector_store %arg7[%swap3A_16], %swap3A_19 {strides = array<i32>} : memref<128xf32, #tpu.memory_space<vmem>>, vector<16xf32>,
    %broadcast_in_dim3A_20 = arith.constant 1.000000e+00 : f32
    %broadcast_in_dim3A_21 = vector.broadcast %broadcast_in_dim3A_20 : f32 to vector<16xf32>
    %swap3A_22 = arith.constant 32 : index
    %swap3A_23 = tpu.vector_load %arg7[%swap3A_22] {strides = array<i32>} : memref<128xf32, #tpu.memory_space<vmem>>, vector<16xf32>,
    %swap3A_24 = vector.shape_cast %swap3A_23 : vector<16xf32> to vector<16xf32>
    %swap3A_25 = vector.shape_cast %broadcast_in_dim3A_21 : vector<16xf32> to vector<16xf32>
    tpu.vector_store %arg7[%swap3A_22], %swap3A_25 {strides = array<i32>} : memref<128xf32, #tpu.memory_space<vmem>>, vector<16xf32>,
    %broadcast_in_dim3A_26 = arith.constant 1.000000e+00 : f32
    %broadcast_in_dim3A_27 = vector.broadcast %broadcast_in_dim3A_26 : f32 to vector<16xf32>
    %swap3A_28 = arith.constant 48 : index
    %swap3A_29 = tpu.vector_load %arg7[%swap3A_28] {strides = array<i32>} : memref<128xf32, #tpu.memory_space<vmem>>, vector<16xf32>,
    %swap3A_30 = vector.shape_cast %swap3A_29 : vector<16xf32> to vector<16xf32>
    %swap3A_31 = vector.shape_cast %broadcast_in_dim3A_27 : vector<16xf32> to vector<16xf32>
    tpu.vector_store %arg7[%swap3A_28], %swap3A_31 {strides = array<i32>} : memref<128xf32, #tpu.memory_space<vmem>>, vector<16xf32>,
    %broadcast_in_dim3A_32 = arith.constant 1.000000e+00 : f32
    %broadcast_in_dim3A_33 = vector.broadcast %broadcast_in_dim3A_32 : f32 to vector<16xf32>
    %swap3A_34 = arith.constant 64 : index
    %swap3A_35 = tpu.vector_load %arg7[%swap3A_34] {strides = array<i32>} : memref<128xf32, #tpu.memory_space<vmem>>, vector<16xf32>,
    %swap3A_36 = vector.shape_cast %swap3A_35 : vector<16xf32> to vector<16xf32>
    %swap3A_37 = vector.shape_cast %broadcast_in_dim3A_33 : vector<16xf32> to vector<16xf32>
    tpu.vector_store %arg7[%swap3A_34], %swap3A_37 {strides = array<i32>} : memref<128xf32, #tpu.memory_space<vmem>>, vector<16xf32>,
    %broadcast_in_dim3A_38 = arith.constant 1.000000e+00 : f32
    %broadcast_in_dim3A_39 = vector.broadcast %broadcast_in_dim3A_38 : f32 to vector<16xf32>
    %swap3A_40 = arith.constant 80 : index
    %swap3A_41 = tpu.vector_load %arg7[%swap3A_40] {strides = array<i32>} : memref<128xf32, #tpu.memory_space<vmem>>, vector<16xf32>,
    %swap3A_42 = vector.shape_cast %swap3A_41 : vector<16xf32> to vector<16xf32>
    %swap3A_43 = vector.shape_cast %broadcast_in_dim3A_39 : vector<16xf32> to vector<16xf32>
    tpu.vector_store %arg7[%swap3A_40], %swap3A_43 {strides = array<i32>} : memref<128xf32, #tpu.memory_space<vmem>>, vector<16xf32>,
    %broadcast_in_dim3A_44 = arith.constant 1.000000e+00 : f32
    %broadcast_in_dim3A_45 = vector.broadcast %broadcast_in_dim3A_44 : f32 to vector<16xf32>
    %swap3A_46 = arith.constant 96 : index
    %swap3A_47 = tpu.vector_load %arg7[%swap3A_46] {strides = array<i32>} : memref<128xf32, #tpu.memory_space<vmem>>, vector<16xf32>,
    %swap3A_48 = vector.shape_cast %swap3A_47 : vector<16xf32> to vector<16xf32>
    %swap3A_49 = vector.shape_cast %broadcast_in_dim3A_45 : vector<16xf32> to vector<16xf32>
    tpu.vector_store %arg7[%swap3A_46], %swap3A_49 {strides = array<i32>} : memref<128xf32, #tpu.memory_space<vmem>>, vector<16xf32>,
    %broadcast_in_dim3A_50 = arith.constant 1.000000e+00 : f32
    %broadcast_in_dim3A_51 = vector.broadcast %broadcast_in_dim3A_50 : f32 to vector<16xf32>
    %swap3A_52 = arith.constant 112 : index
    %swap3A_53 = tpu.vector_load %arg7[%swap3A_52] {strides = array<i32>} : memref<128xf32, #tpu.memory_space<vmem>>, vector<16xf32>,
    %swap3A_54 = vector.shape_cast %swap3A_53 : vector<16xf32> to vector<16xf32>
    %swap3A_55 = vector.shape_cast %broadcast_in_dim3A_51 : vector<16xf32> to vector<16xf32>
    tpu.vector_store %arg7[%swap3A_52], %swap3A_55 {strides = array<i32>} : memref<128xf32, #tpu.memory_space<vmem>>, vector<16xf32>,
    %dma_wait3A = tpu.memref_slice %arg5[%mul3A_0] : memref<10240xf32, #tpu.memory_space<vmem_shared>> -> memref<640xf32, #tpu.memory_space<vmem_shared>>
    %dma_wait3A_56 = tpu.memref_slice %arg3[%mul3A_0] : memref<10240xf32, #tpu.memory_space<hbm>> -> memref<640xf32, #tpu.memory_space<hbm>>
    tpu.wait_dma2 semaphore(%arg8 : memref<!tpu.dma_semaphore, #tpu.memory_space<semaphore_mem>>) src(%dma_wait3A_56 : memref<640xf32, #tpu.memory_space<hbm>>) dst(%dma_wait3A : memref<640xf32, #tpu.memory_space<vmem_shared>>)
    %dma_wait3A_57 = arith.constant 0 : i32
    %dma_wait3A_58 = tpu.memref_slice %arg2[%mul3A_4, %dma_wait3A_57] : memref<2560x128xi32, #tpu.memory_space<hbm>> -> memref<80x128xi32, #tpu.memory_space<hbm>>
    %dma_wait3A_59 = arith.constant 0 : i32
    %dma_wait3A_60 = tpu.memref_slice %arg2[%mul3A_4, %dma_wait3A_59] : memref<2560x128xi32, #tpu.memory_space<hbm>> -> memref<80x128xi32, #tpu.memory_space<hbm>>
    tpu.wait_dma2 semaphore(%arg9 : memref<!tpu.dma_semaphore, #tpu.memory_space<semaphore_mem>>) src(%dma_wait3A_60 : memref<80x128xi32, #tpu.memory_space<hbm>>) dst(%arg6 : memref<80x128xi32, #tpu.memory_space<vmem>>)
    %barrier3A = arith.constant 0 : index
    tpu.barrier barrier_id(%barrier3A)
    %scan3A = arith.constant 0 : i32
    %scan3A_61 = arith.constant 0 : i32
    %scan3A_62 = arith.constant 80 : i32
    %scan3A_63 = arith.addi %scan3A_61, %scan3A_62 : i32
    %scan3A_64 = arith.constant 1 : i32
    scf.for %scan3A_67 = %scan3A_61 to %scan3A_63 step %scan3A_64  : i32 {
      "tpu.region"() ({
        %run_scoped3A = tpu.sem_alloc : memref<!tpu.dma_semaphore, #tpu.memory_space<semaphore_mem>>
        %dma_start3A_68 = arith.constant 0 : i32
        %dma_start3A_69 = tpu.memref_slice %arg6[%scan3A_67, %dma_start3A_68] : memref<80x128xi32, #tpu.memory_space<vmem>> -> memref<1x128xi32, #tpu.memory_space<vmem>>
        %dma_start3A_70 = tpu.memref_squeeze %dma_start3A_69 : memref<1x128xi32, #tpu.memory_space<vmem>> -> memref<128xi32, #tpu.memory_space<vmem>>
        %dma_start3A_71 = arith.constant 0 : i32
        %dma_start3A_72 = tpu.memref_slice %arg5[%dma_start3A_71] : memref<10240xf32, #tpu.memory_space<vmem_shared>> -> memref<10240xf32, #tpu.memory_space<vmem_shared>>
        tpu.enqueue_indirect_dma source(%arg7 : memref<128xf32, #tpu.memory_space<vmem>>) target(%dma_start3A_72 : memref<10240xf32, #tpu.memory_space<vmem_shared>>) offsets(%dma_start3A_70 : memref<128xi32, #tpu.memory_space<vmem>>) semaphore(%run_scoped3A : memref<!tpu.dma_semaphore, #tpu.memory_space<semaphore_mem>>) {add = true}
        %dma_wait3A_73 = arith.constant 0 : i32
        %dma_wait3A_74 = tpu.memref_slice %arg6[%scan3A_67, %dma_wait3A_73] : memref<80x128xi32, #tpu.memory_space<vmem>> -> memref<1x128xi32, #tpu.memory_space<vmem>>
        %dma_wait3A_75 = tpu.memref_squeeze %dma_wait3A_74 : memref<1x128xi32, #tpu.memory_space<vmem>> -> memref<128xi32, #tpu.memory_space<vmem>>
        %dma_wait3A_76 = arith.constant 0 : i32
        %dma_wait3A_77 = tpu.memref_slice %arg5[%dma_wait3A_76] : memref<10240xf32, #tpu.memory_space<vmem_shared>> -> memref<10240xf32, #tpu.memory_space<vmem_shared>>
        tpu.wait_indirect_dma semaphore(%run_scoped3A : memref<!tpu.dma_semaphore, #tpu.memory_space<semaphore_mem>>) src(%arg7 : memref<128xf32, #tpu.memory_space<vmem>>) dst(%dma_wait3A_77 : memref<10240xf32, #tpu.memory_space<vmem_shared>>)
        tpu.yield
      }) : () -> ()
    }
    %scan3A_65 = arith.constant 80 : i32
    %barrier3A_66 = arith.constant 0 : index
    tpu.barrier barrier_id(%barrier3A_66)
    "tpu.region"() ({
      %run_scoped3A = tpu.sem_alloc : memref<!tpu.dma_semaphore, #tpu.memory_space<semaphore_mem>>
      %dma_start3A_67 = arith.constant 0 : i32
      %dma_start3A_68 = tpu.memref_slice %arg4[%arg0, %dma_start3A_67] : memref<2x10240xf32, #tpu.memory_space<hbm>> -> memref<1x10240xf32, #tpu.memory_space<hbm>>
      %dma_start3A_69 = tpu.memref_squeeze %dma_start3A_68 : memref<1x10240xf32, #tpu.memory_space<hbm>> -> memref<10240xf32, #tpu.memory_space<hbm>>
      %dma_start3A_70 = tpu.memref_slice %dma_start3A_69[%mul3A_0] : memref<10240xf32, #tpu.memory_space<hbm>> -> memref<640xf32, #tpu.memory_space<hbm>>
      %dma_start3A_71 = tpu.memref_slice %arg5[%mul3A_0] : memref<10240xf32, #tpu.memory_space<vmem_shared>> -> memref<640xf32, #tpu.memory_space<vmem_shared>>
      tpu.enqueue_dma source(%dma_start3A_71 : memref<640xf32, #tpu.memory_space<vmem_shared>>) target(%dma_start3A_70 : memref<640xf32, #tpu.memory_space<hbm>>) target_semaphore(%run_scoped3A : memref<!tpu.dma_semaphore, #tpu.memory_space<semaphore_mem>>)
      %dma_wait3A_72 = arith.constant 0 : i32
      %dma_wait3A_73 = tpu.memref_slice %arg4[%arg0, %dma_wait3A_72] : memref<2x10240xf32, #tpu.memory_space<hbm>> -> memref<1x10240xf32, #tpu.memory_space<hbm>>
      %dma_wait3A_74 = tpu.memref_squeeze %dma_wait3A_73 : memref<1x10240xf32, #tpu.memory_space<hbm>> -> memref<10240xf32, #tpu.memory_space<hbm>>
      %dma_wait3A_75 = tpu.memref_slice %dma_wait3A_74[%mul3A_0] : memref<10240xf32, #tpu.memory_space<hbm>> -> memref<640xf32, #tpu.memory_space<hbm>>
      %dma_wait3A_76 = tpu.memref_slice %arg5[%mul3A_0] : memref<10240xf32, #tpu.memory_space<vmem_shared>> -> memref<640xf32, #tpu.memory_space<vmem_shared>>
      tpu.wait_dma2 semaphore(%run_scoped3A : memref<!tpu.dma_semaphore, #tpu.memory_space<semaphore_mem>>) src(%dma_wait3A_76 : memref<640xf32, #tpu.memory_space<vmem_shared>>) dst(%dma_wait3A_75 : memref<640xf32, #tpu.memory_space<hbm>>)
      tpu.yield
    }) : () -> ()
    return
  }
}

#map = affine_map<(d0, d1) -> (0, 0)>
#map1 = affine_map<(d0, d1) -> (0, 0, 0)>
module attributes {stable_mosaic.version = 14 : i64} {
  func.func @_sc_aggregate(%arg0: i32, %arg1: i32, %arg2: memref<10240x32xf32, #tpu.memory_space<hbm>>, %arg3: memref<1280x256xi32, #tpu.memory_space<hbm>>, %arg4: memref<1280x256xi32, #tpu.memory_space<hbm>>, %arg5: memref<10240x32xf32, #tpu.memory_space<hbm>>, %arg6: memref<2x10240x32xf32, #tpu.memory_space<hbm>>, %arg7: memref<10240x32xf32, #tpu.memory_space<vmem_shared>>, %arg8: memref<10240x32xf32, #tpu.memory_space<vmem_shared>>, %arg9: memref<40x256xi32, #tpu.memory_space<vmem>>, %arg10: memref<40x256xi32, #tpu.memory_space<vmem>>, %arg11: memref<256x32xf32, #tpu.memory_space<vmem>>, %arg12: memref<256x32xf32, #tpu.memory_space<vmem>>, %arg13: memref<!tpu.dma_semaphore, #tpu.memory_space<semaphore_mem>>, %arg14: memref<!tpu.dma_semaphore, #tpu.memory_space<semaphore_mem>>, %arg15: memref<!tpu.dma_semaphore, #tpu.memory_space<semaphore_mem>>, %arg16: memref<!tpu.dma_semaphore, #tpu.memory_space<semaphore_mem>>) attributes {dimension_semantics = [#tpu.dimension_semantics<core_parallel>, #tpu.dimension_semantics<subcore_parallel>], iteration_bounds = array<i64: 2, 16>, scalar_prefetch = 0 : i64, scratch_operands = 10 : i64, tpu.core_type = #tpu.core_type<sc_vector_subcore>, window_params = [{transform_indices = #map}, {transform_indices = #map}, {transform_indices = #map}, {transform_indices = #map}, {transform_indices = #map1}]} {
    %mul3A = arith.constant 640 : i32
    %mul3A_0 = arith.muli %arg1, %mul3A : i32
    %mul3A_1 = arith.constant 16 : i32
    %mul3A_2 = arith.muli %arg0, %mul3A_1 : i32
    %add3A = arith.addi %mul3A_2, %arg1 : i32
    %mul3A_3 = arith.constant 40 : i32
    %mul3A_4 = arith.muli %add3A, %mul3A_3 : i32
    %dma_start3A = arith.constant 0 : i32
    %dma_start3A_5 = tpu.memref_slice %arg7[%mul3A_0, %dma_start3A] : memref<10240x32xf32, #tpu.memory_space<vmem_shared>> -> memref<640x32xf32, #tpu.memory_space<vmem_shared>>
    %dma_start3A_6 = arith.constant 0 : i32
    %dma_start3A_7 = tpu.memref_slice %arg5[%mul3A_0, %dma_start3A_6] : memref<10240x32xf32, #tpu.memory_space<hbm>> -> memref<640x32xf32, #tpu.memory_space<hbm>>
    tpu.enqueue_dma source(%dma_start3A_7 : memref<640x32xf32, #tpu.memory_space<hbm>>) target(%dma_start3A_5 : memref<640x32xf32, #tpu.memory_space<vmem_shared>>) target_semaphore(%arg13 : memref<!tpu.dma_semaphore, #tpu.memory_space<semaphore_mem>>)
    %dma_start3A_8 = arith.constant 0 : i32
    %dma_start3A_9 = tpu.memref_slice %arg8[%mul3A_0, %dma_start3A_8] : memref<10240x32xf32, #tpu.memory_space<vmem_shared>> -> memref<640x32xf32, #tpu.memory_space<vmem_shared>>
    %dma_start3A_10 = arith.constant 0 : i32
    %dma_start3A_11 = tpu.memref_slice %arg2[%mul3A_0, %dma_start3A_10] : memref<10240x32xf32, #tpu.memory_space<hbm>> -> memref<640x32xf32, #tpu.memory_space<hbm>>
    tpu.enqueue_dma source(%dma_start3A_11 : memref<640x32xf32, #tpu.memory_space<hbm>>) target(%dma_start3A_9 : memref<640x32xf32, #tpu.memory_space<vmem_shared>>) target_semaphore(%arg14 : memref<!tpu.dma_semaphore, #tpu.memory_space<semaphore_mem>>)
    %dma_start3A_12 = arith.constant 0 : i32
    %dma_start3A_13 = tpu.memref_slice %arg3[%mul3A_4, %dma_start3A_12] : memref<1280x256xi32, #tpu.memory_space<hbm>> -> memref<40x256xi32, #tpu.memory_space<hbm>>
    %dma_start3A_14 = arith.constant 0 : i32
    %dma_start3A_15 = tpu.memref_slice %arg3[%mul3A_4, %dma_start3A_14] : memref<1280x256xi32, #tpu.memory_space<hbm>> -> memref<40x256xi32, #tpu.memory_space<hbm>>
    tpu.enqueue_dma source(%dma_start3A_15 : memref<40x256xi32, #tpu.memory_space<hbm>>) target(%arg9 : memref<40x256xi32, #tpu.memory_space<vmem>>) target_semaphore(%arg15 : memref<!tpu.dma_semaphore, #tpu.memory_space<semaphore_mem>>)
    %dma_start3A_16 = arith.constant 0 : i32
    %dma_start3A_17 = tpu.memref_slice %arg4[%mul3A_4, %dma_start3A_16] : memref<1280x256xi32, #tpu.memory_space<hbm>> -> memref<40x256xi32, #tpu.memory_space<hbm>>
    %dma_start3A_18 = arith.constant 0 : i32
    %dma_start3A_19 = tpu.memref_slice %arg4[%mul3A_4, %dma_start3A_18] : memref<1280x256xi32, #tpu.memory_space<hbm>> -> memref<40x256xi32, #tpu.memory_space<hbm>>
    tpu.enqueue_dma source(%dma_start3A_19 : memref<40x256xi32, #tpu.memory_space<hbm>>) target(%arg10 : memref<40x256xi32, #tpu.memory_space<vmem>>) target_semaphore(%arg16 : memref<!tpu.dma_semaphore, #tpu.memory_space<semaphore_mem>>)
    %dma_wait3A = arith.constant 0 : i32
    %dma_wait3A_20 = tpu.memref_slice %arg7[%mul3A_0, %dma_wait3A] : memref<10240x32xf32, #tpu.memory_space<vmem_shared>> -> memref<640x32xf32, #tpu.memory_space<vmem_shared>>
    %dma_wait3A_21 = arith.constant 0 : i32
    %dma_wait3A_22 = tpu.memref_slice %arg5[%mul3A_0, %dma_wait3A_21] : memref<10240x32xf32, #tpu.memory_space<hbm>> -> memref<640x32xf32, #tpu.memory_space<hbm>>
    tpu.wait_dma2 semaphore(%arg13 : memref<!tpu.dma_semaphore, #tpu.memory_space<semaphore_mem>>) src(%dma_wait3A_22 : memref<640x32xf32, #tpu.memory_space<hbm>>) dst(%dma_wait3A_20 : memref<640x32xf32, #tpu.memory_space<vmem_shared>>)
    %dma_wait3A_23 = arith.constant 0 : i32
    %dma_wait3A_24 = tpu.memref_slice %arg8[%mul3A_0, %dma_wait3A_23] : memref<10240x32xf32, #tpu.memory_space<vmem_shared>> -> memref<640x32xf32, #tpu.memory_space<vmem_shared>>
    %dma_wait3A_25 = arith.constant 0 : i32
    %dma_wait3A_26 = tpu.memref_slice %arg2[%mul3A_0, %dma_wait3A_25] : memref<10240x32xf32, #tpu.memory_space<hbm>> -> memref<640x32xf32, #tpu.memory_space<hbm>>
    tpu.wait_dma2 semaphore(%arg14 : memref<!tpu.dma_semaphore, #tpu.memory_space<semaphore_mem>>) src(%dma_wait3A_26 : memref<640x32xf32, #tpu.memory_space<hbm>>) dst(%dma_wait3A_24 : memref<640x32xf32, #tpu.memory_space<vmem_shared>>)
    %dma_wait3A_27 = arith.constant 0 : i32
    %dma_wait3A_28 = tpu.memref_slice %arg3[%mul3A_4, %dma_wait3A_27] : memref<1280x256xi32, #tpu.memory_space<hbm>> -> memref<40x256xi32, #tpu.memory_space<hbm>>
    %dma_wait3A_29 = arith.constant 0 : i32
    %dma_wait3A_30 = tpu.memref_slice %arg3[%mul3A_4, %dma_wait3A_29] : memref<1280x256xi32, #tpu.memory_space<hbm>> -> memref<40x256xi32, #tpu.memory_space<hbm>>
    tpu.wait_dma2 semaphore(%arg15 : memref<!tpu.dma_semaphore, #tpu.memory_space<semaphore_mem>>) src(%dma_wait3A_30 : memref<40x256xi32, #tpu.memory_space<hbm>>) dst(%arg9 : memref<40x256xi32, #tpu.memory_space<vmem>>)
    %dma_wait3A_31 = arith.constant 0 : i32
    %dma_wait3A_32 = tpu.memref_slice %arg4[%mul3A_4, %dma_wait3A_31] : memref<1280x256xi32, #tpu.memory_space<hbm>> -> memref<40x256xi32, #tpu.memory_space<hbm>>
    %dma_wait3A_33 = arith.constant 0 : i32
    %dma_wait3A_34 = tpu.memref_slice %arg4[%mul3A_4, %dma_wait3A_33] : memref<1280x256xi32, #tpu.memory_space<hbm>> -> memref<40x256xi32, #tpu.memory_space<hbm>>
    tpu.wait_dma2 semaphore(%arg16 : memref<!tpu.dma_semaphore, #tpu.memory_space<semaphore_mem>>) src(%dma_wait3A_34 : memref<40x256xi32, #tpu.memory_space<hbm>>) dst(%arg10 : memref<40x256xi32, #tpu.memory_space<vmem>>)
    %barrier3A = arith.constant 0 : index
    tpu.barrier barrier_id(%barrier3A)
    %dma_start3A_35 = arith.constant 0 : i32
    %dma_start3A_36 = arith.constant 0 : i32
    %dma_start3A_37 = tpu.memref_slice %arg9[%dma_start3A_35, %dma_start3A_36] : memref<40x256xi32, #tpu.memory_space<vmem>> -> memref<1x256xi32, #tpu.memory_space<vmem>>
    %dma_start3A_38 = tpu.memref_squeeze %dma_start3A_37 : memref<1x256xi32, #tpu.memory_space<vmem>> -> memref<256xi32, #tpu.memory_space<vmem>>
    %dma_start3A_39 = arith.constant 0 : i32
    %dma_start3A_40 = arith.constant 0 : i32
    %dma_start3A_41 = tpu.memref_slice %arg8[%dma_start3A_39, %dma_start3A_40] : memref<10240x32xf32, #tpu.memory_space<vmem_shared>> -> memref<10240x32xf32, #tpu.memory_space<vmem_shared>>
    tpu.enqueue_indirect_dma source(%dma_start3A_41 : memref<10240x32xf32, #tpu.memory_space<vmem_shared>>) target(%arg11 : memref<256x32xf32, #tpu.memory_space<vmem>>) offsets(%dma_start3A_38 : memref<256xi32, #tpu.memory_space<vmem>>) semaphore(%arg13 : memref<!tpu.dma_semaphore, #tpu.memory_space<semaphore_mem>>)
    %scan3A = arith.constant 0 : i32
    %scan3A_42 = arith.constant 0 : i32
    %scan3A_43 = arith.constant 20 : i32
    %scan3A_44 = arith.addi %scan3A_42, %scan3A_43 : i32
    %scan3A_45 = arith.constant 1 : i32
    scf.for %scan3A_48 = %scan3A_42 to %scan3A_44 step %scan3A_45  : i32 {
      %mul3A_49 = arith.constant 2 : i32
      %mul3A_50 = arith.muli %scan3A_48, %mul3A_49 : i32
      %add3A_51 = arith.constant 1 : i32
      %add3A_52 = arith.addi %mul3A_50, %add3A_51 : i32
      %dma_wait3A_53 = arith.constant 0 : i32
      %dma_wait3A_54 = tpu.memref_slice %arg9[%mul3A_50, %dma_wait3A_53] : memref<40x256xi32, #tpu.memory_space<vmem>> -> memref<1x256xi32, #tpu.memory_space<vmem>>
      %dma_wait3A_55 = tpu.memref_squeeze %dma_wait3A_54 : memref<1x256xi32, #tpu.memory_space<vmem>> -> memref<256xi32, #tpu.memory_space<vmem>>
      %dma_wait3A_56 = arith.constant 0 : i32
      %dma_wait3A_57 = arith.constant 0 : i32
      %dma_wait3A_58 = tpu.memref_slice %arg8[%dma_wait3A_56, %dma_wait3A_57] : memref<10240x32xf32, #tpu.memory_space<vmem_shared>> -> memref<10240x32xf32, #tpu.memory_space<vmem_shared>>
      tpu.wait_indirect_dma semaphore(%arg13 : memref<!tpu.dma_semaphore, #tpu.memory_space<semaphore_mem>>) src(%dma_wait3A_58 : memref<10240x32xf32, #tpu.memory_space<vmem_shared>>) dst(%arg11 : memref<256x32xf32, #tpu.memory_space<vmem>>)
      %dma_start3A_59 = arith.constant 0 : i32
      %dma_start3A_60 = tpu.memref_slice %arg9[%add3A_52, %dma_start3A_59] : memref<40x256xi32, #tpu.memory_space<vmem>> -> memref<1x256xi32, #tpu.memory_space<vmem>>
      %dma_start3A_61 = tpu.memref_squeeze %dma_start3A_60 : memref<1x256xi32, #tpu.memory_space<vmem>> -> memref<256xi32, #tpu.memory_space<vmem>>
      %dma_start3A_62 = arith.constant 0 : i32
      %dma_start3A_63 = arith.constant 0 : i32
      %dma_start3A_64 = tpu.memref_slice %arg8[%dma_start3A_62, %dma_start3A_63] : memref<10240x32xf32, #tpu.memory_space<vmem_shared>> -> memref<10240x32xf32, #tpu.memory_space<vmem_shared>>
      tpu.enqueue_indirect_dma source(%dma_start3A_64 : memref<10240x32xf32, #tpu.memory_space<vmem_shared>>) target(%arg12 : memref<256x32xf32, #tpu.memory_space<vmem>>) offsets(%dma_start3A_61 : memref<256xi32, #tpu.memory_space<vmem>>) semaphore(%arg14 : memref<!tpu.dma_semaphore, #tpu.memory_space<semaphore_mem>>)
      "tpu.region"() ({
        %run_scoped3A = tpu.sem_alloc : memref<!tpu.dma_semaphore, #tpu.memory_space<semaphore_mem>>
        %dma_start3A_75 = arith.constant 0 : i32
        %dma_start3A_76 = tpu.memref_slice %arg10[%mul3A_50, %dma_start3A_75] : memref<40x256xi32, #tpu.memory_space<vmem>> -> memref<1x256xi32, #tpu.memory_space<vmem>>
        %dma_start3A_77 = tpu.memref_squeeze %dma_start3A_76 : memref<1x256xi32, #tpu.memory_space<vmem>> -> memref<256xi32, #tpu.memory_space<vmem>>
        %dma_start3A_78 = arith.constant 0 : i32
        %dma_start3A_79 = arith.constant 0 : i32
        %dma_start3A_80 = tpu.memref_slice %arg7[%dma_start3A_78, %dma_start3A_79] : memref<10240x32xf32, #tpu.memory_space<vmem_shared>> -> memref<10240x32xf32, #tpu.memory_space<vmem_shared>>
        tpu.enqueue_indirect_dma source(%arg11 : memref<256x32xf32, #tpu.memory_space<vmem>>) target(%dma_start3A_80 : memref<10240x32xf32, #tpu.memory_space<vmem_shared>>) offsets(%dma_start3A_77 : memref<256xi32, #tpu.memory_space<vmem>>) semaphore(%run_scoped3A : memref<!tpu.dma_semaphore, #tpu.memory_space<semaphore_mem>>) {add = true}
        %dma_wait3A_81 = arith.constant 0 : i32
        %dma_wait3A_82 = tpu.memref_slice %arg10[%mul3A_50, %dma_wait3A_81] : memref<40x256xi32, #tpu.memory_space<vmem>> -> memref<1x256xi32, #tpu.memory_space<vmem>>
        %dma_wait3A_83 = tpu.memref_squeeze %dma_wait3A_82 : memref<1x256xi32, #tpu.memory_space<vmem>> -> memref<256xi32, #tpu.memory_space<vmem>>
        %dma_wait3A_84 = arith.constant 0 : i32
        %dma_wait3A_85 = arith.constant 0 : i32
        %dma_wait3A_86 = tpu.memref_slice %arg7[%dma_wait3A_84, %dma_wait3A_85] : memref<10240x32xf32, #tpu.memory_space<vmem_shared>> -> memref<10240x32xf32, #tpu.memory_space<vmem_shared>>
        tpu.wait_indirect_dma semaphore(%run_scoped3A : memref<!tpu.dma_semaphore, #tpu.memory_space<semaphore_mem>>) src(%arg11 : memref<256x32xf32, #tpu.memory_space<vmem>>) dst(%dma_wait3A_86 : memref<10240x32xf32, #tpu.memory_space<vmem_shared>>)
        tpu.yield
      }) : () -> ()
      %dma_wait3A_65 = arith.constant 0 : i32
      %dma_wait3A_66 = tpu.memref_slice %arg9[%add3A_52, %dma_wait3A_65] : memref<40x256xi32, #tpu.memory_space<vmem>> -> memref<1x256xi32, #tpu.memory_space<vmem>>
      %dma_wait3A_67 = tpu.memref_squeeze %dma_wait3A_66 : memref<1x256xi32, #tpu.memory_space<vmem>> -> memref<256xi32, #tpu.memory_space<vmem>>
      %dma_wait3A_68 = arith.constant 0 : i32
      %dma_wait3A_69 = arith.constant 0 : i32
      %dma_wait3A_70 = tpu.memref_slice %arg8[%dma_wait3A_68, %dma_wait3A_69] : memref<10240x32xf32, #tpu.memory_space<vmem_shared>> -> memref<10240x32xf32, #tpu.memory_space<vmem_shared>>
      tpu.wait_indirect_dma semaphore(%arg14 : memref<!tpu.dma_semaphore, #tpu.memory_space<semaphore_mem>>) src(%dma_wait3A_70 : memref<10240x32xf32, #tpu.memory_space<vmem_shared>>) dst(%arg12 : memref<256x32xf32, #tpu.memory_space<vmem>>)
      %add3A_71 = arith.constant 1 : i32
      %add3A_72 = arith.addi %add3A_52, %add3A_71 : i32
      %lt3A = arith.constant 40 : i32
      %lt3A_73 = arith.cmpi slt, %add3A_72, %lt3A : i32
      %convert_element_type3A = arith.extui %lt3A_73 : i1 to i32
      %cond3A = arith.constant 0 : i32
      %cond3A_74 = arith.cmpi ne, %convert_element_type3A, %cond3A : i32
      scf.if %cond3A_74 {
        %add3A_75 = arith.constant 1 : i32
        %add3A_76 = arith.addi %add3A_52, %add3A_75 : i32
        %dma_start3A_77 = arith.constant 0 : i32
        %dma_start3A_78 = tpu.memref_slice %arg9[%add3A_76, %dma_start3A_77] : memref<40x256xi32, #tpu.memory_space<vmem>> -> memref<1x256xi32, #tpu.memory_space<vmem>>
        %dma_start3A_79 = tpu.memref_squeeze %dma_start3A_78 : memref<1x256xi32, #tpu.memory_space<vmem>> -> memref<256xi32, #tpu.memory_space<vmem>>
        %dma_start3A_80 = arith.constant 0 : i32
        %dma_start3A_81 = arith.constant 0 : i32
        %dma_start3A_82 = tpu.memref_slice %arg8[%dma_start3A_80, %dma_start3A_81] : memref<10240x32xf32, #tpu.memory_space<vmem_shared>> -> memref<10240x32xf32, #tpu.memory_space<vmem_shared>>
        tpu.enqueue_indirect_dma source(%dma_start3A_82 : memref<10240x32xf32, #tpu.memory_space<vmem_shared>>) target(%arg11 : memref<256x32xf32, #tpu.memory_space<vmem>>) offsets(%dma_start3A_79 : memref<256xi32, #tpu.memory_space<vmem>>) semaphore(%arg13 : memref<!tpu.dma_semaphore, #tpu.memory_space<semaphore_mem>>)
      } else {
      }
      "tpu.region"() ({
        %run_scoped3A = tpu.sem_alloc : memref<!tpu.dma_semaphore, #tpu.memory_space<semaphore_mem>>
        %dma_start3A_75 = arith.constant 0 : i32
        %dma_start3A_76 = tpu.memref_slice %arg10[%add3A_52, %dma_start3A_75] : memref<40x256xi32, #tpu.memory_space<vmem>> -> memref<1x256xi32, #tpu.memory_space<vmem>>
        %dma_start3A_77 = tpu.memref_squeeze %dma_start3A_76 : memref<1x256xi32, #tpu.memory_space<vmem>> -> memref<256xi32, #tpu.memory_space<vmem>>
        %dma_start3A_78 = arith.constant 0 : i32
        %dma_start3A_79 = arith.constant 0 : i32
        %dma_start3A_80 = tpu.memref_slice %arg7[%dma_start3A_78, %dma_start3A_79] : memref<10240x32xf32, #tpu.memory_space<vmem_shared>> -> memref<10240x32xf32, #tpu.memory_space<vmem_shared>>
        tpu.enqueue_indirect_dma source(%arg12 : memref<256x32xf32, #tpu.memory_space<vmem>>) target(%dma_start3A_80 : memref<10240x32xf32, #tpu.memory_space<vmem_shared>>) offsets(%dma_start3A_77 : memref<256xi32, #tpu.memory_space<vmem>>) semaphore(%run_scoped3A : memref<!tpu.dma_semaphore, #tpu.memory_space<semaphore_mem>>) {add = true}
        %dma_wait3A_81 = arith.constant 0 : i32
        %dma_wait3A_82 = tpu.memref_slice %arg10[%add3A_52, %dma_wait3A_81] : memref<40x256xi32, #tpu.memory_space<vmem>> -> memref<1x256xi32, #tpu.memory_space<vmem>>
        %dma_wait3A_83 = tpu.memref_squeeze %dma_wait3A_82 : memref<1x256xi32, #tpu.memory_space<vmem>> -> memref<256xi32, #tpu.memory_space<vmem>>
        %dma_wait3A_84 = arith.constant 0 : i32
        %dma_wait3A_85 = arith.constant 0 : i32
        %dma_wait3A_86 = tpu.memref_slice %arg7[%dma_wait3A_84, %dma_wait3A_85] : memref<10240x32xf32, #tpu.memory_space<vmem_shared>> -> memref<10240x32xf32, #tpu.memory_space<vmem_shared>>
        tpu.wait_indirect_dma semaphore(%run_scoped3A : memref<!tpu.dma_semaphore, #tpu.memory_space<semaphore_mem>>) src(%arg12 : memref<256x32xf32, #tpu.memory_space<vmem>>) dst(%dma_wait3A_86 : memref<10240x32xf32, #tpu.memory_space<vmem_shared>>)
        tpu.yield
      }) : () -> ()
    }
    %scan3A_46 = arith.constant 20 : i32
    %barrier3A_47 = arith.constant 0 : index
    tpu.barrier barrier_id(%barrier3A_47)
    "tpu.region"() ({
      %run_scoped3A = tpu.sem_alloc : memref<!tpu.dma_semaphore, #tpu.memory_space<semaphore_mem>>
      %dma_start3A_48 = arith.constant 0 : i32
      %dma_start3A_49 = arith.constant 0 : i32
      %dma_start3A_50 = tpu.memref_slice %arg6[%arg0, %dma_start3A_48, %dma_start3A_49] : memref<2x10240x32xf32, #tpu.memory_space<hbm>> -> memref<1x10240x32xf32, #tpu.memory_space<hbm>>
      %dma_start3A_51 = tpu.memref_squeeze %dma_start3A_50 : memref<1x10240x32xf32, #tpu.memory_space<hbm>> -> memref<10240x32xf32, #tpu.memory_space<hbm>>
      %dma_start3A_52 = arith.constant 0 : i32
      %dma_start3A_53 = tpu.memref_slice %dma_start3A_51[%mul3A_0, %dma_start3A_52] : memref<10240x32xf32, #tpu.memory_space<hbm>> -> memref<640x32xf32, #tpu.memory_space<hbm>>
      %dma_start3A_54 = arith.constant 0 : i32
      %dma_start3A_55 = tpu.memref_slice %arg7[%mul3A_0, %dma_start3A_54] : memref<10240x32xf32, #tpu.memory_space<vmem_shared>> -> memref<640x32xf32, #tpu.memory_space<vmem_shared>>
      tpu.enqueue_dma source(%dma_start3A_55 : memref<640x32xf32, #tpu.memory_space<vmem_shared>>) target(%dma_start3A_53 : memref<640x32xf32, #tpu.memory_space<hbm>>) target_semaphore(%run_scoped3A : memref<!tpu.dma_semaphore, #tpu.memory_space<semaphore_mem>>)
      %dma_wait3A_56 = arith.constant 0 : i32
      %dma_wait3A_57 = arith.constant 0 : i32
      %dma_wait3A_58 = tpu.memref_slice %arg6[%arg0, %dma_wait3A_56, %dma_wait3A_57] : memref<2x10240x32xf32, #tpu.memory_space<hbm>> -> memref<1x10240x32xf32, #tpu.memory_space<hbm>>
      %dma_wait3A_59 = tpu.memref_squeeze %dma_wait3A_58 : memref<1x10240x32xf32, #tpu.memory_space<hbm>> -> memref<10240x32xf32, #tpu.memory_space<hbm>>
      %dma_wait3A_60 = arith.constant 0 : i32
      %dma_wait3A_61 = tpu.memref_slice %dma_wait3A_59[%mul3A_0, %dma_wait3A_60] : memref<10240x32xf32, #tpu.memory_space<hbm>> -> memref<640x32xf32, #tpu.memory_space<hbm>>
      %dma_wait3A_62 = arith.constant 0 : i32
      %dma_wait3A_63 = tpu.memref_slice %arg7[%mul3A_0, %dma_wait3A_62] : memref<10240x32xf32, #tpu.memory_space<vmem_shared>> -> memref<640x32xf32, #tpu.memory_space<vmem_shared>>
      tpu.wait_dma2 semaphore(%run_scoped3A : memref<!tpu.dma_semaphore, #tpu.memory_space<semaphore_mem>>) src(%dma_wait3A_63 : memref<640x32xf32, #tpu.memory_space<vmem_shared>>) dst(%dma_wait3A_61 : memref<640x32xf32, #tpu.memory_space<hbm>>)
      tpu.yield
    }) : () -> ()
    return
  }
}

#map = affine_map<(d0, d1) -> (0, 0)>
#map1 = affine_map<(d0, d1) -> (0, 0, 0)>
module attributes {stable_mosaic.version = 14 : i64} {
  func.func @_sc_aggregate(%arg0: i32, %arg1: i32, %arg2: memref<10240x32xf32, #tpu.memory_space<hbm>>, %arg3: memref<1280x256xi32, #tpu.memory_space<hbm>>, %arg4: memref<1280x256xi32, #tpu.memory_space<hbm>>, %arg5: memref<10240x32xf32, #tpu.memory_space<hbm>>, %arg6: memref<2x10240x32xf32, #tpu.memory_space<hbm>>, %arg7: memref<10240x32xf32, #tpu.memory_space<vmem_shared>>, %arg8: memref<10240x32xf32, #tpu.memory_space<vmem_shared>>, %arg9: memref<40x256xi32, #tpu.memory_space<vmem>>, %arg10: memref<40x256xi32, #tpu.memory_space<vmem>>, %arg11: memref<256x32xf32, #tpu.memory_space<vmem>>, %arg12: memref<256x32xf32, #tpu.memory_space<vmem>>, %arg13: memref<!tpu.dma_semaphore, #tpu.memory_space<semaphore_mem>>, %arg14: memref<!tpu.dma_semaphore, #tpu.memory_space<semaphore_mem>>, %arg15: memref<!tpu.dma_semaphore, #tpu.memory_space<semaphore_mem>>, %arg16: memref<!tpu.dma_semaphore, #tpu.memory_space<semaphore_mem>>) attributes {dimension_semantics = [#tpu.dimension_semantics<core_parallel>, #tpu.dimension_semantics<subcore_parallel>], iteration_bounds = array<i64: 2, 16>, scalar_prefetch = 0 : i64, scratch_operands = 10 : i64, tpu.core_type = #tpu.core_type<sc_vector_subcore>, window_params = [{transform_indices = #map}, {transform_indices = #map}, {transform_indices = #map}, {transform_indices = #map}, {transform_indices = #map1}]} {
    %mul3A = arith.constant 640 : i32
    %mul3A_0 = arith.muli %arg1, %mul3A : i32
    %mul3A_1 = arith.constant 16 : i32
    %mul3A_2 = arith.muli %arg0, %mul3A_1 : i32
    %add3A = arith.addi %mul3A_2, %arg1 : i32
    %mul3A_3 = arith.constant 40 : i32
    %mul3A_4 = arith.muli %add3A, %mul3A_3 : i32
    %dma_start3A = arith.constant 0 : i32
    %dma_start3A_5 = tpu.memref_slice %arg7[%mul3A_0, %dma_start3A] : memref<10240x32xf32, #tpu.memory_space<vmem_shared>> -> memref<640x32xf32, #tpu.memory_space<vmem_shared>>
    %dma_start3A_6 = arith.constant 0 : i32
    %dma_start3A_7 = tpu.memref_slice %arg5[%mul3A_0, %dma_start3A_6] : memref<10240x32xf32, #tpu.memory_space<hbm>> -> memref<640x32xf32, #tpu.memory_space<hbm>>
    tpu.enqueue_dma source(%dma_start3A_7 : memref<640x32xf32, #tpu.memory_space<hbm>>) target(%dma_start3A_5 : memref<640x32xf32, #tpu.memory_space<vmem_shared>>) target_semaphore(%arg13 : memref<!tpu.dma_semaphore, #tpu.memory_space<semaphore_mem>>)
    %dma_start3A_8 = arith.constant 0 : i32
    %dma_start3A_9 = tpu.memref_slice %arg8[%mul3A_0, %dma_start3A_8] : memref<10240x32xf32, #tpu.memory_space<vmem_shared>> -> memref<640x32xf32, #tpu.memory_space<vmem_shared>>
    %dma_start3A_10 = arith.constant 0 : i32
    %dma_start3A_11 = tpu.memref_slice %arg2[%mul3A_0, %dma_start3A_10] : memref<10240x32xf32, #tpu.memory_space<hbm>> -> memref<640x32xf32, #tpu.memory_space<hbm>>
    tpu.enqueue_dma source(%dma_start3A_11 : memref<640x32xf32, #tpu.memory_space<hbm>>) target(%dma_start3A_9 : memref<640x32xf32, #tpu.memory_space<vmem_shared>>) target_semaphore(%arg14 : memref<!tpu.dma_semaphore, #tpu.memory_space<semaphore_mem>>)
    %dma_start3A_12 = arith.constant 0 : i32
    %dma_start3A_13 = tpu.memref_slice %arg3[%mul3A_4, %dma_start3A_12] : memref<1280x256xi32, #tpu.memory_space<hbm>> -> memref<40x256xi32, #tpu.memory_space<hbm>>
    %dma_start3A_14 = arith.constant 0 : i32
    %dma_start3A_15 = tpu.memref_slice %arg3[%mul3A_4, %dma_start3A_14] : memref<1280x256xi32, #tpu.memory_space<hbm>> -> memref<40x256xi32, #tpu.memory_space<hbm>>
    tpu.enqueue_dma source(%dma_start3A_15 : memref<40x256xi32, #tpu.memory_space<hbm>>) target(%arg9 : memref<40x256xi32, #tpu.memory_space<vmem>>) target_semaphore(%arg15 : memref<!tpu.dma_semaphore, #tpu.memory_space<semaphore_mem>>)
    %dma_start3A_16 = arith.constant 0 : i32
    %dma_start3A_17 = tpu.memref_slice %arg4[%mul3A_4, %dma_start3A_16] : memref<1280x256xi32, #tpu.memory_space<hbm>> -> memref<40x256xi32, #tpu.memory_space<hbm>>
    %dma_start3A_18 = arith.constant 0 : i32
    %dma_start3A_19 = tpu.memref_slice %arg4[%mul3A_4, %dma_start3A_18] : memref<1280x256xi32, #tpu.memory_space<hbm>> -> memref<40x256xi32, #tpu.memory_space<hbm>>
    tpu.enqueue_dma source(%dma_start3A_19 : memref<40x256xi32, #tpu.memory_space<hbm>>) target(%arg10 : memref<40x256xi32, #tpu.memory_space<vmem>>) target_semaphore(%arg16 : memref<!tpu.dma_semaphore, #tpu.memory_space<semaphore_mem>>)
    %dma_wait3A = arith.constant 0 : i32
    %dma_wait3A_20 = tpu.memref_slice %arg7[%mul3A_0, %dma_wait3A] : memref<10240x32xf32, #tpu.memory_space<vmem_shared>> -> memref<640x32xf32, #tpu.memory_space<vmem_shared>>
    %dma_wait3A_21 = arith.constant 0 : i32
    %dma_wait3A_22 = tpu.memref_slice %arg5[%mul3A_0, %dma_wait3A_21] : memref<10240x32xf32, #tpu.memory_space<hbm>> -> memref<640x32xf32, #tpu.memory_space<hbm>>
    tpu.wait_dma2 semaphore(%arg13 : memref<!tpu.dma_semaphore, #tpu.memory_space<semaphore_mem>>) src(%dma_wait3A_22 : memref<640x32xf32, #tpu.memory_space<hbm>>) dst(%dma_wait3A_20 : memref<640x32xf32, #tpu.memory_space<vmem_shared>>)
    %dma_wait3A_23 = arith.constant 0 : i32
    %dma_wait3A_24 = tpu.memref_slice %arg8[%mul3A_0, %dma_wait3A_23] : memref<10240x32xf32, #tpu.memory_space<vmem_shared>> -> memref<640x32xf32, #tpu.memory_space<vmem_shared>>
    %dma_wait3A_25 = arith.constant 0 : i32
    %dma_wait3A_26 = tpu.memref_slice %arg2[%mul3A_0, %dma_wait3A_25] : memref<10240x32xf32, #tpu.memory_space<hbm>> -> memref<640x32xf32, #tpu.memory_space<hbm>>
    tpu.wait_dma2 semaphore(%arg14 : memref<!tpu.dma_semaphore, #tpu.memory_space<semaphore_mem>>) src(%dma_wait3A_26 : memref<640x32xf32, #tpu.memory_space<hbm>>) dst(%dma_wait3A_24 : memref<640x32xf32, #tpu.memory_space<vmem_shared>>)
    %dma_wait3A_27 = arith.constant 0 : i32
    %dma_wait3A_28 = tpu.memref_slice %arg3[%mul3A_4, %dma_wait3A_27] : memref<1280x256xi32, #tpu.memory_space<hbm>> -> memref<40x256xi32, #tpu.memory_space<hbm>>
    %dma_wait3A_29 = arith.constant 0 : i32
    %dma_wait3A_30 = tpu.memref_slice %arg3[%mul3A_4, %dma_wait3A_29] : memref<1280x256xi32, #tpu.memory_space<hbm>> -> memref<40x256xi32, #tpu.memory_space<hbm>>
    tpu.wait_dma2 semaphore(%arg15 : memref<!tpu.dma_semaphore, #tpu.memory_space<semaphore_mem>>) src(%dma_wait3A_30 : memref<40x256xi32, #tpu.memory_space<hbm>>) dst(%arg9 : memref<40x256xi32, #tpu.memory_space<vmem>>)
    %dma_wait3A_31 = arith.constant 0 : i32
    %dma_wait3A_32 = tpu.memref_slice %arg4[%mul3A_4, %dma_wait3A_31] : memref<1280x256xi32, #tpu.memory_space<hbm>> -> memref<40x256xi32, #tpu.memory_space<hbm>>
    %dma_wait3A_33 = arith.constant 0 : i32
    %dma_wait3A_34 = tpu.memref_slice %arg4[%mul3A_4, %dma_wait3A_33] : memref<1280x256xi32, #tpu.memory_space<hbm>> -> memref<40x256xi32, #tpu.memory_space<hbm>>
    tpu.wait_dma2 semaphore(%arg16 : memref<!tpu.dma_semaphore, #tpu.memory_space<semaphore_mem>>) src(%dma_wait3A_34 : memref<40x256xi32, #tpu.memory_space<hbm>>) dst(%arg10 : memref<40x256xi32, #tpu.memory_space<vmem>>)
    %barrier3A = arith.constant 0 : index
    tpu.barrier barrier_id(%barrier3A)
    %dma_start3A_35 = arith.constant 0 : i32
    %dma_start3A_36 = arith.constant 0 : i32
    %dma_start3A_37 = tpu.memref_slice %arg9[%dma_start3A_35, %dma_start3A_36] : memref<40x256xi32, #tpu.memory_space<vmem>> -> memref<1x256xi32, #tpu.memory_space<vmem>>
    %dma_start3A_38 = tpu.memref_squeeze %dma_start3A_37 : memref<1x256xi32, #tpu.memory_space<vmem>> -> memref<256xi32, #tpu.memory_space<vmem>>
    %dma_start3A_39 = arith.constant 0 : i32
    %dma_start3A_40 = arith.constant 0 : i32
    %dma_start3A_41 = tpu.memref_slice %arg8[%dma_start3A_39, %dma_start3A_40] : memref<10240x32xf32, #tpu.memory_space<vmem_shared>> -> memref<10240x32xf32, #tpu.memory_space<vmem_shared>>
    tpu.enqueue_indirect_dma source(%dma_start3A_41 : memref<10240x32xf32, #tpu.memory_space<vmem_shared>>) target(%arg11 : memref<256x32xf32, #tpu.memory_space<vmem>>) offsets(%dma_start3A_38 : memref<256xi32, #tpu.memory_space<vmem>>) semaphore(%arg13 : memref<!tpu.dma_semaphore, #tpu.memory_space<semaphore_mem>>)
    %scan3A = arith.constant 0 : i32
    %scan3A_42 = arith.constant 0 : i32
    %scan3A_43 = arith.constant 20 : i32
    %scan3A_44 = arith.addi %scan3A_42, %scan3A_43 : i32
    %scan3A_45 = arith.constant 1 : i32
    scf.for %scan3A_48 = %scan3A_42 to %scan3A_44 step %scan3A_45  : i32 {
      %mul3A_49 = arith.constant 2 : i32
      %mul3A_50 = arith.muli %scan3A_48, %mul3A_49 : i32
      %add3A_51 = arith.constant 1 : i32
      %add3A_52 = arith.addi %mul3A_50, %add3A_51 : i32
      %dma_wait3A_53 = arith.constant 0 : i32
      %dma_wait3A_54 = tpu.memref_slice %arg9[%mul3A_50, %dma_wait3A_53] : memref<40x256xi32, #tpu.memory_space<vmem>> -> memref<1x256xi32, #tpu.memory_space<vmem>>
      %dma_wait3A_55 = tpu.memref_squeeze %dma_wait3A_54 : memref<1x256xi32, #tpu.memory_space<vmem>> -> memref<256xi32, #tpu.memory_space<vmem>>
      %dma_wait3A_56 = arith.constant 0 : i32
      %dma_wait3A_57 = arith.constant 0 : i32
      %dma_wait3A_58 = tpu.memref_slice %arg8[%dma_wait3A_56, %dma_wait3A_57] : memref<10240x32xf32, #tpu.memory_space<vmem_shared>> -> memref<10240x32xf32, #tpu.memory_space<vmem_shared>>
      tpu.wait_indirect_dma semaphore(%arg13 : memref<!tpu.dma_semaphore, #tpu.memory_space<semaphore_mem>>) src(%dma_wait3A_58 : memref<10240x32xf32, #tpu.memory_space<vmem_shared>>) dst(%arg11 : memref<256x32xf32, #tpu.memory_space<vmem>>)
      %dma_start3A_59 = arith.constant 0 : i32
      %dma_start3A_60 = tpu.memref_slice %arg9[%add3A_52, %dma_start3A_59] : memref<40x256xi32, #tpu.memory_space<vmem>> -> memref<1x256xi32, #tpu.memory_space<vmem>>
      %dma_start3A_61 = tpu.memref_squeeze %dma_start3A_60 : memref<1x256xi32, #tpu.memory_space<vmem>> -> memref<256xi32, #tpu.memory_space<vmem>>
      %dma_start3A_62 = arith.constant 0 : i32
      %dma_start3A_63 = arith.constant 0 : i32
      %dma_start3A_64 = tpu.memref_slice %arg8[%dma_start3A_62, %dma_start3A_63] : memref<10240x32xf32, #tpu.memory_space<vmem_shared>> -> memref<10240x32xf32, #tpu.memory_space<vmem_shared>>
      tpu.enqueue_indirect_dma source(%dma_start3A_64 : memref<10240x32xf32, #tpu.memory_space<vmem_shared>>) target(%arg12 : memref<256x32xf32, #tpu.memory_space<vmem>>) offsets(%dma_start3A_61 : memref<256xi32, #tpu.memory_space<vmem>>) semaphore(%arg14 : memref<!tpu.dma_semaphore, #tpu.memory_space<semaphore_mem>>)
      "tpu.region"() ({
        %run_scoped3A = tpu.sem_alloc : memref<!tpu.dma_semaphore, #tpu.memory_space<semaphore_mem>>
        %dma_start3A_75 = arith.constant 0 : i32
        %dma_start3A_76 = tpu.memref_slice %arg10[%mul3A_50, %dma_start3A_75] : memref<40x256xi32, #tpu.memory_space<vmem>> -> memref<1x256xi32, #tpu.memory_space<vmem>>
        %dma_start3A_77 = tpu.memref_squeeze %dma_start3A_76 : memref<1x256xi32, #tpu.memory_space<vmem>> -> memref<256xi32, #tpu.memory_space<vmem>>
        %dma_start3A_78 = arith.constant 0 : i32
        %dma_start3A_79 = arith.constant 0 : i32
        %dma_start3A_80 = tpu.memref_slice %arg7[%dma_start3A_78, %dma_start3A_79] : memref<10240x32xf32, #tpu.memory_space<vmem_shared>> -> memref<10240x32xf32, #tpu.memory_space<vmem_shared>>
        tpu.enqueue_indirect_dma source(%arg11 : memref<256x32xf32, #tpu.memory_space<vmem>>) target(%dma_start3A_80 : memref<10240x32xf32, #tpu.memory_space<vmem_shared>>) offsets(%dma_start3A_77 : memref<256xi32, #tpu.memory_space<vmem>>) semaphore(%run_scoped3A : memref<!tpu.dma_semaphore, #tpu.memory_space<semaphore_mem>>) {add = true}
        %dma_wait3A_81 = arith.constant 0 : i32
        %dma_wait3A_82 = tpu.memref_slice %arg10[%mul3A_50, %dma_wait3A_81] : memref<40x256xi32, #tpu.memory_space<vmem>> -> memref<1x256xi32, #tpu.memory_space<vmem>>
        %dma_wait3A_83 = tpu.memref_squeeze %dma_wait3A_82 : memref<1x256xi32, #tpu.memory_space<vmem>> -> memref<256xi32, #tpu.memory_space<vmem>>
        %dma_wait3A_84 = arith.constant 0 : i32
        %dma_wait3A_85 = arith.constant 0 : i32
        %dma_wait3A_86 = tpu.memref_slice %arg7[%dma_wait3A_84, %dma_wait3A_85] : memref<10240x32xf32, #tpu.memory_space<vmem_shared>> -> memref<10240x32xf32, #tpu.memory_space<vmem_shared>>
        tpu.wait_indirect_dma semaphore(%run_scoped3A : memref<!tpu.dma_semaphore, #tpu.memory_space<semaphore_mem>>) src(%arg11 : memref<256x32xf32, #tpu.memory_space<vmem>>) dst(%dma_wait3A_86 : memref<10240x32xf32, #tpu.memory_space<vmem_shared>>)
        tpu.yield
      }) : () -> ()
      %dma_wait3A_65 = arith.constant 0 : i32
      %dma_wait3A_66 = tpu.memref_slice %arg9[%add3A_52, %dma_wait3A_65] : memref<40x256xi32, #tpu.memory_space<vmem>> -> memref<1x256xi32, #tpu.memory_space<vmem>>
      %dma_wait3A_67 = tpu.memref_squeeze %dma_wait3A_66 : memref<1x256xi32, #tpu.memory_space<vmem>> -> memref<256xi32, #tpu.memory_space<vmem>>
      %dma_wait3A_68 = arith.constant 0 : i32
      %dma_wait3A_69 = arith.constant 0 : i32
      %dma_wait3A_70 = tpu.memref_slice %arg8[%dma_wait3A_68, %dma_wait3A_69] : memref<10240x32xf32, #tpu.memory_space<vmem_shared>> -> memref<10240x32xf32, #tpu.memory_space<vmem_shared>>
      tpu.wait_indirect_dma semaphore(%arg14 : memref<!tpu.dma_semaphore, #tpu.memory_space<semaphore_mem>>) src(%dma_wait3A_70 : memref<10240x32xf32, #tpu.memory_space<vmem_shared>>) dst(%arg12 : memref<256x32xf32, #tpu.memory_space<vmem>>)
      %add3A_71 = arith.constant 1 : i32
      %add3A_72 = arith.addi %add3A_52, %add3A_71 : i32
      %lt3A = arith.constant 40 : i32
      %lt3A_73 = arith.cmpi slt, %add3A_72, %lt3A : i32
      %convert_element_type3A = arith.extui %lt3A_73 : i1 to i32
      %cond3A = arith.constant 0 : i32
      %cond3A_74 = arith.cmpi ne, %convert_element_type3A, %cond3A : i32
      scf.if %cond3A_74 {
        %add3A_75 = arith.constant 1 : i32
        %add3A_76 = arith.addi %add3A_52, %add3A_75 : i32
        %dma_start3A_77 = arith.constant 0 : i32
        %dma_start3A_78 = tpu.memref_slice %arg9[%add3A_76, %dma_start3A_77] : memref<40x256xi32, #tpu.memory_space<vmem>> -> memref<1x256xi32, #tpu.memory_space<vmem>>
        %dma_start3A_79 = tpu.memref_squeeze %dma_start3A_78 : memref<1x256xi32, #tpu.memory_space<vmem>> -> memref<256xi32, #tpu.memory_space<vmem>>
        %dma_start3A_80 = arith.constant 0 : i32
        %dma_start3A_81 = arith.constant 0 : i32
        %dma_start3A_82 = tpu.memref_slice %arg8[%dma_start3A_80, %dma_start3A_81] : memref<10240x32xf32, #tpu.memory_space<vmem_shared>> -> memref<10240x32xf32, #tpu.memory_space<vmem_shared>>
        tpu.enqueue_indirect_dma source(%dma_start3A_82 : memref<10240x32xf32, #tpu.memory_space<vmem_shared>>) target(%arg11 : memref<256x32xf32, #tpu.memory_space<vmem>>) offsets(%dma_start3A_79 : memref<256xi32, #tpu.memory_space<vmem>>) semaphore(%arg13 : memref<!tpu.dma_semaphore, #tpu.memory_space<semaphore_mem>>)
      } else {
      }
      "tpu.region"() ({
        %run_scoped3A = tpu.sem_alloc : memref<!tpu.dma_semaphore, #tpu.memory_space<semaphore_mem>>
        %dma_start3A_75 = arith.constant 0 : i32
        %dma_start3A_76 = tpu.memref_slice %arg10[%add3A_52, %dma_start3A_75] : memref<40x256xi32, #tpu.memory_space<vmem>> -> memref<1x256xi32, #tpu.memory_space<vmem>>
        %dma_start3A_77 = tpu.memref_squeeze %dma_start3A_76 : memref<1x256xi32, #tpu.memory_space<vmem>> -> memref<256xi32, #tpu.memory_space<vmem>>
        %dma_start3A_78 = arith.constant 0 : i32
        %dma_start3A_79 = arith.constant 0 : i32
        %dma_start3A_80 = tpu.memref_slice %arg7[%dma_start3A_78, %dma_start3A_79] : memref<10240x32xf32, #tpu.memory_space<vmem_shared>> -> memref<10240x32xf32, #tpu.memory_space<vmem_shared>>
        tpu.enqueue_indirect_dma source(%arg12 : memref<256x32xf32, #tpu.memory_space<vmem>>) target(%dma_start3A_80 : memref<10240x32xf32, #tpu.memory_space<vmem_shared>>) offsets(%dma_start3A_77 : memref<256xi32, #tpu.memory_space<vmem>>) semaphore(%run_scoped3A : memref<!tpu.dma_semaphore, #tpu.memory_space<semaphore_mem>>) {add = true}
        %dma_wait3A_81 = arith.constant 0 : i32
        %dma_wait3A_82 = tpu.memref_slice %arg10[%add3A_52, %dma_wait3A_81] : memref<40x256xi32, #tpu.memory_space<vmem>> -> memref<1x256xi32, #tpu.memory_space<vmem>>
        %dma_wait3A_83 = tpu.memref_squeeze %dma_wait3A_82 : memref<1x256xi32, #tpu.memory_space<vmem>> -> memref<256xi32, #tpu.memory_space<vmem>>
        %dma_wait3A_84 = arith.constant 0 : i32
        %dma_wait3A_85 = arith.constant 0 : i32
        %dma_wait3A_86 = tpu.memref_slice %arg7[%dma_wait3A_84, %dma_wait3A_85] : memref<10240x32xf32, #tpu.memory_space<vmem_shared>> -> memref<10240x32xf32, #tpu.memory_space<vmem_shared>>
        tpu.wait_indirect_dma semaphore(%run_scoped3A : memref<!tpu.dma_semaphore, #tpu.memory_space<semaphore_mem>>) src(%arg12 : memref<256x32xf32, #tpu.memory_space<vmem>>) dst(%dma_wait3A_86 : memref<10240x32xf32, #tpu.memory_space<vmem_shared>>)
        tpu.yield
      }) : () -> ()
    }
    %scan3A_46 = arith.constant 20 : i32
    %barrier3A_47 = arith.constant 0 : index
    tpu.barrier barrier_id(%barrier3A_47)
    "tpu.region"() ({
      %run_scoped3A = tpu.sem_alloc : memref<!tpu.dma_semaphore, #tpu.memory_space<semaphore_mem>>
      %dma_start3A_48 = arith.constant 0 : i32
      %dma_start3A_49 = arith.constant 0 : i32
      %dma_start3A_50 = tpu.memref_slice %arg6[%arg0, %dma_start3A_48, %dma_start3A_49] : memref<2x10240x32xf32, #tpu.memory_space<hbm>> -> memref<1x10240x32xf32, #tpu.memory_space<hbm>>
      %dma_start3A_51 = tpu.memref_squeeze %dma_start3A_50 : memref<1x10240x32xf32, #tpu.memory_space<hbm>> -> memref<10240x32xf32, #tpu.memory_space<hbm>>
      %dma_start3A_52 = arith.constant 0 : i32
      %dma_start3A_53 = tpu.memref_slice %dma_start3A_51[%mul3A_0, %dma_start3A_52] : memref<10240x32xf32, #tpu.memory_space<hbm>> -> memref<640x32xf32, #tpu.memory_space<hbm>>
      %dma_start3A_54 = arith.constant 0 : i32
      %dma_start3A_55 = tpu.memref_slice %arg7[%mul3A_0, %dma_start3A_54] : memref<10240x32xf32, #tpu.memory_space<vmem_shared>> -> memref<640x32xf32, #tpu.memory_space<vmem_shared>>
      tpu.enqueue_dma source(%dma_start3A_55 : memref<640x32xf32, #tpu.memory_space<vmem_shared>>) target(%dma_start3A_53 : memref<640x32xf32, #tpu.memory_space<hbm>>) target_semaphore(%run_scoped3A : memref<!tpu.dma_semaphore, #tpu.memory_space<semaphore_mem>>)
      %dma_wait3A_56 = arith.constant 0 : i32
      %dma_wait3A_57 = arith.constant 0 : i32
      %dma_wait3A_58 = tpu.memref_slice %arg6[%arg0, %dma_wait3A_56, %dma_wait3A_57] : memref<2x10240x32xf32, #tpu.memory_space<hbm>> -> memref<1x10240x32xf32, #tpu.memory_space<hbm>>
      %dma_wait3A_59 = tpu.memref_squeeze %dma_wait3A_58 : memref<1x10240x32xf32, #tpu.memory_space<hbm>> -> memref<10240x32xf32, #tpu.memory_space<hbm>>
      %dma_wait3A_60 = arith.constant 0 : i32
      %dma_wait3A_61 = tpu.memref_slice %dma_wait3A_59[%mul3A_0, %dma_wait3A_60] : memref<10240x32xf32, #tpu.memory_space<hbm>> -> memref<640x32xf32, #tpu.memory_space<hbm>>
      %dma_wait3A_62 = arith.constant 0 : i32
      %dma_wait3A_63 = tpu.memref_slice %arg7[%mul3A_0, %dma_wait3A_62] : memref<10240x32xf32, #tpu.memory_space<vmem_shared>> -> memref<640x32xf32, #tpu.memory_space<vmem_shared>>
      tpu.wait_dma2 semaphore(%run_scoped3A : memref<!tpu.dma_semaphore, #tpu.memory_space<semaphore_mem>>) src(%dma_wait3A_63 : memref<640x32xf32, #tpu.memory_space<vmem_shared>>) dst(%dma_wait3A_61 : memref<640x32xf32, #tpu.memory_space<hbm>>)
      tpu.yield
    }) : () -> ()
    return
  }
}

#map = affine_map<(d0, d1) -> (0, 0, 0)>
#map1 = affine_map<(d0, d1) -> (0, 0)>
module attributes {stable_mosaic.version = 14 : i64} {
  func.func @_sc_fused_last(%arg0: i32, %arg1: i32, %arg2: memref<2x10240x32xf32, #tpu.memory_space<hbm>>, %arg3: memref<10240x32xf32, #tpu.memory_space<hbm>>, %arg4: memref<10240x16xf32, #tpu.memory_space<hbm>>, %arg5: memref<8x32xf32, #tpu.memory_space<hbm>>, %arg6: memref<1280x256xi32, #tpu.memory_space<hbm>>, %arg7: memref<1280x256xi32, #tpu.memory_space<hbm>>, %arg8: memref<10240x32xf32, #tpu.memory_space<hbm>>, %arg9: memref<2x10240x32xf32, #tpu.memory_space<hbm>>, %arg10: memref<10240x32xf32, #tpu.memory_space<hbm>>, %arg11: memref<10240x32xf32, #tpu.memory_space<vmem_shared>>, %arg12: memref<10240x32xf32, #tpu.memory_space<vmem_shared>>, %arg13: memref<40x256xi32, #tpu.memory_space<vmem>>, %arg14: memref<40x256xi32, #tpu.memory_space<vmem>>, %arg15: memref<256x32xf32, #tpu.memory_space<vmem>>, %arg16: memref<256x32xf32, #tpu.memory_space<vmem>>, %arg17: memref<320x32xf32, #tpu.memory_space<vmem>>, %arg18: memref<320x32xf32, #tpu.memory_space<vmem>>, %arg19: memref<320x32xf32, #tpu.memory_space<vmem>>, %arg20: memref<320x16xf32, #tpu.memory_space<vmem>>, %arg21: memref<8x32xf32, #tpu.memory_space<vmem>>, %arg22: memref<!tpu.dma_semaphore, #tpu.memory_space<semaphore_mem>>, %arg23: memref<!tpu.dma_semaphore, #tpu.memory_space<semaphore_mem>>, %arg24: memref<!tpu.dma_semaphore, #tpu.memory_space<semaphore_mem>>, %arg25: memref<!tpu.dma_semaphore, #tpu.memory_space<semaphore_mem>>) attributes {dimension_semantics = [#tpu.dimension_semantics<core_parallel>, #tpu.dimension_semantics<subcore_parallel>], iteration_bounds = array<i64: 2, 16>, scalar_prefetch = 0 : i64, scratch_operands = 15 : i64, tpu.core_type = #tpu.core_type<sc_vector_subcore>, window_params = [{transform_indices = #map}, {transform_indices = #map1}, {transform_indices = #map1}, {transform_indices = #map1}, {transform_indices = #map1}, {transform_indices = #map1}, {transform_indices = #map1}, {transform_indices = #map}, {transform_indices = #map1}]} {
    %mul3A = arith.constant 640 : i32
    %mul3A_0 = arith.muli %arg1, %mul3A : i32
    %mul3A_1 = arith.constant 16 : i32
    %mul3A_2 = arith.muli %arg0, %mul3A_1 : i32
    %add3A = arith.addi %mul3A_2, %arg1 : i32
    %mul3A_3 = arith.constant 40 : i32
    %mul3A_4 = arith.muli %add3A, %mul3A_3 : i32
    %dma_start3A = arith.constant 0 : i32
    %dma_start3A_5 = tpu.memref_slice %arg11[%mul3A_0, %dma_start3A] : memref<10240x32xf32, #tpu.memory_space<vmem_shared>> -> memref<640x32xf32, #tpu.memory_space<vmem_shared>>
    %dma_start3A_6 = arith.constant 0 : i32
    %dma_start3A_7 = tpu.memref_slice %arg8[%mul3A_0, %dma_start3A_6] : memref<10240x32xf32, #tpu.memory_space<hbm>> -> memref<640x32xf32, #tpu.memory_space<hbm>>
    tpu.enqueue_dma source(%dma_start3A_7 : memref<640x32xf32, #tpu.memory_space<hbm>>) target(%dma_start3A_5 : memref<640x32xf32, #tpu.memory_space<vmem_shared>>) target_semaphore(%arg22 : memref<!tpu.dma_semaphore, #tpu.memory_space<semaphore_mem>>)
    %dma_start3A_8 = arith.constant 0 : i32
    %dma_start3A_9 = tpu.memref_slice %arg6[%mul3A_4, %dma_start3A_8] : memref<1280x256xi32, #tpu.memory_space<hbm>> -> memref<40x256xi32, #tpu.memory_space<hbm>>
    %dma_start3A_10 = arith.constant 0 : i32
    %dma_start3A_11 = tpu.memref_slice %arg6[%mul3A_4, %dma_start3A_10] : memref<1280x256xi32, #tpu.memory_space<hbm>> -> memref<40x256xi32, #tpu.memory_space<hbm>>
    tpu.enqueue_dma source(%dma_start3A_11 : memref<40x256xi32, #tpu.memory_space<hbm>>) target(%arg13 : memref<40x256xi32, #tpu.memory_space<vmem>>) target_semaphore(%arg24 : memref<!tpu.dma_semaphore, #tpu.memory_space<semaphore_mem>>)
    %dma_start3A_12 = arith.constant 0 : i32
    %dma_start3A_13 = tpu.memref_slice %arg7[%mul3A_4, %dma_start3A_12] : memref<1280x256xi32, #tpu.memory_space<hbm>> -> memref<40x256xi32, #tpu.memory_space<hbm>>
    %dma_start3A_14 = arith.constant 0 : i32
    %dma_start3A_15 = tpu.memref_slice %arg7[%mul3A_4, %dma_start3A_14] : memref<1280x256xi32, #tpu.memory_space<hbm>> -> memref<40x256xi32, #tpu.memory_space<hbm>>
    tpu.enqueue_dma source(%dma_start3A_15 : memref<40x256xi32, #tpu.memory_space<hbm>>) target(%arg14 : memref<40x256xi32, #tpu.memory_space<vmem>>) target_semaphore(%arg25 : memref<!tpu.dma_semaphore, #tpu.memory_space<semaphore_mem>>)
    "tpu.region"() ({
      %run_scoped3A = tpu.sem_alloc : memref<!tpu.dma_semaphore, #tpu.memory_space<semaphore_mem>>
      tpu.enqueue_dma source(%arg5 : memref<8x32xf32, #tpu.memory_space<hbm>>) target(%arg21 : memref<8x32xf32, #tpu.memory_space<vmem>>) target_semaphore(%run_scoped3A : memref<!tpu.dma_semaphore, #tpu.memory_space<semaphore_mem>>)
      tpu.wait_dma2 semaphore(%run_scoped3A : memref<!tpu.dma_semaphore, #tpu.memory_space<semaphore_mem>>) src(%arg5 : memref<8x32xf32, #tpu.memory_space<hbm>>) dst(%arg21 : memref<8x32xf32, #tpu.memory_space<vmem>>)
      tpu.yield
    }) : () -> ()
    %dma_wait3A = arith.constant 0 : i32
    %dma_wait3A_16 = tpu.memref_slice %arg11[%mul3A_0, %dma_wait3A] : memref<10240x32xf32, #tpu.memory_space<vmem_shared>> -> memref<640x32xf32, #tpu.memory_space<vmem_shared>>
    %dma_wait3A_17 = arith.constant 0 : i32
    %dma_wait3A_18 = tpu.memref_slice %arg8[%mul3A_0, %dma_wait3A_17] : memref<10240x32xf32, #tpu.memory_space<hbm>> -> memref<640x32xf32, #tpu.memory_space<hbm>>
    tpu.wait_dma2 semaphore(%arg22 : memref<!tpu.dma_semaphore, #tpu.memory_space<semaphore_mem>>) src(%dma_wait3A_18 : memref<640x32xf32, #tpu.memory_space<hbm>>) dst(%dma_wait3A_16 : memref<640x32xf32, #tpu.memory_space<vmem_shared>>)
    %dma_wait3A_19 = arith.constant 0 : i32
    %dma_wait3A_20 = tpu.memref_slice %arg6[%mul3A_4, %dma_wait3A_19] : memref<1280x256xi32, #tpu.memory_space<hbm>> -> memref<40x256xi32, #tpu.memory_space<hbm>>
    %dma_wait3A_21 = arith.constant 0 : i32
    %dma_wait3A_22 = tpu.memref_slice %arg6[%mul3A_4, %dma_wait3A_21] : memref<1280x256xi32, #tpu.memory_space<hbm>> -> memref<40x256xi32, #tpu.memory_space<hbm>>
    tpu.wait_dma2 semaphore(%arg24 : memref<!tpu.dma_semaphore, #tpu.memory_space<semaphore_mem>>) src(%dma_wait3A_22 : memref<40x256xi32, #tpu.memory_space<hbm>>) dst(%arg13 : memref<40x256xi32, #tpu.memory_space<vmem>>)
    %dma_wait3A_23 = arith.constant 0 : i32
    %dma_wait3A_24 = tpu.memref_slice %arg7[%mul3A_4, %dma_wait3A_23] : memref<1280x256xi32, #tpu.memory_space<hbm>> -> memref<40x256xi32, #tpu.memory_space<hbm>>
    %dma_wait3A_25 = arith.constant 0 : i32
    %dma_wait3A_26 = tpu.memref_slice %arg7[%mul3A_4, %dma_wait3A_25] : memref<1280x256xi32, #tpu.memory_space<hbm>> -> memref<40x256xi32, #tpu.memory_space<hbm>>
    tpu.wait_dma2 semaphore(%arg25 : memref<!tpu.dma_semaphore, #tpu.memory_space<semaphore_mem>>) src(%dma_wait3A_26 : memref<40x256xi32, #tpu.memory_space<hbm>>) dst(%arg14 : memref<40x256xi32, #tpu.memory_space<vmem>>)
    %get3A = arith.constant 0 : i32
    %get3A_27 = arith.index_cast %get3A : i32 to index
    %get3A_28 = arith.constant 0 : index
    %get3A_29 = tpu.vector_load %arg21[%get3A_27, %get3A_28] {strides = array<i32>} : memref<8x32xf32, #tpu.memory_space<vmem>>, vector<1x16xf32>,
    %get3A_30 = vector.shape_cast %get3A_29 : vector<1x16xf32> to vector<16xf32>
    %get3A_31 = arith.constant 0 : i32
    %get3A_32 = arith.index_cast %get3A_31 : i32 to index
    %get3A_33 = arith.constant 16 : index
    %get3A_34 = tpu.vector_load %arg21[%get3A_32, %get3A_33] {strides = array<i32>} : memref<8x32xf32, #tpu.memory_space<vmem>>, vector<1x16xf32>,
    %get3A_35 = vector.shape_cast %get3A_34 : vector<1x16xf32> to vector<16xf32>
    %add3A_36 = arith.constant 0 : i32
    %add3A_37 = arith.addi %mul3A_0, %add3A_36 : i32
    %dma_start3A_38 = arith.constant 0 : i32
    %dma_start3A_39 = arith.constant 0 : i32
    %dma_start3A_40 = arith.constant 0 : i32
    %dma_start3A_41 = tpu.memref_slice %arg2[%dma_start3A_38, %dma_start3A_39, %dma_start3A_40] : memref<2x10240x32xf32, #tpu.memory_space<hbm>> -> memref<1x10240x32xf32, #tpu.memory_space<hbm>>
    %dma_start3A_42 = tpu.memref_squeeze %dma_start3A_41 : memref<1x10240x32xf32, #tpu.memory_space<hbm>> -> memref<10240x32xf32, #tpu.memory_space<hbm>>
    %dma_start3A_43 = arith.constant 0 : i32
    %dma_start3A_44 = tpu.memref_slice %dma_start3A_42[%add3A_37, %dma_start3A_43] : memref<10240x32xf32, #tpu.memory_space<hbm>> -> memref<320x32xf32, #tpu.memory_space<hbm>>
    %dma_start3A_45 = arith.constant 0 : i32
    %dma_start3A_46 = arith.constant 0 : i32
    %dma_start3A_47 = tpu.memref_slice %arg2[%dma_start3A_38, %dma_start3A_45, %dma_start3A_46] : memref<2x10240x32xf32, #tpu.memory_space<hbm>> -> memref<1x10240x32xf32, #tpu.memory_space<hbm>>
    %dma_start3A_48 = tpu.memref_squeeze %dma_start3A_47 : memref<1x10240x32xf32, #tpu.memory_space<hbm>> -> memref<10240x32xf32, #tpu.memory_space<hbm>>
    %dma_start3A_49 = arith.constant 0 : i32
    %dma_start3A_50 = tpu.memref_slice %dma_start3A_48[%add3A_37, %dma_start3A_49] : memref<10240x32xf32, #tpu.memory_space<hbm>> -> memref<320x32xf32, #tpu.memory_space<hbm>>
    tpu.enqueue_dma source(%dma_start3A_50 : memref<320x32xf32, #tpu.memory_space<hbm>>) target(%arg17 : memref<320x32xf32, #tpu.memory_space<vmem>>) target_semaphore(%arg22 : memref<!tpu.dma_semaphore, #tpu.memory_space<semaphore_mem>>)
    %dma_start3A_51 = arith.constant 1 : i32
    %dma_start3A_52 = arith.constant 0 : i32
    %dma_start3A_53 = arith.constant 0 : i32
    %dma_start3A_54 = tpu.memref_slice %arg2[%dma_start3A_51, %dma_start3A_52, %dma_start3A_53] : memref<2x10240x32xf32, #tpu.memory_space<hbm>> -> memref<1x10240x32xf32, #tpu.memory_space<hbm>>
    %dma_start3A_55 = tpu.memref_squeeze %dma_start3A_54 : memref<1x10240x32xf32, #tpu.memory_space<hbm>> -> memref<10240x32xf32, #tpu.memory_space<hbm>>
    %dma_start3A_56 = arith.constant 0 : i32
    %dma_start3A_57 = tpu.memref_slice %dma_start3A_55[%add3A_37, %dma_start3A_56] : memref<10240x32xf32, #tpu.memory_space<hbm>> -> memref<320x32xf32, #tpu.memory_space<hbm>>
    %dma_start3A_58 = arith.constant 0 : i32
    %dma_start3A_59 = arith.constant 0 : i32
    %dma_start3A_60 = tpu.memref_slice %arg2[%dma_start3A_51, %dma_start3A_58, %dma_start3A_59] : memref<2x10240x32xf32, #tpu.memory_space<hbm>> -> memref<1x10240x32xf32, #tpu.memory_space<hbm>>
    %dma_start3A_61 = tpu.memref_squeeze %dma_start3A_60 : memref<1x10240x32xf32, #tpu.memory_space<hbm>> -> memref<10240x32xf32, #tpu.memory_space<hbm>>
    %dma_start3A_62 = arith.constant 0 : i32
    %dma_start3A_63 = tpu.memref_slice %dma_start3A_61[%add3A_37, %dma_start3A_62] : memref<10240x32xf32, #tpu.memory_space<hbm>> -> memref<320x32xf32, #tpu.memory_space<hbm>>
    tpu.enqueue_dma source(%dma_start3A_63 : memref<320x32xf32, #tpu.memory_space<hbm>>) target(%arg18 : memref<320x32xf32, #tpu.memory_space<vmem>>) target_semaphore(%arg23 : memref<!tpu.dma_semaphore, #tpu.memory_space<semaphore_mem>>)
    %dma_start3A_64 = arith.constant 0 : i32
    %dma_start3A_65 = tpu.memref_slice %arg3[%add3A_37, %dma_start3A_64] : memref<10240x32xf32, #tpu.memory_space<hbm>> -> memref<320x32xf32, #tpu.memory_space<hbm>>
    %dma_start3A_66 = arith.constant 0 : i32
    %dma_start3A_67 = tpu.memref_slice %arg3[%add3A_37, %dma_start3A_66] : memref<10240x32xf32, #tpu.memory_space<hbm>> -> memref<320x32xf32, #tpu.memory_space<hbm>>
    tpu.enqueue_dma source(%dma_start3A_67 : memref<320x32xf32, #tpu.memory_space<hbm>>) target(%arg19 : memref<320x32xf32, #tpu.memory_space<vmem>>) target_semaphore(%arg24 : memref<!tpu.dma_semaphore, #tpu.memory_space<semaphore_mem>>)
    %dma_start3A_68 = arith.constant 0 : i32
    %dma_start3A_69 = tpu.memref_slice %arg4[%add3A_37, %dma_start3A_68] : memref<10240x16xf32, #tpu.memory_space<hbm>> -> memref<320x16xf32, #tpu.memory_space<hbm>>
    %dma_start3A_70 = arith.constant 0 : i32
    %dma_start3A_71 = tpu.memref_slice %arg4[%add3A_37, %dma_start3A_70] : memref<10240x16xf32, #tpu.memory_space<hbm>> -> memref<320x16xf32, #tpu.memory_space<hbm>>
    tpu.enqueue_dma source(%dma_start3A_71 : memref<320x16xf32, #tpu.memory_space<hbm>>) target(%arg20 : memref<320x16xf32, #tpu.memory_space<vmem>>) target_semaphore(%arg25 : memref<!tpu.dma_semaphore, #tpu.memory_space<semaphore_mem>>)
    %dma_wait3A_72 = arith.constant 0 : i32
    %dma_wait3A_73 = arith.constant 0 : i32
    %dma_wait3A_74 = arith.constant 0 : i32
    %dma_wait3A_75 = tpu.memref_slice %arg2[%dma_wait3A_72, %dma_wait3A_73, %dma_wait3A_74] : memref<2x10240x32xf32, #tpu.memory_space<hbm>> -> memref<1x10240x32xf32, #tpu.memory_space<hbm>>
    %dma_wait3A_76 = tpu.memref_squeeze %dma_wait3A_75 : memref<1x10240x32xf32, #tpu.memory_space<hbm>> -> memref<10240x32xf32, #tpu.memory_space<hbm>>
    %dma_wait3A_77 = arith.constant 0 : i32
    %dma_wait3A_78 = tpu.memref_slice %dma_wait3A_76[%add3A_37, %dma_wait3A_77] : memref<10240x32xf32, #tpu.memory_space<hbm>> -> memref<320x32xf32, #tpu.memory_space<hbm>>
    %dma_wait3A_79 = arith.constant 0 : i32
    %dma_wait3A_80 = arith.constant 0 : i32
    %dma_wait3A_81 = tpu.memref_slice %arg2[%dma_wait3A_72, %dma_wait3A_79, %dma_wait3A_80] : memref<2x10240x32xf32, #tpu.memory_space<hbm>> -> memref<1x10240x32xf32, #tpu.memory_space<hbm>>
    %dma_wait3A_82 = tpu.memref_squeeze %dma_wait3A_81 : memref<1x10240x32xf32, #tpu.memory_space<hbm>> -> memref<10240x32xf32, #tpu.memory_space<hbm>>
    %dma_wait3A_83 = arith.constant 0 : i32
    %dma_wait3A_84 = tpu.memref_slice %dma_wait3A_82[%add3A_37, %dma_wait3A_83] : memref<10240x32xf32, #tpu.memory_space<hbm>> -> memref<320x32xf32, #tpu.memory_space<hbm>>
    tpu.wait_dma2 semaphore(%arg22 : memref<!tpu.dma_semaphore, #tpu.memory_space<semaphore_mem>>) src(%dma_wait3A_84 : memref<320x32xf32, #tpu.memory_space<hbm>>) dst(%arg17 : memref<320x32xf32, #tpu.memory_space<vmem>>)
    %dma_wait3A_85 = arith.constant 1 : i32
    %dma_wait3A_86 = arith.constant 0 : i32
    %dma_wait3A_87 = arith.constant 0 : i32
    %dma_wait3A_88 = tpu.memref_slice %arg2[%dma_wait3A_85, %dma_wait3A_86, %dma_wait3A_87] : memref<2x10240x32xf32, #tpu.memory_space<hbm>> -> memref<1x10240x32xf32, #tpu.memory_space<hbm>>
    %dma_wait3A_89 = tpu.memref_squeeze %dma_wait3A_88 : memref<1x10240x32xf32, #tpu.memory_space<hbm>> -> memref<10240x32xf32, #tpu.memory_space<hbm>>
    %dma_wait3A_90 = arith.constant 0 : i32
    %dma_wait3A_91 = tpu.memref_slice %dma_wait3A_89[%add3A_37, %dma_wait3A_90] : memref<10240x32xf32, #tpu.memory_space<hbm>> -> memref<320x32xf32, #tpu.memory_space<hbm>>
    %dma_wait3A_92 = arith.constant 0 : i32
    %dma_wait3A_93 = arith.constant 0 : i32
    %dma_wait3A_94 = tpu.memref_slice %arg2[%dma_wait3A_85, %dma_wait3A_92, %dma_wait3A_93] : memref<2x10240x32xf32, #tpu.memory_space<hbm>> -> memref<1x10240x32xf32, #tpu.memory_space<hbm>>
    %dma_wait3A_95 = tpu.memref_squeeze %dma_wait3A_94 : memref<1x10240x32xf32, #tpu.memory_space<hbm>> -> memref<10240x32xf32, #tpu.memory_space<hbm>>
    %dma_wait3A_96 = arith.constant 0 : i32
    %dma_wait3A_97 = tpu.memref_slice %dma_wait3A_95[%add3A_37, %dma_wait3A_96] : memref<10240x32xf32, #tpu.memory_space<hbm>> -> memref<320x32xf32, #tpu.memory_space<hbm>>
    tpu.wait_dma2 semaphore(%arg23 : memref<!tpu.dma_semaphore, #tpu.memory_space<semaphore_mem>>) src(%dma_wait3A_97 : memref<320x32xf32, #tpu.memory_space<hbm>>) dst(%arg18 : memref<320x32xf32, #tpu.memory_space<vmem>>)
    %dma_wait3A_98 = arith.constant 0 : i32
    %dma_wait3A_99 = tpu.memref_slice %arg3[%add3A_37, %dma_wait3A_98] : memref<10240x32xf32, #tpu.memory_space<hbm>> -> memref<320x32xf32, #tpu.memory_space<hbm>>
    %dma_wait3A_100 = arith.constant 0 : i32
    %dma_wait3A_101 = tpu.memref_slice %arg3[%add3A_37, %dma_wait3A_100] : memref<10240x32xf32, #tpu.memory_space<hbm>> -> memref<320x32xf32, #tpu.memory_space<hbm>>
    tpu.wait_dma2 semaphore(%arg24 : memref<!tpu.dma_semaphore, #tpu.memory_space<semaphore_mem>>) src(%dma_wait3A_101 : memref<320x32xf32, #tpu.memory_space<hbm>>) dst(%arg19 : memref<320x32xf32, #tpu.memory_space<vmem>>)
    %dma_wait3A_102 = arith.constant 0 : i32
    %dma_wait3A_103 = tpu.memref_slice %arg4[%add3A_37, %dma_wait3A_102] : memref<10240x16xf32, #tpu.memory_space<hbm>> -> memref<320x16xf32, #tpu.memory_space<hbm>>
    %dma_wait3A_104 = arith.constant 0 : i32
    %dma_wait3A_105 = tpu.memref_slice %arg4[%add3A_37, %dma_wait3A_104] : memref<10240x16xf32, #tpu.memory_space<hbm>> -> memref<320x16xf32, #tpu.memory_space<hbm>>
    tpu.wait_dma2 semaphore(%arg25 : memref<!tpu.dma_semaphore, #tpu.memory_space<semaphore_mem>>) src(%dma_wait3A_105 : memref<320x16xf32, #tpu.memory_space<hbm>>) dst(%arg20 : memref<320x16xf32, #tpu.memory_space<vmem>>)
    %scan3A = arith.constant 0 : i32
    %scan3A_106 = arith.constant 0 : i32
    %scan3A_107 = arith.constant 320 : i32
    %scan3A_108 = arith.addi %scan3A_106, %scan3A_107 : i32
    %scan3A_109 = arith.constant 1 : i32
    scf.for %scan3A_208 = %scan3A_106 to %scan3A_108 step %scan3A_109  : i32 {
      %get3A_209 = arith.index_cast %scan3A_208 : i32 to index
      %get3A_210 = arith.constant 0 : index
      %get3A_211 = tpu.vector_load %arg20[%get3A_209, %get3A_210] {strides = array<i32>} : memref<320x16xf32, #tpu.memory_space<vmem>>, vector<1x16xf32>,
      %get3A_212 = vector.shape_cast %get3A_211 : vector<1x16xf32> to vector<16xf32>
      %get3A_213 = arith.index_cast %scan3A_208 : i32 to index
      %get3A_214 = arith.constant 0 : index
      %get3A_215 = tpu.vector_load %arg17[%get3A_213, %get3A_214] {strides = array<i32>} : memref<320x32xf32, #tpu.memory_space<vmem>>, vector<1x16xf32>,
      %get3A_216 = vector.shape_cast %get3A_215 : vector<1x16xf32> to vector<16xf32>
      %get3A_217 = arith.index_cast %scan3A_208 : i32 to index
      %get3A_218 = arith.constant 0 : index
      %get3A_219 = tpu.vector_load %arg18[%get3A_217, %get3A_218] {strides = array<i32>} : memref<320x32xf32, #tpu.memory_space<vmem>>, vector<1x16xf32>,
      %get3A_220 = vector.shape_cast %get3A_219 : vector<1x16xf32> to vector<16xf32>
      %add3A_221 = arith.addf %get3A_216, %get3A_220 : vector<16xf32>
      %get3A_222 = arith.index_cast %scan3A_208 : i32 to index
      %get3A_223 = arith.constant 0 : index
      %get3A_224 = tpu.vector_load %arg19[%get3A_222, %get3A_223] {strides = array<i32>} : memref<320x32xf32, #tpu.memory_space<vmem>>, vector<1x16xf32>,
      %get3A_225 = vector.shape_cast %get3A_224 : vector<1x16xf32> to vector<16xf32>
      %add3A_226 = arith.addf %add3A_221, %get3A_225 : vector<16xf32>
      %get3A_227 = arith.index_cast %scan3A_208 : i32 to index
      %get3A_228 = arith.constant 16 : index
      %get3A_229 = tpu.vector_load %arg17[%get3A_227, %get3A_228] {strides = array<i32>} : memref<320x32xf32, #tpu.memory_space<vmem>>, vector<1x16xf32>,
      %get3A_230 = vector.shape_cast %get3A_229 : vector<1x16xf32> to vector<16xf32>
      %get3A_231 = arith.index_cast %scan3A_208 : i32 to index
      %get3A_232 = arith.constant 16 : index
      %get3A_233 = tpu.vector_load %arg18[%get3A_231, %get3A_232] {strides = array<i32>} : memref<320x32xf32, #tpu.memory_space<vmem>>, vector<1x16xf32>,
      %get3A_234 = vector.shape_cast %get3A_233 : vector<1x16xf32> to vector<16xf32>
      %add3A_235 = arith.addf %get3A_230, %get3A_234 : vector<16xf32>
      %get3A_236 = arith.index_cast %scan3A_208 : i32 to index
      %get3A_237 = arith.constant 16 : index
      %get3A_238 = tpu.vector_load %arg19[%get3A_236, %get3A_237] {strides = array<i32>} : memref<320x32xf32, #tpu.memory_space<vmem>>, vector<1x16xf32>,
      %get3A_239 = vector.shape_cast %get3A_238 : vector<1x16xf32> to vector<16xf32>
      %add3A_240 = arith.addf %add3A_235, %get3A_239 : vector<16xf32>
      %mul3A_241 = arith.mulf %add3A_226, %get3A_212 : vector<16xf32>
      %add3A_242 = arith.addf %mul3A_241, %get3A_30 : vector<16xf32>
      %max3A = arith.constant 0.000000e+00 : f32
      %max3A_243 = vector.broadcast %max3A : f32 to vector<16xf32>
      %max3A_244 = arith.maximumf %add3A_242, %max3A_243 : vector<16xf32>
      %mul3A_245 = arith.mulf %max3A_244, %get3A_212 : vector<16xf32>
      %swap3A = arith.index_cast %scan3A_208 : i32 to index
      %swap3A_246 = arith.constant 0 : index
      %swap3A_247 = tpu.vector_load %arg17[%swap3A, %swap3A_246] {strides = array<i32>} : memref<320x32xf32, #tpu.memory_space<vmem>>, vector<1x16xf32>,
      %swap3A_248 = vector.shape_cast %swap3A_247 : vector<1x16xf32> to vector<16xf32>
      %swap3A_249 = vector.shape_cast %mul3A_245 : vector<16xf32> to vector<1x16xf32>
      tpu.vector_store %arg17[%swap3A, %swap3A_246], %swap3A_249 {strides = array<i32>} : memref<320x32xf32, #tpu.memory_space<vmem>>, vector<1x16xf32>,
      %mul3A_250 = arith.mulf %add3A_240, %get3A_212 : vector<16xf32>
      %add3A_251 = arith.addf %mul3A_250, %get3A_35 : vector<16xf32>
      %max3A_252 = arith.constant 0.000000e+00 : f32
      %max3A_253 = vector.broadcast %max3A_252 : f32 to vector<16xf32>
      %max3A_254 = arith.maximumf %add3A_251, %max3A_253 : vector<16xf32>
      %mul3A_255 = arith.mulf %max3A_254, %get3A_212 : vector<16xf32>
      %swap3A_256 = arith.index_cast %scan3A_208 : i32 to index
      %swap3A_257 = arith.constant 16 : index
      %swap3A_258 = tpu.vector_load %arg17[%swap3A_256, %swap3A_257] {strides = array<i32>} : memref<320x32xf32, #tpu.memory_space<vmem>>, vector<1x16xf32>,
      %swap3A_259 = vector.shape_cast %swap3A_258 : vector<1x16xf32> to vector<16xf32>
      %swap3A_260 = vector.shape_cast %mul3A_255 : vector<16xf32> to vector<1x16xf32>
      tpu.vector_store %arg17[%swap3A_256, %swap3A_257], %swap3A_260 {strides = array<i32>} : memref<320x32xf32, #tpu.memory_space<vmem>>, vector<1x16xf32>,
    }
    %scan3A_110 = arith.constant 320 : i32
    "tpu.region"() ({
      %run_scoped3A = tpu.sem_alloc : memref<!tpu.dma_semaphore, #tpu.memory_space<semaphore_mem>>
      %dma_start3A_208 = arith.constant 0 : i32
      %dma_start3A_209 = tpu.memref_slice %arg12[%add3A_37, %dma_start3A_208] : memref<10240x32xf32, #tpu.memory_space<vmem_shared>> -> memref<320x32xf32, #tpu.memory_space<vmem_shared>>
      %dma_start3A_210 = arith.constant 0 : i32
      %dma_start3A_211 = tpu.memref_slice %arg12[%add3A_37, %dma_start3A_210] : memref<10240x32xf32, #tpu.memory_space<vmem_shared>> -> memref<320x32xf32, #tpu.memory_space<vmem_shared>>
      tpu.enqueue_dma source(%arg17 : memref<320x32xf32, #tpu.memory_space<vmem>>) target(%dma_start3A_211 : memref<320x32xf32, #tpu.memory_space<vmem_shared>>) target_semaphore(%run_scoped3A : memref<!tpu.dma_semaphore, #tpu.memory_space<semaphore_mem>>)
      %dma_wait3A_212 = arith.constant 0 : i32
      %dma_wait3A_213 = tpu.memref_slice %arg12[%add3A_37, %dma_wait3A_212] : memref<10240x32xf32, #tpu.memory_space<vmem_shared>> -> memref<320x32xf32, #tpu.memory_space<vmem_shared>>
      %dma_wait3A_214 = arith.constant 0 : i32
      %dma_wait3A_215 = tpu.memref_slice %arg12[%add3A_37, %dma_wait3A_214] : memref<10240x32xf32, #tpu.memory_space<vmem_shared>> -> memref<320x32xf32, #tpu.memory_space<vmem_shared>>
      tpu.wait_dma2 semaphore(%run_scoped3A : memref<!tpu.dma_semaphore, #tpu.memory_space<semaphore_mem>>) src(%arg17 : memref<320x32xf32, #tpu.memory_space<vmem>>) dst(%dma_wait3A_215 : memref<320x32xf32, #tpu.memory_space<vmem_shared>>)
      tpu.yield
    }) : () -> ()
    %eq3A = arith.constant 0 : i32
    %eq3A_111 = arith.cmpi eq, %arg0, %eq3A : i32
    %convert_element_type3A = arith.extui %eq3A_111 : i1 to i32
    %cond3A = arith.constant 0 : i32
    %cond3A_112 = arith.cmpi ne, %convert_element_type3A, %cond3A : i32
    scf.if %cond3A_112 {
      "tpu.region"() ({
        %run_scoped3A = tpu.sem_alloc : memref<!tpu.dma_semaphore, #tpu.memory_space<semaphore_mem>>
        %dma_start3A_208 = arith.constant 0 : i32
        %dma_start3A_209 = tpu.memref_slice %arg10[%add3A_37, %dma_start3A_208] : memref<10240x32xf32, #tpu.memory_space<hbm>> -> memref<320x32xf32, #tpu.memory_space<hbm>>
        %dma_start3A_210 = arith.constant 0 : i32
        %dma_start3A_211 = tpu.memref_slice %arg10[%add3A_37, %dma_start3A_210] : memref<10240x32xf32, #tpu.memory_space<hbm>> -> memref<320x32xf32, #tpu.memory_space<hbm>>
        tpu.enqueue_dma source(%arg17 : memref<320x32xf32, #tpu.memory_space<vmem>>) target(%dma_start3A_211 : memref<320x32xf32, #tpu.memory_space<hbm>>) target_semaphore(%run_scoped3A : memref<!tpu.dma_semaphore, #tpu.memory_space<semaphore_mem>>)
        %dma_wait3A_212 = arith.constant 0 : i32
        %dma_wait3A_213 = tpu.memref_slice %arg10[%add3A_37, %dma_wait3A_212] : memref<10240x32xf32, #tpu.memory_space<hbm>> -> memref<320x32xf32, #tpu.memory_space<hbm>>
        %dma_wait3A_214 = arith.constant 0 : i32
        %dma_wait3A_215 = tpu.memref_slice %arg10[%add3A_37, %dma_wait3A_214] : memref<10240x32xf32, #tpu.memory_space<hbm>> -> memref<320x32xf32, #tpu.memory_space<hbm>>
        tpu.wait_dma2 semaphore(%run_scoped3A : memref<!tpu.dma_semaphore, #tpu.memory_space<semaphore_mem>>) src(%arg17 : memref<320x32xf32, #tpu.memory_space<vmem>>) dst(%dma_wait3A_215 : memref<320x32xf32, #tpu.memory_space<hbm>>)
        tpu.yield
      }) : () -> ()
    } else {
    }
    %add3A_113 = arith.constant 320 : i32
    %add3A_114 = arith.addi %mul3A_0, %add3A_113 : i32
    %dma_start3A_115 = arith.constant 0 : i32
    %dma_start3A_116 = arith.constant 0 : i32
    %dma_start3A_117 = arith.constant 0 : i32
    %dma_start3A_118 = tpu.memref_slice %arg2[%dma_start3A_115, %dma_start3A_116, %dma_start3A_117] : memref<2x10240x32xf32, #tpu.memory_space<hbm>> -> memref<1x10240x32xf32, #tpu.memory_space<hbm>>
    %dma_start3A_119 = tpu.memref_squeeze %dma_start3A_118 : memref<1x10240x32xf32, #tpu.memory_space<hbm>> -> memref<10240x32xf32, #tpu.memory_space<hbm>>
    %dma_start3A_120 = arith.constant 0 : i32
    %dma_start3A_121 = tpu.memref_slice %dma_start3A_119[%add3A_114, %dma_start3A_120] : memref<10240x32xf32, #tpu.memory_space<hbm>> -> memref<320x32xf32, #tpu.memory_space<hbm>>
    %dma_start3A_122 = arith.constant 0 : i32
    %dma_start3A_123 = arith.constant 0 : i32
    %dma_start3A_124 = tpu.memref_slice %arg2[%dma_start3A_115, %dma_start3A_122, %dma_start3A_123] : memref<2x10240x32xf32, #tpu.memory_space<hbm>> -> memref<1x10240x32xf32, #tpu.memory_space<hbm>>
    %dma_start3A_125 = tpu.memref_squeeze %dma_start3A_124 : memref<1x10240x32xf32, #tpu.memory_space<hbm>> -> memref<10240x32xf32, #tpu.memory_space<hbm>>
    %dma_start3A_126 = arith.constant 0 : i32
    %dma_start3A_127 = tpu.memref_slice %dma_start3A_125[%add3A_114, %dma_start3A_126] : memref<10240x32xf32, #tpu.memory_space<hbm>> -> memref<320x32xf32, #tpu.memory_space<hbm>>
    tpu.enqueue_dma source(%dma_start3A_127 : memref<320x32xf32, #tpu.memory_space<hbm>>) target(%arg17 : memref<320x32xf32, #tpu.memory_space<vmem>>) target_semaphore(%arg22 : memref<!tpu.dma_semaphore, #tpu.memory_space<semaphore_mem>>)
    %dma_start3A_128 = arith.constant 1 : i32
    %dma_start3A_129 = arith.constant 0 : i32
    %dma_start3A_130 = arith.constant 0 : i32
    %dma_start3A_131 = tpu.memref_slice %arg2[%dma_start3A_128, %dma_start3A_129, %dma_start3A_130] : memref<2x10240x32xf32, #tpu.memory_space<hbm>> -> memref<1x10240x32xf32, #tpu.memory_space<hbm>>
    %dma_start3A_132 = tpu.memref_squeeze %dma_start3A_131 : memref<1x10240x32xf32, #tpu.memory_space<hbm>> -> memref<10240x32xf32, #tpu.memory_space<hbm>>
    %dma_start3A_133 = arith.constant 0 : i32
    %dma_start3A_134 = tpu.memref_slice %dma_start3A_132[%add3A_114, %dma_start3A_133] : memref<10240x32xf32, #tpu.memory_space<hbm>> -> memref<320x32xf32, #tpu.memory_space<hbm>>
    %dma_start3A_135 = arith.constant 0 : i32
    %dma_start3A_136 = arith.constant 0 : i32
    %dma_start3A_137 = tpu.memref_slice %arg2[%dma_start3A_128, %dma_start3A_135, %dma_start3A_136] : memref<2x10240x32xf32, #tpu.memory_space<hbm>> -> memref<1x10240x32xf32, #tpu.memory_space<hbm>>
    %dma_start3A_138 = tpu.memref_squeeze %dma_start3A_137 : memref<1x10240x32xf32, #tpu.memory_space<hbm>> -> memref<10240x32xf32, #tpu.memory_space<hbm>>
    %dma_start3A_139 = arith.constant 0 : i32
    %dma_start3A_140 = tpu.memref_slice %dma_start3A_138[%add3A_114, %dma_start3A_139] : memref<10240x32xf32, #tpu.memory_space<hbm>> -> memref<320x32xf32, #tpu.memory_space<hbm>>
    tpu.enqueue_dma source(%dma_start3A_140 : memref<320x32xf32, #tpu.memory_space<hbm>>) target(%arg18 : memref<320x32xf32, #tpu.memory_space<vmem>>) target_semaphore(%arg23 : memref<!tpu.dma_semaphore, #tpu.memory_space<semaphore_mem>>)
    %dma_start3A_141 = arith.constant 0 : i32
    %dma_start3A_142 = tpu.memref_slice %arg3[%add3A_114, %dma_start3A_141] : memref<10240x32xf32, #tpu.memory_space<hbm>> -> memref<320x32xf32, #tpu.memory_space<hbm>>
    %dma_start3A_143 = arith.constant 0 : i32
    %dma_start3A_144 = tpu.memref_slice %arg3[%add3A_114, %dma_start3A_143] : memref<10240x32xf32, #tpu.memory_space<hbm>> -> memref<320x32xf32, #tpu.memory_space<hbm>>
    tpu.enqueue_dma source(%dma_start3A_144 : memref<320x32xf32, #tpu.memory_space<hbm>>) target(%arg19 : memref<320x32xf32, #tpu.memory_space<vmem>>) target_semaphore(%arg24 : memref<!tpu.dma_semaphore, #tpu.memory_space<semaphore_mem>>)
    %dma_start3A_145 = arith.constant 0 : i32
    %dma_start3A_146 = tpu.memref_slice %arg4[%add3A_114, %dma_start3A_145] : memref<10240x16xf32, #tpu.memory_space<hbm>> -> memref<320x16xf32, #tpu.memory_space<hbm>>
    %dma_start3A_147 = arith.constant 0 : i32
    %dma_start3A_148 = tpu.memref_slice %arg4[%add3A_114, %dma_start3A_147] : memref<10240x16xf32, #tpu.memory_space<hbm>> -> memref<320x16xf32, #tpu.memory_space<hbm>>
    tpu.enqueue_dma source(%dma_start3A_148 : memref<320x16xf32, #tpu.memory_space<hbm>>) target(%arg20 : memref<320x16xf32, #tpu.memory_space<vmem>>) target_semaphore(%arg25 : memref<!tpu.dma_semaphore, #tpu.memory_space<semaphore_mem>>)
    %dma_wait3A_149 = arith.constant 0 : i32
    %dma_wait3A_150 = arith.constant 0 : i32
    %dma_wait3A_151 = arith.constant 0 : i32
    %dma_wait3A_152 = tpu.memref_slice %arg2[%dma_wait3A_149, %dma_wait3A_150, %dma_wait3A_151] : memref<2x10240x32xf32, #tpu.memory_space<hbm>> -> memref<1x10240x32xf32, #tpu.memory_space<hbm>>
    %dma_wait3A_153 = tpu.memref_squeeze %dma_wait3A_152 : memref<1x10240x32xf32, #tpu.memory_space<hbm>> -> memref<10240x32xf32, #tpu.memory_space<hbm>>
    %dma_wait3A_154 = arith.constant 0 : i32
    %dma_wait3A_155 = tpu.memref_slice %dma_wait3A_153[%add3A_114, %dma_wait3A_154] : memref<10240x32xf32, #tpu.memory_space<hbm>> -> memref<320x32xf32, #tpu.memory_space<hbm>>
    %dma_wait3A_156 = arith.constant 0 : i32
    %dma_wait3A_157 = arith.constant 0 : i32
    %dma_wait3A_158 = tpu.memref_slice %arg2[%dma_wait3A_149, %dma_wait3A_156, %dma_wait3A_157] : memref<2x10240x32xf32, #tpu.memory_space<hbm>> -> memref<1x10240x32xf32, #tpu.memory_space<hbm>>
    %dma_wait3A_159 = tpu.memref_squeeze %dma_wait3A_158 : memref<1x10240x32xf32, #tpu.memory_space<hbm>> -> memref<10240x32xf32, #tpu.memory_space<hbm>>
    %dma_wait3A_160 = arith.constant 0 : i32
    %dma_wait3A_161 = tpu.memref_slice %dma_wait3A_159[%add3A_114, %dma_wait3A_160] : memref<10240x32xf32, #tpu.memory_space<hbm>> -> memref<320x32xf32, #tpu.memory_space<hbm>>
    tpu.wait_dma2 semaphore(%arg22 : memref<!tpu.dma_semaphore, #tpu.memory_space<semaphore_mem>>) src(%dma_wait3A_161 : memref<320x32xf32, #tpu.memory_space<hbm>>) dst(%arg17 : memref<320x32xf32, #tpu.memory_space<vmem>>)
    %dma_wait3A_162 = arith.constant 1 : i32
    %dma_wait3A_163 = arith.constant 0 : i32
    %dma_wait3A_164 = arith.constant 0 : i32
    %dma_wait3A_165 = tpu.memref_slice %arg2[%dma_wait3A_162, %dma_wait3A_163, %dma_wait3A_164] : memref<2x10240x32xf32, #tpu.memory_space<hbm>> -> memref<1x10240x32xf32, #tpu.memory_space<hbm>>
    %dma_wait3A_166 = tpu.memref_squeeze %dma_wait3A_165 : memref<1x10240x32xf32, #tpu.memory_space<hbm>> -> memref<10240x32xf32, #tpu.memory_space<hbm>>
    %dma_wait3A_167 = arith.constant 0 : i32
    %dma_wait3A_168 = tpu.memref_slice %dma_wait3A_166[%add3A_114, %dma_wait3A_167] : memref<10240x32xf32, #tpu.memory_space<hbm>> -> memref<320x32xf32, #tpu.memory_space<hbm>>
    %dma_wait3A_169 = arith.constant 0 : i32
    %dma_wait3A_170 = arith.constant 0 : i32
    %dma_wait3A_171 = tpu.memref_slice %arg2[%dma_wait3A_162, %dma_wait3A_169, %dma_wait3A_170] : memref<2x10240x32xf32, #tpu.memory_space<hbm>> -> memref<1x10240x32xf32, #tpu.memory_space<hbm>>
    %dma_wait3A_172 = tpu.memref_squeeze %dma_wait3A_171 : memref<1x10240x32xf32, #tpu.memory_space<hbm>> -> memref<10240x32xf32, #tpu.memory_space<hbm>>
    %dma_wait3A_173 = arith.constant 0 : i32
    %dma_wait3A_174 = tpu.memref_slice %dma_wait3A_172[%add3A_114, %dma_wait3A_173] : memref<10240x32xf32, #tpu.memory_space<hbm>> -> memref<320x32xf32, #tpu.memory_space<hbm>>
    tpu.wait_dma2 semaphore(%arg23 : memref<!tpu.dma_semaphore, #tpu.memory_space<semaphore_mem>>) src(%dma_wait3A_174 : memref<320x32xf32, #tpu.memory_space<hbm>>) dst(%arg18 : memref<320x32xf32, #tpu.memory_space<vmem>>)
    %dma_wait3A_175 = arith.constant 0 : i32
    %dma_wait3A_176 = tpu.memref_slice %arg3[%add3A_114, %dma_wait3A_175] : memref<10240x32xf32, #tpu.memory_space<hbm>> -> memref<320x32xf32, #tpu.memory_space<hbm>>
    %dma_wait3A_177 = arith.constant 0 : i32
    %dma_wait3A_178 = tpu.memref_slice %arg3[%add3A_114, %dma_wait3A_177] : memref<10240x32xf32, #tpu.memory_space<hbm>> -> memref<320x32xf32, #tpu.memory_space<hbm>>
    tpu.wait_dma2 semaphore(%arg24 : memref<!tpu.dma_semaphore, #tpu.memory_space<semaphore_mem>>) src(%dma_wait3A_178 : memref<320x32xf32, #tpu.memory_space<hbm>>) dst(%arg19 : memref<320x32xf32, #tpu.memory_space<vmem>>)
    %dma_wait3A_179 = arith.constant 0 : i32
    %dma_wait3A_180 = tpu.memref_slice %arg4[%add3A_114, %dma_wait3A_179] : memref<10240x16xf32, #tpu.memory_space<hbm>> -> memref<320x16xf32, #tpu.memory_space<hbm>>
    %dma_wait3A_181 = arith.constant 0 : i32
    %dma_wait3A_182 = tpu.memref_slice %arg4[%add3A_114, %dma_wait3A_181] : memref<10240x16xf32, #tpu.memory_space<hbm>> -> memref<320x16xf32, #tpu.memory_space<hbm>>
    tpu.wait_dma2 semaphore(%arg25 : memref<!tpu.dma_semaphore, #tpu.memory_space<semaphore_mem>>) src(%dma_wait3A_182 : memref<320x16xf32, #tpu.memory_space<hbm>>) dst(%arg20 : memref<320x16xf32, #tpu.memory_space<vmem>>)
    %scan3A_183 = arith.constant 0 : i32
    %scan3A_184 = arith.constant 0 : i32
    %scan3A_185 = arith.constant 320 : i32
    %scan3A_186 = arith.addi %scan3A_184, %scan3A_185 : i32
    %scan3A_187 = arith.constant 1 : i32
    scf.for %scan3A_208 = %scan3A_184 to %scan3A_186 step %scan3A_187  : i32 {
      %get3A_209 = arith.index_cast %scan3A_208 : i32 to index
      %get3A_210 = arith.constant 0 : index
      %get3A_211 = tpu.vector_load %arg20[%get3A_209, %get3A_210] {strides = array<i32>} : memref<320x16xf32, #tpu.memory_space<vmem>>, vector<1x16xf32>,
      %get3A_212 = vector.shape_cast %get3A_211 : vector<1x16xf32> to vector<16xf32>
      %get3A_213 = arith.index_cast %scan3A_208 : i32 to index
      %get3A_214 = arith.constant 0 : index
      %get3A_215 = tpu.vector_load %arg17[%get3A_213, %get3A_214] {strides = array<i32>} : memref<320x32xf32, #tpu.memory_space<vmem>>, vector<1x16xf32>,
      %get3A_216 = vector.shape_cast %get3A_215 : vector<1x16xf32> to vector<16xf32>
      %get3A_217 = arith.index_cast %scan3A_208 : i32 to index
      %get3A_218 = arith.constant 0 : index
      %get3A_219 = tpu.vector_load %arg18[%get3A_217, %get3A_218] {strides = array<i32>} : memref<320x32xf32, #tpu.memory_space<vmem>>, vector<1x16xf32>,
      %get3A_220 = vector.shape_cast %get3A_219 : vector<1x16xf32> to vector<16xf32>
      %add3A_221 = arith.addf %get3A_216, %get3A_220 : vector<16xf32>
      %get3A_222 = arith.index_cast %scan3A_208 : i32 to index
      %get3A_223 = arith.constant 0 : index
      %get3A_224 = tpu.vector_load %arg19[%get3A_222, %get3A_223] {strides = array<i32>} : memref<320x32xf32, #tpu.memory_space<vmem>>, vector<1x16xf32>,
      %get3A_225 = vector.shape_cast %get3A_224 : vector<1x16xf32> to vector<16xf32>
      %add3A_226 = arith.addf %add3A_221, %get3A_225 : vector<16xf32>
      %get3A_227 = arith.index_cast %scan3A_208 : i32 to index
      %get3A_228 = arith.constant 16 : index
      %get3A_229 = tpu.vector_load %arg17[%get3A_227, %get3A_228] {strides = array<i32>} : memref<320x32xf32, #tpu.memory_space<vmem>>, vector<1x16xf32>,
      %get3A_230 = vector.shape_cast %get3A_229 : vector<1x16xf32> to vector<16xf32>
      %get3A_231 = arith.index_cast %scan3A_208 : i32 to index
      %get3A_232 = arith.constant 16 : index
      %get3A_233 = tpu.vector_load %arg18[%get3A_231, %get3A_232] {strides = array<i32>} : memref<320x32xf32, #tpu.memory_space<vmem>>, vector<1x16xf32>,
      %get3A_234 = vector.shape_cast %get3A_233 : vector<1x16xf32> to vector<16xf32>
      %add3A_235 = arith.addf %get3A_230, %get3A_234 : vector<16xf32>
      %get3A_236 = arith.index_cast %scan3A_208 : i32 to index
      %get3A_237 = arith.constant 16 : index
      %get3A_238 = tpu.vector_load %arg19[%get3A_236, %get3A_237] {strides = array<i32>} : memref<320x32xf32, #tpu.memory_space<vmem>>, vector<1x16xf32>,
      %get3A_239 = vector.shape_cast %get3A_238 : vector<1x16xf32> to vector<16xf32>
      %add3A_240 = arith.addf %add3A_235, %get3A_239 : vector<16xf32>
      %mul3A_241 = arith.mulf %add3A_226, %get3A_212 : vector<16xf32>
      %add3A_242 = arith.addf %mul3A_241, %get3A_30 : vector<16xf32>
      %max3A = arith.constant 0.000000e+00 : f32
      %max3A_243 = vector.broadcast %max3A : f32 to vector<16xf32>
      %max3A_244 = arith.maximumf %add3A_242, %max3A_243 : vector<16xf32>
      %mul3A_245 = arith.mulf %max3A_244, %get3A_212 : vector<16xf32>
      %swap3A = arith.index_cast %scan3A_208 : i32 to index
      %swap3A_246 = arith.constant 0 : index
      %swap3A_247 = tpu.vector_load %arg17[%swap3A, %swap3A_246] {strides = array<i32>} : memref<320x32xf32, #tpu.memory_space<vmem>>, vector<1x16xf32>,
      %swap3A_248 = vector.shape_cast %swap3A_247 : vector<1x16xf32> to vector<16xf32>
      %swap3A_249 = vector.shape_cast %mul3A_245 : vector<16xf32> to vector<1x16xf32>
      tpu.vector_store %arg17[%swap3A, %swap3A_246], %swap3A_249 {strides = array<i32>} : memref<320x32xf32, #tpu.memory_space<vmem>>, vector<1x16xf32>,
      %mul3A_250 = arith.mulf %add3A_240, %get3A_212 : vector<16xf32>
      %add3A_251 = arith.addf %mul3A_250, %get3A_35 : vector<16xf32>
      %max3A_252 = arith.constant 0.000000e+00 : f32
      %max3A_253 = vector.broadcast %max3A_252 : f32 to vector<16xf32>
      %max3A_254 = arith.maximumf %add3A_251, %max3A_253 : vector<16xf32>
      %mul3A_255 = arith.mulf %max3A_254, %get3A_212 : vector<16xf32>
      %swap3A_256 = arith.index_cast %scan3A_208 : i32 to index
      %swap3A_257 = arith.constant 16 : index
      %swap3A_258 = tpu.vector_load %arg17[%swap3A_256, %swap3A_257] {strides = array<i32>} : memref<320x32xf32, #tpu.memory_space<vmem>>, vector<1x16xf32>,
      %swap3A_259 = vector.shape_cast %swap3A_258 : vector<1x16xf32> to vector<16xf32>
      %swap3A_260 = vector.shape_cast %mul3A_255 : vector<16xf32> to vector<1x16xf32>
      tpu.vector_store %arg17[%swap3A_256, %swap3A_257], %swap3A_260 {strides = array<i32>} : memref<320x32xf32, #tpu.memory_space<vmem>>, vector<1x16xf32>,
    }
    %scan3A_188 = arith.constant 320 : i32
    "tpu.region"() ({
      %run_scoped3A = tpu.sem_alloc : memref<!tpu.dma_semaphore, #tpu.memory_space<semaphore_mem>>
      %dma_start3A_208 = arith.constant 0 : i32
      %dma_start3A_209 = tpu.memref_slice %arg12[%add3A_114, %dma_start3A_208] : memref<10240x32xf32, #tpu.memory_space<vmem_shared>> -> memref<320x32xf32, #tpu.memory_space<vmem_shared>>
      %dma_start3A_210 = arith.constant 0 : i32
      %dma_start3A_211 = tpu.memref_slice %arg12[%add3A_114, %dma_start3A_210] : memref<10240x32xf32, #tpu.memory_space<vmem_shared>> -> memref<320x32xf32, #tpu.memory_space<vmem_shared>>
      tpu.enqueue_dma source(%arg17 : memref<320x32xf32, #tpu.memory_space<vmem>>) target(%dma_start3A_211 : memref<320x32xf32, #tpu.memory_space<vmem_shared>>) target_semaphore(%run_scoped3A : memref<!tpu.dma_semaphore, #tpu.memory_space<semaphore_mem>>)
      %dma_wait3A_212 = arith.constant 0 : i32
      %dma_wait3A_213 = tpu.memref_slice %arg12[%add3A_114, %dma_wait3A_212] : memref<10240x32xf32, #tpu.memory_space<vmem_shared>> -> memref<320x32xf32, #tpu.memory_space<vmem_shared>>
      %dma_wait3A_214 = arith.constant 0 : i32
      %dma_wait3A_215 = tpu.memref_slice %arg12[%add3A_114, %dma_wait3A_214] : memref<10240x32xf32, #tpu.memory_space<vmem_shared>> -> memref<320x32xf32, #tpu.memory_space<vmem_shared>>
      tpu.wait_dma2 semaphore(%run_scoped3A : memref<!tpu.dma_semaphore, #tpu.memory_space<semaphore_mem>>) src(%arg17 : memref<320x32xf32, #tpu.memory_space<vmem>>) dst(%dma_wait3A_215 : memref<320x32xf32, #tpu.memory_space<vmem_shared>>)
      tpu.yield
    }) : () -> ()
    %eq3A_189 = arith.constant 0 : i32
    %eq3A_190 = arith.cmpi eq, %arg0, %eq3A_189 : i32
    %convert_element_type3A_191 = arith.extui %eq3A_190 : i1 to i32
    %cond3A_192 = arith.constant 0 : i32
    %cond3A_193 = arith.cmpi ne, %convert_element_type3A_191, %cond3A_192 : i32
    scf.if %cond3A_193 {
      "tpu.region"() ({
        %run_scoped3A = tpu.sem_alloc : memref<!tpu.dma_semaphore, #tpu.memory_space<semaphore_mem>>
        %dma_start3A_208 = arith.constant 0 : i32
        %dma_start3A_209 = tpu.memref_slice %arg10[%add3A_114, %dma_start3A_208] : memref<10240x32xf32, #tpu.memory_space<hbm>> -> memref<320x32xf32, #tpu.memory_space<hbm>>
        %dma_start3A_210 = arith.constant 0 : i32
        %dma_start3A_211 = tpu.memref_slice %arg10[%add3A_114, %dma_start3A_210] : memref<10240x32xf32, #tpu.memory_space<hbm>> -> memref<320x32xf32, #tpu.memory_space<hbm>>
        tpu.enqueue_dma source(%arg17 : memref<320x32xf32, #tpu.memory_space<vmem>>) target(%dma_start3A_211 : memref<320x32xf32, #tpu.memory_space<hbm>>) target_semaphore(%run_scoped3A : memref<!tpu.dma_semaphore, #tpu.memory_space<semaphore_mem>>)
        %dma_wait3A_212 = arith.constant 0 : i32
        %dma_wait3A_213 = tpu.memref_slice %arg10[%add3A_114, %dma_wait3A_212] : memref<10240x32xf32, #tpu.memory_space<hbm>> -> memref<320x32xf32, #tpu.memory_space<hbm>>
        %dma_wait3A_214 = arith.constant 0 : i32
        %dma_wait3A_215 = tpu.memref_slice %arg10[%add3A_114, %dma_wait3A_214] : memref<10240x32xf32, #tpu.memory_space<hbm>> -> memref<320x32xf32, #tpu.memory_space<hbm>>
        tpu.wait_dma2 semaphore(%run_scoped3A : memref<!tpu.dma_semaphore, #tpu.memory_space<semaphore_mem>>) src(%arg17 : memref<320x32xf32, #tpu.memory_space<vmem>>) dst(%dma_wait3A_215 : memref<320x32xf32, #tpu.memory_space<hbm>>)
        tpu.yield
      }) : () -> ()
    } else {
    }
    %barrier3A = arith.constant 0 : index
    tpu.barrier barrier_id(%barrier3A)
    %dma_start3A_194 = arith.constant 0 : i32
    %dma_start3A_195 = arith.constant 0 : i32
    %dma_start3A_196 = tpu.memref_slice %arg13[%dma_start3A_194, %dma_start3A_195] : memref<40x256xi32, #tpu.memory_space<vmem>> -> memref<1x256xi32, #tpu.memory_space<vmem>>
    %dma_start3A_197 = tpu.memref_squeeze %dma_start3A_196 : memref<1x256xi32, #tpu.memory_space<vmem>> -> memref<256xi32, #tpu.memory_space<vmem>>
    %dma_start3A_198 = arith.constant 0 : i32
    %dma_start3A_199 = arith.constant 0 : i32
    %dma_start3A_200 = tpu.memref_slice %arg12[%dma_start3A_198, %dma_start3A_199] : memref<10240x32xf32, #tpu.memory_space<vmem_shared>> -> memref<10240x32xf32, #tpu.memory_space<vmem_shared>>
    tpu.enqueue_indirect_dma source(%dma_start3A_200 : memref<10240x32xf32, #tpu.memory_space<vmem_shared>>) target(%arg15 : memref<256x32xf32, #tpu.memory_space<vmem>>) offsets(%dma_start3A_197 : memref<256xi32, #tpu.memory_space<vmem>>) semaphore(%arg22 : memref<!tpu.dma_semaphore, #tpu.memory_space<semaphore_mem>>)
    %scan3A_201 = arith.constant 0 : i32
    %scan3A_202 = arith.constant 0 : i32
    %scan3A_203 = arith.constant 20 : i32
    %scan3A_204 = arith.addi %scan3A_202, %scan3A_203 : i32
    %scan3A_205 = arith.constant 1 : i32
    scf.for %scan3A_208 = %scan3A_202 to %scan3A_204 step %scan3A_205  : i32 {
      %mul3A_209 = arith.constant 2 : i32
      %mul3A_210 = arith.muli %scan3A_208, %mul3A_209 : i32
      %add3A_211 = arith.constant 1 : i32
      %add3A_212 = arith.addi %mul3A_210, %add3A_211 : i32
      %dma_wait3A_213 = arith.constant 0 : i32
      %dma_wait3A_214 = tpu.memref_slice %arg13[%mul3A_210, %dma_wait3A_213] : memref<40x256xi32, #tpu.memory_space<vmem>> -> memref<1x256xi32, #tpu.memory_space<vmem>>
      %dma_wait3A_215 = tpu.memref_squeeze %dma_wait3A_214 : memref<1x256xi32, #tpu.memory_space<vmem>> -> memref<256xi32, #tpu.memory_space<vmem>>
      %dma_wait3A_216 = arith.constant 0 : i32
      %dma_wait3A_217 = arith.constant 0 : i32
      %dma_wait3A_218 = tpu.memref_slice %arg12[%dma_wait3A_216, %dma_wait3A_217] : memref<10240x32xf32, #tpu.memory_space<vmem_shared>> -> memref<10240x32xf32, #tpu.memory_space<vmem_shared>>
      tpu.wait_indirect_dma semaphore(%arg22 : memref<!tpu.dma_semaphore, #tpu.memory_space<semaphore_mem>>) src(%dma_wait3A_218 : memref<10240x32xf32, #tpu.memory_space<vmem_shared>>) dst(%arg15 : memref<256x32xf32, #tpu.memory_space<vmem>>)
      %dma_start3A_219 = arith.constant 0 : i32
      %dma_start3A_220 = tpu.memref_slice %arg13[%add3A_212, %dma_start3A_219] : memref<40x256xi32, #tpu.memory_space<vmem>> -> memref<1x256xi32, #tpu.memory_space<vmem>>
      %dma_start3A_221 = tpu.memref_squeeze %dma_start3A_220 : memref<1x256xi32, #tpu.memory_space<vmem>> -> memref<256xi32, #tpu.memory_space<vmem>>
      %dma_start3A_222 = arith.constant 0 : i32
      %dma_start3A_223 = arith.constant 0 : i32
      %dma_start3A_224 = tpu.memref_slice %arg12[%dma_start3A_222, %dma_start3A_223] : memref<10240x32xf32, #tpu.memory_space<vmem_shared>> -> memref<10240x32xf32, #tpu.memory_space<vmem_shared>>
      tpu.enqueue_indirect_dma source(%dma_start3A_224 : memref<10240x32xf32, #tpu.memory_space<vmem_shared>>) target(%arg16 : memref<256x32xf32, #tpu.memory_space<vmem>>) offsets(%dma_start3A_221 : memref<256xi32, #tpu.memory_space<vmem>>) semaphore(%arg23 : memref<!tpu.dma_semaphore, #tpu.memory_space<semaphore_mem>>)
      "tpu.region"() ({
        %run_scoped3A = tpu.sem_alloc : memref<!tpu.dma_semaphore, #tpu.memory_space<semaphore_mem>>
        %dma_start3A_237 = arith.constant 0 : i32
        %dma_start3A_238 = tpu.memref_slice %arg14[%mul3A_210, %dma_start3A_237] : memref<40x256xi32, #tpu.memory_space<vmem>> -> memref<1x256xi32, #tpu.memory_space<vmem>>
        %dma_start3A_239 = tpu.memref_squeeze %dma_start3A_238 : memref<1x256xi32, #tpu.memory_space<vmem>> -> memref<256xi32, #tpu.memory_space<vmem>>
        %dma_start3A_240 = arith.constant 0 : i32
        %dma_start3A_241 = arith.constant 0 : i32
        %dma_start3A_242 = tpu.memref_slice %arg11[%dma_start3A_240, %dma_start3A_241] : memref<10240x32xf32, #tpu.memory_space<vmem_shared>> -> memref<10240x32xf32, #tpu.memory_space<vmem_shared>>
        tpu.enqueue_indirect_dma source(%arg15 : memref<256x32xf32, #tpu.memory_space<vmem>>) target(%dma_start3A_242 : memref<10240x32xf32, #tpu.memory_space<vmem_shared>>) offsets(%dma_start3A_239 : memref<256xi32, #tpu.memory_space<vmem>>) semaphore(%run_scoped3A : memref<!tpu.dma_semaphore, #tpu.memory_space<semaphore_mem>>) {add = true}
        %dma_wait3A_243 = arith.constant 0 : i32
        %dma_wait3A_244 = tpu.memref_slice %arg14[%mul3A_210, %dma_wait3A_243] : memref<40x256xi32, #tpu.memory_space<vmem>> -> memref<1x256xi32, #tpu.memory_space<vmem>>
        %dma_wait3A_245 = tpu.memref_squeeze %dma_wait3A_244 : memref<1x256xi32, #tpu.memory_space<vmem>> -> memref<256xi32, #tpu.memory_space<vmem>>
        %dma_wait3A_246 = arith.constant 0 : i32
        %dma_wait3A_247 = arith.constant 0 : i32
        %dma_wait3A_248 = tpu.memref_slice %arg11[%dma_wait3A_246, %dma_wait3A_247] : memref<10240x32xf32, #tpu.memory_space<vmem_shared>> -> memref<10240x32xf32, #tpu.memory_space<vmem_shared>>
        tpu.wait_indirect_dma semaphore(%run_scoped3A : memref<!tpu.dma_semaphore, #tpu.memory_space<semaphore_mem>>) src(%arg15 : memref<256x32xf32, #tpu.memory_space<vmem>>) dst(%dma_wait3A_248 : memref<10240x32xf32, #tpu.memory_space<vmem_shared>>)
        tpu.yield
      }) : () -> ()
      %dma_wait3A_225 = arith.constant 0 : i32
      %dma_wait3A_226 = tpu.memref_slice %arg13[%add3A_212, %dma_wait3A_225] : memref<40x256xi32, #tpu.memory_space<vmem>> -> memref<1x256xi32, #tpu.memory_space<vmem>>
      %dma_wait3A_227 = tpu.memref_squeeze %dma_wait3A_226 : memref<1x256xi32, #tpu.memory_space<vmem>> -> memref<256xi32, #tpu.memory_space<vmem>>
      %dma_wait3A_228 = arith.constant 0 : i32
      %dma_wait3A_229 = arith.constant 0 : i32
      %dma_wait3A_230 = tpu.memref_slice %arg12[%dma_wait3A_228, %dma_wait3A_229] : memref<10240x32xf32, #tpu.memory_space<vmem_shared>> -> memref<10240x32xf32, #tpu.memory_space<vmem_shared>>
      tpu.wait_indirect_dma semaphore(%arg23 : memref<!tpu.dma_semaphore, #tpu.memory_space<semaphore_mem>>) src(%dma_wait3A_230 : memref<10240x32xf32, #tpu.memory_space<vmem_shared>>) dst(%arg16 : memref<256x32xf32, #tpu.memory_space<vmem>>)
      %add3A_231 = arith.constant 1 : i32
      %add3A_232 = arith.addi %add3A_212, %add3A_231 : i32
      %lt3A = arith.constant 40 : i32
      %lt3A_233 = arith.cmpi slt, %add3A_232, %lt3A : i32
      %convert_element_type3A_234 = arith.extui %lt3A_233 : i1 to i32
      %cond3A_235 = arith.constant 0 : i32
      %cond3A_236 = arith.cmpi ne, %convert_element_type3A_234, %cond3A_235 : i32
      scf.if %cond3A_236 {
        %add3A_237 = arith.constant 1 : i32
        %add3A_238 = arith.addi %add3A_212, %add3A_237 : i32
        %dma_start3A_239 = arith.constant 0 : i32
        %dma_start3A_240 = tpu.memref_slice %arg13[%add3A_238, %dma_start3A_239] : memref<40x256xi32, #tpu.memory_space<vmem>> -> memref<1x256xi32, #tpu.memory_space<vmem>>
        %dma_start3A_241 = tpu.memref_squeeze %dma_start3A_240 : memref<1x256xi32, #tpu.memory_space<vmem>> -> memref<256xi32, #tpu.memory_space<vmem>>
        %dma_start3A_242 = arith.constant 0 : i32
        %dma_start3A_243 = arith.constant 0 : i32
        %dma_start3A_244 = tpu.memref_slice %arg12[%dma_start3A_242, %dma_start3A_243] : memref<10240x32xf32, #tpu.memory_space<vmem_shared>> -> memref<10240x32xf32, #tpu.memory_space<vmem_shared>>
        tpu.enqueue_indirect_dma source(%dma_start3A_244 : memref<10240x32xf32, #tpu.memory_space<vmem_shared>>) target(%arg15 : memref<256x32xf32, #tpu.memory_space<vmem>>) offsets(%dma_start3A_241 : memref<256xi32, #tpu.memory_space<vmem>>) semaphore(%arg22 : memref<!tpu.dma_semaphore, #tpu.memory_space<semaphore_mem>>)
      } else {
      }
      "tpu.region"() ({
        %run_scoped3A = tpu.sem_alloc : memref<!tpu.dma_semaphore, #tpu.memory_space<semaphore_mem>>
        %dma_start3A_237 = arith.constant 0 : i32
        %dma_start3A_238 = tpu.memref_slice %arg14[%add3A_212, %dma_start3A_237] : memref<40x256xi32, #tpu.memory_space<vmem>> -> memref<1x256xi32, #tpu.memory_space<vmem>>
        %dma_start3A_239 = tpu.memref_squeeze %dma_start3A_238 : memref<1x256xi32, #tpu.memory_space<vmem>> -> memref<256xi32, #tpu.memory_space<vmem>>
        %dma_start3A_240 = arith.constant 0 : i32
        %dma_start3A_241 = arith.constant 0 : i32
        %dma_start3A_242 = tpu.memref_slice %arg11[%dma_start3A_240, %dma_start3A_241] : memref<10240x32xf32, #tpu.memory_space<vmem_shared>> -> memref<10240x32xf32, #tpu.memory_space<vmem_shared>>
        tpu.enqueue_indirect_dma source(%arg16 : memref<256x32xf32, #tpu.memory_space<vmem>>) target(%dma_start3A_242 : memref<10240x32xf32, #tpu.memory_space<vmem_shared>>) offsets(%dma_start3A_239 : memref<256xi32, #tpu.memory_space<vmem>>) semaphore(%run_scoped3A : memref<!tpu.dma_semaphore, #tpu.memory_space<semaphore_mem>>) {add = true}
        %dma_wait3A_243 = arith.constant 0 : i32
        %dma_wait3A_244 = tpu.memref_slice %arg14[%add3A_212, %dma_wait3A_243] : memref<40x256xi32, #tpu.memory_space<vmem>> -> memref<1x256xi32, #tpu.memory_space<vmem>>
        %dma_wait3A_245 = tpu.memref_squeeze %dma_wait3A_244 : memref<1x256xi32, #tpu.memory_space<vmem>> -> memref<256xi32, #tpu.memory_space<vmem>>
        %dma_wait3A_246 = arith.constant 0 : i32
        %dma_wait3A_247 = arith.constant 0 : i32
        %dma_wait3A_248 = tpu.memref_slice %arg11[%dma_wait3A_246, %dma_wait3A_247] : memref<10240x32xf32, #tpu.memory_space<vmem_shared>> -> memref<10240x32xf32, #tpu.memory_space<vmem_shared>>
        tpu.wait_indirect_dma semaphore(%run_scoped3A : memref<!tpu.dma_semaphore, #tpu.memory_space<semaphore_mem>>) src(%arg16 : memref<256x32xf32, #tpu.memory_space<vmem>>) dst(%dma_wait3A_248 : memref<10240x32xf32, #tpu.memory_space<vmem_shared>>)
        tpu.yield
      }) : () -> ()
    }
    %scan3A_206 = arith.constant 20 : i32
    %barrier3A_207 = arith.constant 0 : index
    tpu.barrier barrier_id(%barrier3A_207)
    "tpu.region"() ({
      %run_scoped3A = tpu.sem_alloc : memref<!tpu.dma_semaphore, #tpu.memory_space<semaphore_mem>>
      %dma_start3A_208 = arith.constant 0 : i32
      %dma_start3A_209 = arith.constant 0 : i32
      %dma_start3A_210 = tpu.memref_slice %arg9[%arg0, %dma_start3A_208, %dma_start3A_209] : memref<2x10240x32xf32, #tpu.memory_space<hbm>> -> memref<1x10240x32xf32, #tpu.memory_space<hbm>>
      %dma_start3A_211 = tpu.memref_squeeze %dma_start3A_210 : memref<1x10240x32xf32, #tpu.memory_space<hbm>> -> memref<10240x32xf32, #tpu.memory_space<hbm>>
      %dma_start3A_212 = arith.constant 0 : i32
      %dma_start3A_213 = tpu.memref_slice %dma_start3A_211[%mul3A_0, %dma_start3A_212] : memref<10240x32xf32, #tpu.memory_space<hbm>> -> memref<640x32xf32, #tpu.memory_space<hbm>>
      %dma_start3A_214 = arith.constant 0 : i32
      %dma_start3A_215 = tpu.memref_slice %arg11[%mul3A_0, %dma_start3A_214] : memref<10240x32xf32, #tpu.memory_space<vmem_shared>> -> memref<640x32xf32, #tpu.memory_space<vmem_shared>>
      tpu.enqueue_dma source(%dma_start3A_215 : memref<640x32xf32, #tpu.memory_space<vmem_shared>>) target(%dma_start3A_213 : memref<640x32xf32, #tpu.memory_space<hbm>>) target_semaphore(%run_scoped3A : memref<!tpu.dma_semaphore, #tpu.memory_space<semaphore_mem>>)
      %dma_wait3A_216 = arith.constant 0 : i32
      %dma_wait3A_217 = arith.constant 0 : i32
      %dma_wait3A_218 = tpu.memref_slice %arg9[%arg0, %dma_wait3A_216, %dma_wait3A_217] : memref<2x10240x32xf32, #tpu.memory_space<hbm>> -> memref<1x10240x32xf32, #tpu.memory_space<hbm>>
      %dma_wait3A_219 = tpu.memref_squeeze %dma_wait3A_218 : memref<1x10240x32xf32, #tpu.memory_space<hbm>> -> memref<10240x32xf32, #tpu.memory_space<hbm>>
      %dma_wait3A_220 = arith.constant 0 : i32
      %dma_wait3A_221 = tpu.memref_slice %dma_wait3A_219[%mul3A_0, %dma_wait3A_220] : memref<10240x32xf32, #tpu.memory_space<hbm>> -> memref<640x32xf32, #tpu.memory_space<hbm>>
      %dma_wait3A_222 = arith.constant 0 : i32
      %dma_wait3A_223 = tpu.memref_slice %arg11[%mul3A_0, %dma_wait3A_222] : memref<10240x32xf32, #tpu.memory_space<vmem_shared>> -> memref<640x32xf32, #tpu.memory_space<vmem_shared>>
      tpu.wait_dma2 semaphore(%run_scoped3A : memref<!tpu.dma_semaphore, #tpu.memory_space<semaphore_mem>>) src(%dma_wait3A_223 : memref<640x32xf32, #tpu.memory_space<vmem_shared>>) dst(%dma_wait3A_221 : memref<640x32xf32, #tpu.memory_space<hbm>>)
      tpu.yield
    }) : () -> ()
    return
  }
}

module attributes {stable_mosaic.version = 14 : i64} {
  func.func @_tc_matmul1(%arg0: memref<10000x128xf32, #tpu.memory_space<vmem>>, %arg1: memref<128x32xf32, #tpu.memory_space<vmem>>, %arg2: memref<10000x32xf32, #tpu.memory_space<vmem>>) attributes {dimension_semantics = [], scalar_prefetch = 0 : i64, scratch_operands = 0 : i64, tpu.core_type = #tpu.core_type<tc>} {
    %get3A = arith.constant 0 : index
    %get3A_0 = arith.constant 0 : index
    %get3A_1 = vector.load %arg0[%get3A, %get3A_0] : memref<10000x128xf32, #tpu.memory_space<vmem>>, vector<10000x128xf32>
    %get3A_2 = arith.constant 0 : index
    %get3A_3 = arith.constant 0 : index
    %get3A_4 = vector.load %arg1[%get3A_2, %get3A_3] : memref<128x32xf32, #tpu.memory_space<vmem>>, vector<128x32xf32>
    %dot_general3A = arith.constant dense<0.000000e+00> : vector<10000x32xf32>
    %dot_general3A_5 = tpu.matmul %get3A_1, %get3A_4, %dot_general3A {dimension_numbers = #tpu.dot_dimension_numbers<[1], [0], [0], [1], [0, 0, 1, 1], [], []>, transpose_lhs_hint = false} : vector<10000x128xf32>, vector<128x32xf32>, vector<10000x32xf32> -> vector<10000x32xf32>
    %swap3A = arith.constant 0 : index
    %swap3A_6 = arith.constant 0 : index
    %swap3A_7 = vector.load %arg2[%swap3A, %swap3A_6] : memref<10000x32xf32, #tpu.memory_space<vmem>>, vector<10000x32xf32>
    tpu.vector_store %arg2[%swap3A, %swap3A_6], %dot_general3A_5 {strides = array<i32>} : memref<10000x32xf32, #tpu.memory_space<vmem>>, vector<10000x32xf32>,
    return
  }
}

module attributes {stable_mosaic.version = 14 : i64} {
  func.func @_tc_head(%arg0: memref<10240x2xf32, #tpu.memory_space<vmem>>, %arg1: memref<10240x32xf32, #tpu.memory_space<vmem>>, %arg2: memref<10240x1xf32, #tpu.memory_space<vmem>>, %arg3: memref<10240x16xf32, #tpu.memory_space<vmem>>, %arg4: memref<10240x32xf32, #tpu.memory_space<vmem>>) attributes {dimension_semantics = [], scalar_prefetch = 0 : i64, scratch_operands = 0 : i64, tpu.core_type = #tpu.core_type<tc>} {
    %get3A = arith.constant 0 : index
    %get3A_0 = arith.constant 0 : index
    %get3A_1 = vector.load %arg0[%get3A, %get3A_0] : memref<10240x2xf32, #tpu.memory_space<vmem>>, vector<10240x2xf32>
    %slice3A = vector.extract_strided_slice %get3A_1 {offsets = [0, 0], sizes = [10240, 1], strides = [1, 1]} : vector<10240x2xf32> to vector<10240x1xf32>
    %slice3A_2 = vector.extract_strided_slice %get3A_1 {offsets = [0, 1], sizes = [10240, 1], strides = [1, 1]} : vector<10240x2xf32> to vector<10240x1xf32>
    %add3A = arith.addf %slice3A, %slice3A_2 : vector<10240x1xf32>
    %add3A_3 = arith.constant 1.000000e+00 : f32
    %add3A_4 = vector.broadcast %add3A_3 : f32 to vector<10240x1xf32>
    %add3A_5 = arith.addf %add3A, %add3A_4 : vector<10240x1xf32>
    %rsqrt3A = math.rsqrt %add3A_5 : vector<10240x1xf32>
    %swap3A = arith.constant 0 : index
    %swap3A_6 = arith.constant 0 : index
    %swap3A_7 = vector.load %arg2[%swap3A, %swap3A_6] : memref<10240x1xf32, #tpu.memory_space<vmem>>, vector<10240x1xf32>
    tpu.vector_store %arg2[%swap3A, %swap3A_6], %rsqrt3A {strides = array<i32>} : memref<10240x1xf32, #tpu.memory_space<vmem>>, vector<10240x1xf32>,
    %broadcast_in_dim3A = vector.shape_cast %rsqrt3A : vector<10240x1xf32> to vector<10240x1xf32>
    %broadcast_in_dim3A_8 = vector.broadcast %broadcast_in_dim3A : vector<10240x1xf32> to vector<10240x16xf32>
    %swap3A_9 = arith.constant 0 : index
    %swap3A_10 = arith.constant 0 : index
    %swap3A_11 = vector.load %arg3[%swap3A_9, %swap3A_10] : memref<10240x16xf32, #tpu.memory_space<vmem>>, vector<10240x16xf32>
    tpu.vector_store %arg3[%swap3A_9, %swap3A_10], %broadcast_in_dim3A_8 {strides = array<i32>} : memref<10240x16xf32, #tpu.memory_space<vmem>>, vector<10240x16xf32>,
    %get3A_12 = arith.constant 0 : index
    %get3A_13 = arith.constant 0 : index
    %get3A_14 = vector.load %arg1[%get3A_12, %get3A_13] : memref<10240x32xf32, #tpu.memory_space<vmem>>, vector<10240x32xf32>
    %mul3A = vector.broadcast %rsqrt3A : vector<10240x1xf32> to vector<10240x32xf32>
    %mul3A_15 = arith.mulf %get3A_14, %mul3A : vector<10240x32xf32>
    %swap3A_16 = arith.constant 0 : index
    %swap3A_17 = arith.constant 0 : index
    %swap3A_18 = vector.load %arg4[%swap3A_16, %swap3A_17] : memref<10240x32xf32, #tpu.memory_space<vmem>>, vector<10240x32xf32>
    tpu.vector_store %arg4[%swap3A_16, %swap3A_17], %mul3A_15 {strides = array<i32>} : memref<10240x32xf32, #tpu.memory_space<vmem>>, vector<10240x32xf32>,
    return
  }
}

module attributes {stable_mosaic.version = 14 : i64} {
  func.func @_tc_mid(%arg0: memref<10240x32xf32, #tpu.memory_space<vmem>>, %arg1: memref<10240x32xf32, #tpu.memory_space<vmem>>, %arg2: memref<10240x32xf32, #tpu.memory_space<vmem>>, %arg3: memref<10240x1xf32, #tpu.memory_space<vmem>>, %arg4: memref<1x32xf32, #tpu.memory_space<vmem>>, %arg5: memref<32x32xf32, #tpu.memory_space<vmem>>, %arg6: memref<10240x32xf32, #tpu.memory_space<vmem>>) attributes {dimension_semantics = [], scalar_prefetch = 0 : i64, scratch_operands = 0 : i64, tpu.core_type = #tpu.core_type<tc>} {
    %get3A = arith.constant 0 : index
    %get3A_0 = arith.constant 0 : index
    %get3A_1 = vector.load %arg3[%get3A, %get3A_0] : memref<10240x1xf32, #tpu.memory_space<vmem>>, vector<10240x1xf32>
    %get3A_2 = arith.constant 0 : index
    %get3A_3 = arith.constant 0 : index
    %get3A_4 = vector.load %arg0[%get3A_2, %get3A_3] : memref<10240x32xf32, #tpu.memory_space<vmem>>, vector<10240x32xf32>
    %get3A_5 = arith.constant 0 : index
    %get3A_6 = arith.constant 0 : index
    %get3A_7 = vector.load %arg1[%get3A_5, %get3A_6] : memref<10240x32xf32, #tpu.memory_space<vmem>>, vector<10240x32xf32>
    %add3A = arith.addf %get3A_4, %get3A_7 : vector<10240x32xf32>
    %get3A_8 = arith.constant 0 : index
    %get3A_9 = arith.constant 0 : index
    %get3A_10 = vector.load %arg2[%get3A_8, %get3A_9] : memref<10240x32xf32, #tpu.memory_space<vmem>>, vector<10240x32xf32>
    %add3A_11 = arith.addf %add3A, %get3A_10 : vector<10240x32xf32>
    %mul3A = vector.broadcast %get3A_1 : vector<10240x1xf32> to vector<10240x32xf32>
    %mul3A_12 = arith.mulf %add3A_11, %mul3A : vector<10240x32xf32>
    %get3A_13 = arith.constant 0 : index
    %get3A_14 = arith.constant 0 : index
    %get3A_15 = vector.load %arg4[%get3A_13, %get3A_14] : memref<1x32xf32, #tpu.memory_space<vmem>>, vector<1x32xf32>
    %add3A_16 = vector.broadcast %get3A_15 : vector<1x32xf32> to vector<10240x32xf32>
    %add3A_17 = arith.addf %mul3A_12, %add3A_16 : vector<10240x32xf32>
    %max3A = arith.constant 0.000000e+00 : f32
    %max3A_18 = vector.broadcast %max3A : f32 to vector<10240x32xf32>
    %max3A_19 = arith.maximumf %add3A_17, %max3A_18 : vector<10240x32xf32>
    %get3A_20 = arith.constant 0 : index
    %get3A_21 = arith.constant 0 : index
    %get3A_22 = vector.load %arg5[%get3A_20, %get3A_21] : memref<32x32xf32, #tpu.memory_space<vmem>>, vector<32x32xf32>
    %dot_general3A = arith.constant dense<0.000000e+00> : vector<10240x32xf32>
    %dot_general3A_23 = tpu.matmul %max3A_19, %get3A_22, %dot_general3A {dimension_numbers = #tpu.dot_dimension_numbers<[1], [0], [0], [1], [0, 0, 1, 1], [], []>, transpose_lhs_hint = false} : vector<10240x32xf32>, vector<32x32xf32>, vector<10240x32xf32> -> vector<10240x32xf32>
    %mul3A_24 = vector.broadcast %get3A_1 : vector<10240x1xf32> to vector<10240x32xf32>
    %mul3A_25 = arith.mulf %dot_general3A_23, %mul3A_24 : vector<10240x32xf32>
    %swap3A = arith.constant 0 : index
    %swap3A_26 = arith.constant 0 : index
    %swap3A_27 = vector.load %arg6[%swap3A, %swap3A_26] : memref<10240x32xf32, #tpu.memory_space<vmem>>, vector<10240x32xf32>
    tpu.vector_store %arg6[%swap3A, %swap3A_26], %mul3A_25 {strides = array<i32>} : memref<10240x32xf32, #tpu.memory_space<vmem>>, vector<10240x32xf32>,
    return
  }
}

module attributes {stable_mosaic.version = 14 : i64} {
  func.func @_tc_tail(%arg0: memref<10240x32xf32, #tpu.memory_space<vmem>>, %arg1: memref<10240x32xf32, #tpu.memory_space<vmem>>, %arg2: memref<10240x32xf32, #tpu.memory_space<vmem>>, %arg3: memref<10240x1xf32, #tpu.memory_space<vmem>>, %arg4: memref<32x2xf32, #tpu.memory_space<vmem>>, %arg5: memref<1x2xf32, #tpu.memory_space<vmem>>, %arg6: memref<10240x2xf32, #tpu.memory_space<vmem>>) attributes {dimension_semantics = [], scalar_prefetch = 0 : i64, scratch_operands = 0 : i64, tpu.core_type = #tpu.core_type<tc>} {
    %get3A = arith.constant 0 : index
    %get3A_0 = arith.constant 0 : index
    %get3A_1 = vector.load %arg0[%get3A, %get3A_0] : memref<10240x32xf32, #tpu.memory_space<vmem>>, vector<10240x32xf32>
    %get3A_2 = arith.constant 0 : index
    %get3A_3 = arith.constant 0 : index
    %get3A_4 = vector.load %arg1[%get3A_2, %get3A_3] : memref<10240x32xf32, #tpu.memory_space<vmem>>, vector<10240x32xf32>
    %add3A = arith.addf %get3A_1, %get3A_4 : vector<10240x32xf32>
    %get3A_5 = arith.constant 0 : index
    %get3A_6 = arith.constant 0 : index
    %get3A_7 = vector.load %arg2[%get3A_5, %get3A_6] : memref<10240x32xf32, #tpu.memory_space<vmem>>, vector<10240x32xf32>
    %add3A_8 = arith.addf %add3A, %get3A_7 : vector<10240x32xf32>
    %get3A_9 = arith.constant 0 : index
    %get3A_10 = arith.constant 0 : index
    %get3A_11 = vector.load %arg3[%get3A_9, %get3A_10] : memref<10240x1xf32, #tpu.memory_space<vmem>>, vector<10240x1xf32>
    %mul3A = vector.broadcast %get3A_11 : vector<10240x1xf32> to vector<10240x32xf32>
    %mul3A_12 = arith.mulf %add3A_8, %mul3A : vector<10240x32xf32>
    %get3A_13 = arith.constant 0 : index
    %get3A_14 = arith.constant 0 : index
    %get3A_15 = vector.load %arg4[%get3A_13, %get3A_14] : memref<32x2xf32, #tpu.memory_space<vmem>>, vector<32x2xf32>
    %dot_general3A = arith.constant dense<0.000000e+00> : vector<10240x2xf32>
    %dot_general3A_16 = tpu.matmul %mul3A_12, %get3A_15, %dot_general3A {dimension_numbers = #tpu.dot_dimension_numbers<[1], [0], [0], [1], [0, 0, 1, 1], [], []>, transpose_lhs_hint = false} : vector<10240x32xf32>, vector<32x2xf32>, vector<10240x2xf32> -> vector<10240x2xf32>
    %get3A_17 = arith.constant 0 : index
    %get3A_18 = arith.constant 0 : index
    %get3A_19 = vector.load %arg5[%get3A_17, %get3A_18] : memref<1x2xf32, #tpu.memory_space<vmem>>, vector<1x2xf32>
    %add3A_20 = vector.broadcast %get3A_19 : vector<1x2xf32> to vector<10240x2xf32>
    %add3A_21 = arith.addf %dot_general3A_16, %add3A_20 : vector<10240x2xf32>
    %reduce_max3A = arith.constant dense<0xFF800000> : vector<10240xf32>
    %reduce_max3A_22 = vector.multi_reduction <maximumf>, %add3A_21, %reduce_max3A [1] : vector<10240x2xf32> to vector<10240xf32>
    %broadcast_in_dim3A = vector.shape_cast %reduce_max3A_22 : vector<10240xf32> to vector<10240x1xf32>
    %sub3A = vector.broadcast %broadcast_in_dim3A : vector<10240x1xf32> to vector<10240x2xf32>
    %sub3A_23 = arith.subf %add3A_21, %sub3A : vector<10240x2xf32>
    %exp3A = math.exp %sub3A_23 : vector<10240x2xf32>
    %reduce_sum3A = arith.constant dense<0.000000e+00> : vector<10240xf32>
    %reduce_sum3A_24 = vector.multi_reduction <add>, %exp3A, %reduce_sum3A [1] : vector<10240x2xf32> to vector<10240xf32>
    %broadcast_in_dim3A_25 = vector.shape_cast %reduce_sum3A_24 : vector<10240xf32> to vector<10240x1xf32>
    %log3A = math.log %broadcast_in_dim3A_25 : vector<10240x1xf32>
    %sub3A_26 = vector.broadcast %log3A : vector<10240x1xf32> to vector<10240x2xf32>
    %sub3A_27 = arith.subf %sub3A_23, %sub3A_26 : vector<10240x2xf32>
    %swap3A = arith.constant 0 : index
    %swap3A_28 = arith.constant 0 : index
    %swap3A_29 = vector.load %arg6[%swap3A, %swap3A_28] : memref<10240x2xf32, #tpu.memory_space<vmem>>, vector<10240x2xf32>
    tpu.vector_store %arg6[%swap3A, %swap3A_28], %sub3A_27 {strides = array<i32>} : memref<10240x2xf32, #tpu.memory_space<vmem>>, vector<10240x2xf32>,
    return
  }
}

</mosaic_0001>

<sc_bundles>
// kernel: kernel.12.cloned.1.call-start
scs
__scs_entry_jumppad:
0x0: {  	(pc) =	sbr.rel $0x88, $3  }
0x1: {  	(tag) =	ssettag $0x0;
	lr =	simm.s32 $0x1  }
0x2: {  	[smem:$0x3F97] =	sst lr;
	_ =	strace $0xD0000000  }
0x3: {  	_ = 	snop  }
0x4: {  	_ = 	snop  }
0x5: {  	_ = 	snop  }
0x6: {  	_ = 	snop  }
0x7: {  	_ = 	snop  }
__scs_overlays_trampoline_lowered:
0x8: {  	[smem:$0x3FA6] =	sst s0  }
0x9: {  	[smem:$0x3FA7] =	sst s1  }
0xa: {  	[smem:$0x3FA8] =	sst s2  }
0xb: {  	[smem:$0x3FA9] =	sst s3  }
0xc: {  	[smem:$0x3FAA] =	sst s4  }
0xd: {  	[smem:$0x3FAB] =	sst s5  }
0xe: {  	[smem:$0x3FAC] =	sst s6  }
0xf: {  	[smem:$0x3FAD] =	sst s7  }
0x10: {  	[smem:$0x3FAE] =	sst s8  }
0x11: {  	[smem:$0x3FAF] =	sst s9;
	s0 =	simm.s32 @!p0 $0x0  }
0x12: {  	s1 =	sld [smem:$0x3F95];
	s0 =	simm.s32 @p0 $0x1  }
0x13: {  	[smem:$0x3FB0] =	sst s0;
	s0 =	simm.s32 @!p1 $0x0  }
0x14: {  	s2 =	sld [smem:$0x3F94];
	s0 =	simm.s32 @p1 $0x1  }
0x15: {  	[smem:$0x3FB1] =	sst s0;
	s0 =	simm.s32 @!p2 $0x0  }
0x16: {  	s3 =	sld [smem:$0x3FDB];
	s0 =	simm.s32 @p2 $0x1  }
0x17: {  	s4 =	simm.s32 $0x1BF5;
	[smem:$0x3FB3] =	sst s0  }
0x18: {  	s0 =	sld [smem:$0x3F96];
	_ =	swait.ge [sflag:s4], $0x0  }
0x19: {  	s7 =	sld [smem:$0x3F97]  }
0x1a: {  	s8 =	sadd.s32 $0xFFFFE003, lr  }
0x1b: {  	s9 =	sadd.s32 $0xFFFFFEF7, lr;
	s5 =	simm.s32 $0xFFFFFFFF;
	p2 =	slt.u32 s8, $0xFFFFF086  }
0x1c: {  	p1 =	slt.u32 s9, $0xF7A;
	s5 =	simm.s32 @!p2 $0x0  }
0x1d: {  	s5 =	simm.s32 @p1 $0x1;
	p0 =	seq.s32 s7, s2  }
0x1e: {  	s7 =	smul.u32 @!p0 $0xF7A, s2;
	p2 =	seq.s32 @!p0 s5, $0x0  }
0x1f: {  	s9 =	smul.u32 $0xF7A, s1;
	s8 =	simm.s32 @!p0 $0x1BF5;
	p2 =	por !p2, p0  }
0x20: {  	[sflag:s8] =	ssyncset.s32 @!p0 $0xFFFFF086;
	s6 =	sadd.s32 @!p0 s3, s7;
	s7 =	simm.s32 @!p0 $0x108  }
0x21: {  	s3 =	sadd.s32 s3, s9;
	s6 =	sadd.s32 @!p0 $0x88, s6;
	s7 =	simm.s32 @p2 $0x1082  }
0x22: {  	[simem:s7], [sflag:s8] =	dma.local @!p0 [hbm:s6], $0xF7A  }
0x23: {  	s9 =	sor.u32 $0xD0000000, s2;
	s6 =	simm.s32 $0x108;
	_ =	swait.ge @!p0 [sflag:s8], $0x0  }
0x24: {  	s3 =	sadd.s32 $0x88, s3;
	s6 =	simm.s32 @!p1 $0x1082;
	[sflag:s4] =	ssyncset.s32 $0xFFFFF086  }
0x25: {  	[simem:s6], [sflag:s4] =	dma.local [hbm:s3], $0xF7A  }
0x26: {  	[smem:$0x3F97] =	sst s1;
	(tag) =	ssettag s2;
	_ =	strace s9  }
0x27: {  	s1 =	sld [smem:$0x3FA7]  }
0x28: {  	s2 =	sld [smem:$0x3FA8]  }
0x29: {  	s4 =	sld [smem:$0x3FAA]  }
0x2a: {  	p0 =	seq.s32 s5, $0x0;
	s5 =	sld [smem:$0x3FAB]  }
0x2b: {  	s6 =	sld [smem:$0x3FAC]  }
0x2c: {  	s7 =	sld [smem:$0x3FAD]  }
0x2d: {  	s3 =	simm.s32 $0x108;
	s8 =	sld [smem:$0x3FAE]  }
0x2e: {  	s3 =	simm.s32 @!p0 $0x1082;
	s9 =	sld [smem:$0x3FAF]  }
0x2f: {  	lr =	sadd.s32 s0, s3;
	s0 =	sld [smem:$0x3FA6]  }
0x30: {  	s3 =	sld [smem:$0x3FA9]  }
0x31: {  	[smem:$0x3FB2] =	sst s10  }
0x32: {  	s10 =	sld [smem:$0x3FB0];
	_ =	sdelay $0x3  }
0x33: {  	p0 =	seq.s32 s10, $0x1;
	s10 =	sld [smem:$0x3FB2];
	_ =	sdelay $0x3  }
0x34: {  	[smem:$0x3FB2] =	sst s10  }
0x35: {  	s10 =	sld [smem:$0x3FB1];
	_ =	sdelay $0x3  }
0x36: {  	p1 =	seq.s32 s10, $0x1;
	s10 =	sld [smem:$0x3FB2];
	_ =	sdelay $0x3  }
0x37: {  	[smem:$0x3FB2] =	sst s10  }
0x38: {  	s10 =	sld [smem:$0x3FB3]  }
0x39: {  	_ = 	snop;
	(pc) =	sbr.ind lr, $3  }
0x3a: {  	_ = 	snop  }
0x3b: {  	_ = 	snop  }
0x3c: {  	p2 =	seq.s32 s10, $0x1;
	s10 =	sld [smem:$0x3FB2]  }
0x3d: {  	_ =	shalt  }
0x3e: {  	_ =	shalt  }
0x3f: {  	_ =	shalt  }
0x40: {  	_ =	shalt  }
0x41: {  	_ =	shalt  }
0x42: {  	_ =	shalt  }
0x43: {  	_ =	shalt  }
0x44: {  	_ =	shalt  }
0x45: {  	_ =	shalt  }
0x46: {  	_ =	shalt  }
0x47: {  	_ =	shalt  }
0x48: {  	_ =	shalt  }
0x49: {  	_ =	shalt  }
0x4a: {  	_ =	shalt  }
0x4b: {  	_ =	shalt  }
0x4c: {  	_ =	shalt  }
0x4d: {  	_ =	shalt  }
0x4e: {  	_ =	shalt  }
0x4f: {  	_ =	shalt  }
0x50: {  	_ =	shalt  }
0x51: {  	_ =	shalt  }
0x52: {  	_ =	shalt  }
0x53: {  	_ =	shalt  }
0x54: {  	_ =	shalt  }
0x55: {  	_ =	shalt  }
0x56: {  	_ =	shalt  }
0x57: {  	_ =	shalt  }
0x58: {  	_ =	shalt  }
0x59: {  	_ =	shalt  }
0x5a: {  	_ =	shalt  }
0x5b: {  	_ =	shalt  }
0x5c: {  	_ =	shalt  }
0x5d: {  	_ =	shalt  }
0x5e: {  	_ =	shalt  }
0x5f: {  	_ =	shalt  }
0x60: {  	_ =	shalt  }
0x61: {  	_ =	shalt  }
0x62: {  	_ =	shalt  }
0x63: {  	_ =	shalt  }
0x64: {  	_ =	shalt  }
0x65: {  	_ =	shalt  }
0x66: {  	_ =	shalt  }
0x67: {  	_ =	shalt  }
0x68: {  	_ =	shalt  }
0x69: {  	_ =	shalt  }
0x6a: {  	_ =	shalt  }
0x6b: {  	_ =	shalt  }
0x6c: {  	_ =	shalt  }
0x6d: {  	_ =	shalt  }
0x6e: {  	_ =	shalt  }
0x6f: {  	_ =	shalt  }
0x70: {  	_ =	shalt  }
0x71: {  	_ =	shalt  }
0x72: {  	_ =	shalt  }
0x73: {  	_ =	shalt  }
0x74: {  	_ =	shalt  }
0x75: {  	_ =	shalt  }
0x76: {  	_ =	shalt  }
0x77: {  	_ =	shalt  }
0x78: {  	_ =	shalt  }
0x79: {  	_ =	shalt  }
0x7a: {  	_ =	shalt  }
0x7b: {  	_ =	shalt  }
0x7c: {  	_ =	shalt  }
0x7d: {  	_ =	shalt  }
0x7e: {  	_ =	shalt  }
0x7f: {  	_ =	shalt  }
0x80: {  	_ =	shalt  }
0x81: {  	_ =	shalt  }
0x82: {  	_ =	shalt  }
0x83: {  	_ =	shalt  }
0x84: {  	_ =	shalt  }
0x85: {  	_ =	shalt  }
0x86: {  	_ =	shalt  }
0x87: {  	_ =	shalt  }
.Lfunc_end0:
.L_simem_size_0:
called_computation_lowered:
.L_overlay_start_0:
0x88: {  	s2 =	sld [smem:$0x3FD9]  }
0x89: {  	s3 =	sld [smem:$0x3FFE];
	_ =	sdelay $0x1  }
0x8a: {  	s1 =	srdreg.scid  }
0x8b: {  	s0 =	sand.u32 $0x1, s1  }
0x8c: {  	s17 =	sshll.u32 s0, $0xA;
	s2 =	sadd.s32 s3, s2  }
0x8d: {  	s2 =	sadd.s32 s2, s17  }
0x8e: {  	[smem:$0x3FBE] =	sst s2  }
0x8f: {  	_ = 	snop  }
0x90: {  	s2 =	sld [smem:$0x3FD0];
	(tm) =	ssettm $0x1  }
0x91: {  	s18 =	sld [smem:$0x3FFB];
	_ =	sdelay $0x3  }
0x92: {  	_ =	strace s18  }
0x93: {  	s3 =	sld [smem:$0x3FFC];
	_ =	sdelay $0x3  }
0x94: {  	_ =	strace s3  }
0x95: {  	s3 =	sld [smem:$0x3FFD];
	_ =	sdelay $0x3  }
0x96: {  	_ =	strace s3  }
0x97: {  	_ =	strace $0x8FFFFFFF  }
0x98: {  	s19 =	sld [smem:$0x3FDB];
	_ =	sdelay $0x1  }
0x99: {  	s4 =	simm.s32 $_scs_section_size  }
0x9a: {  	s5 =	simm.s32 $_size__tile_overlayer_lowered;
	s6 =	simm.s32 $_tile_overlayer_lowered  }
0x9b: {  	s22 =	simm.s32 $0x1BFF;
	s21 =	sshll.u32 s6, $0x1;
	s3 =	sadd.s32 s4, s19  }
0x9c: {  	s7 =	simm.s32 $0x0;
	s20 =	sshll.u32 s5, $0x1;
	s5 =	sadd.s32 s21, s3  }
0x9d: {  	[timem:s7], [sflag:s22] =	dma.local [hbm:s5], s20  }
0x9e: {  	_ =	swait.ge [sflag:s22], s20  }
0x9f: {  	s4 =	ssub.s32 $0x0, s20;
	[sflag:s22] =	ssyncset.done $0x0  }
0xa0: {  	[sflag:s22] =	ssyncadd.s32 s4;
	_ =	sdelay $0x1  }
0xa1: {  	s23 =	simm.s32 $0x1B8B  }
0xa2: {  	_ =	swait.ge [sflag:s23], $0x1  }
0xa3: {  	[sflag:s23] =	ssyncset.done $0x0  }
0xa4: {  	s25 =	simm.s32 $0x1B8E;
	s24 =	sld [smem:$0x3FFE];
	[sflag:s23] =	ssyncadd.s32 $0xFFFFFFFF  }
0xa5: {  	s26 =	simm.s32 $execute0_lowered;
	[smem:$0x3FD2] =	sst s25  }
0xa6: {  	s5 =	sshll.u32 s26, $0x1;
	_ =	strace $0x80000046;
	[dreg:$0x1] =	wrdreg $0xFFFFFFFF  }
0xa7: {  	s28 =	simm.s32 $_size_execute0_lowered;
	s3 =	sadd.s32 s3, s5;
	[dreg:$0x0] =	wrdreg $0x0  }
0xa8: {  	s5 =	sshll.u32 s28, $0x1;
	[dreg:$0x2] =	wrdreg s3  }
0xa9: {  	[dreg:$0x3] =	wrdreg s5  }
0xaa: {  	[dreg:$0x4] =	wrdreg $0xC0  }
0xab: {  	_ =	task [dreg:s7], $0x5FFFF  }
0xac: {  	[dreg:$0x1] =	wrdreg $0xFFFFFFFF  }
0xad: {  	[dreg:$0x0] =	wrdreg $0x60  }
0xae: {  	[dreg:$0x2] =	wrdreg s24  }
0xaf: {  	[dreg:$0x3] =	wrdreg s2  }
0xb0: {  	[dreg:$0x4] =	wrdreg $0x0  }
0xb1: {  	[dreg:$0x5] =	wrdreg $0x9  }
0xb2: {  	_ =	task.clear_ibuf [dreg:s7], $0x6FFFF;
	_ =	strace $0x90000046  }
0xb3: {  	s29 =	simm.s32 $0x9;
	_ =	strace $0x80000048  }
0xb4: {  	_ =	swait.ge [sflag:s29], $0x1  }
0xb5: {  	[sflag:s29] =	ssyncadd.s32 $0xFFFFFFFF  }
0xb6: {  	_ =	strace $0x90000048  }
0xb7: {  	_ =	sfence  }
0xb8: {  	s30 =	sld [smem:$0x0];
	_ =	sdelay $0x2  }
0xb9: {  	s31 =	sshll.u32 s1, $0xD;
	s1 =	sshrl.u32 s1, $0x2  }
0xba: {  	s3 =	sand.u32 $0x4000, s31;
	s1 =	sadd.s32 s1, s30  }
0xbb: {  	s0 =	sor.u32 s3, s0;
	s1 =	sshll.u32 s1, $0x11  }
0xbc: {  	s0 =	sor.u32 s1, s0  }
0xbd: {  	s0 =	sadd.s32 $0x8F2B, s0  }
0xbe: {  	[sflag:s0] =	ssyncadd.remote.s32 $0x1  }
0xbf: {  	_ =	sfence.sel $0xFFFF  }
0xc0: {  	[dreg:$0x0] =	wrdreg $0xFFFFFFFF;
	(pc) =	sbr.abs _section_cstart, $3  }
0xc1: {  	[dreg:$0x1] =	wrdreg $0xFFFFFFFF  }
0xc2: {  	_ =	task.clear_ibuf [dreg:s7], $0x2FFFF;
	_ =	strace $0x9FFFFFFF  }
0xc3: {  	(tm) =	ssettm $0x7FFFFFFF  }
tec
execute0_lowered:
.L_overlay_start_1:
0x0: {  	(tag) =	ssettag $0x1  }
0x1: {  	s4 =	rddreg [dreg:$0x0]  }
0x2: {  	s5 =	rddreg [dreg:$0x1]  }
0x3: {  	s0 =	srdreg.scid;
	s2 =	rddreg [dreg:$0x2]  }
0x4: {  	s1 =	stileid.u32;
	s3 =	simm.s32 $0x0;
	s12 =	simm.s32 $0x80  }
0x5: {  	s13 =	simm.s32 $0x2A80;
	s14 =	simm.s32 $0x3;
	s18 =	simm.s32 $0x10  }
0x6: {  	s19 =	simm.s32 $0x0;
	s6 =	sand.u32 $0x1, s0;
	s0 =	rddreg [dreg:$0x3]  }
0x7: {  	[smem:$0x7FF] =	sst s3;
	s10 =	smul.u32 $0x280, s1;
	s16 =	sshll.u32 s1, $0x6  }
0x8: {  	s17 =	smul.u32 $0xA0, s1;
	s7 =	sshll.u32 s6, $0x4;
	s6 =	ssub.s32 $0x2, s6  }
0x9: {  	_ =	strace $0x80000047;
	s8 =	sor.u32 s1, s7;
	s9 =	sshrl.u32 s6, $0x1  }
0xa: {  	s7 =	sadd.s32 s7, s4;
	s11 =	sadd.s32 s10, s2;
	s31 =	sshrl.u32 s10, $0x3  }
0xb: {  	s10 =	simm.s32 $0x1;
	s8 =	smul.u32 $0x500, s8;
	s9 =	ssub.s32 s6, s9  }
0xc: {  	s15 =	sadd.s32 $0x17600, s7;
	s7 =	smax.u32 s9, $0x1;
	s9 =	simm.s32 $0x280  }
0xd: {  	s15 =	sadd.s32 s17, s15;
	s17 =	simm.s32 $0x20;
	s8 =	sadd.s32 s8, s4  }
0xe: {  	s4 =	sadd.s32 s5, s31;
	s5 =	sor.u32 $0x1C01, s16;
	s16 =	sor.u32 $0x1C03, s16  }
0xf: {  	v0 =	vimm.f32 $1.000000000e+00;
	s6 =	sadd.s32 $0x3600, s8;
	s8 =	sshrl.u32 s11, $0x3;
	s11 =	simm.s32 $0x2  }
.LBB2_1:
0x10: {  	[spmem:s8], [sflag:s5] =	dma.local [hbm:s4], $0x50  }
0x11: {  	[tilespmem:s9], [sflag:$0x2] =	stream.linear.gather [hbm4b:s6+s3], $0x2800, $0x38;
	[tilespmem:$0x2B00] =	vst v63  }
0x12: {  	[tilespmem:$0x2A80] =	vst v0  }
0x13: {  	[tilespmem:$0x2A90] =	vst v0  }
0x14: {  	[tilespmem:$0x2AA0] =	vst v0  }
0x15: {  	[tilespmem:$0x2AB0] =	vst v0  }
0x16: {  	[tilespmem:$0x2AC0] =	vst v0  }
0x17: {  	[tilespmem:$0x2AD0] =	vst v0  }
0x18: {  	[tilespmem:$0x2AE0] =	vst v0  }
0x19: {  	[tilespmem:$0x2AF0] =	vst v0  }
0x1a: {  	_ =	swait.ge [sflag:s10], $0x50  }
0x1b: {  	[sflag:s10] =	ssyncset.done $0x0  }
0x1c: {  	[sflag:s10] =	ssyncadd.s32 $0xFFFFFFB0  }
0x1d: {  	_ =	swait.ge [sflag:s11], $0x2800  }
0x1e: {  	[sflag:s11] =	ssyncset.done $0x0  }
0x1f: {  	[sflag:s11] =	ssyncadd.s32 $0xFFFFD800  }
0x20: {  	s20 =	simm.s32 $0x280;
	[bflag:$0x0] =	sbarrier.arrive $0xFFFF  }
0x21: {  	[spmem:s2] =	stream.indirect.scatter.add.f32 [tilespmem:s13], [sflag:$0x3], $0x1, s20, s12, $0xb8;
	[tilespmem:$0x2B00] =	vst v63  }
0x22: {  	s20 =	simm.s32 $0x200;
	_ =	swait.ge [sflag:s14], $0x80  }
.LBB2_2:
0x23: {  	s21 =	sshra.s32 s20, $0x2;
	[sflag:s14] =	ssyncset.done $0x0;
	p0 =	sne.s32 s20, $0x9E00  }
.Ltmp0:
0x24: {  	s21 =	sadd.s32 $0x280, s21;
	[sflag:s14] =	ssyncadd.s32 $0xFFFFFF80;
	(pc) =	sbr.rel @p0 .LBB2_2-.Ltmp0, $3  }
0x25: {  	[spmem:s2] =	stream.indirect.scatter.add.f32 [tilespmem:s13], [sflag:$0x3], $0x1, s21, s12, $0xb8;
	[tilespmem:$0x2B00] =	vst v63  }
0x26: {  	s20 =	sadd.s32 $0x200, s20;
	_ =	sdelay $0x1  }
0x27: {  	_ =	swait.ge [sflag:s14], $0x80  }
0x28: {  	[sflag:s14] =	ssyncset.done $0x0;
	s19 =	sadd.s32 $0x1, s19  }
0x29: {  	[sflag:s14] =	ssyncadd.s32 $0xFFFFFF80;
	p0 =	sne.s32 s19, s7  }
.Ltmp1:
0x2a: {  	[bflag:$0x0] =	sbarrier.arrive $0xFFFF;
	(pc) =	sbr.rel @p0 .LBB2_1-.Ltmp1, $4  }
0x2b: {  	[hbm:s15@s17], [sflag:s16] =	dma.strided [spmem:s8@s18], $0x50, s10, $0x10   }
0x2c: {  	_ =	swait.ge [sflag:s14], $0x50  }
0x2d: {  	[sflag:s14] =	ssyncset.done $0x0  }
0x2e: {  	[sflag:s14] =	ssyncadd.s32 $0xFFFFFFB0  }
0x2f: {  	_ =	sfence.sel $0x180000  }
0x30: {  	[bflag:$0x0] =	sbarrier.arrive $0xFFFF  }
0x31: {  	p0 =	sne.s32 s1, $0x0;
	_ =	strace $0x90000047  }
0x32: {  	s0 =	sadd.s32 @!p0 $0x100000, s0;
	[bflag:$0x2] =	sbarrier.arrive $0xFFFF  }
0x33: {  	[sflag:s0] =	ssyncadd.tile.s32 @!p0 $0x1;
	_ =	shalt  }
.Lfunc_end2:
_tile_overlayer_lowered:
.L_overlay_start_2:
0x34: {  	(tag) =	ssettag $0x2  }
0x35: {  	s0 =	rddreg [dreg:$0x0];
	s2 =	stileid.u32  }
0x36: {  	s1 =	rddreg [dreg:$0x1];
	p0 =	sne.s32 s2, $0x0  }
0x37: {  	s3 =	rddreg [dreg:$0x2];
	[bflag:$0x3] =	sbarrier.arrive $0xFFFF;
	s2 =	simm.s32 @!p0 $0x1C03  }
0x38: {  	[timem:s3], [sflag:s2] =	dma.local @!p0 [hbm:s0], s1  }
0x39: {  	s0 =	simm.s32 @!p0 $0x3  }
0x3a: {  	_ =	swait.ge @!p0 [sflag:s0], s1  }
0x3b: {  	s1 =	ssub.s32 @!p0 $0x0, s1;
	[sflag:s0] =	ssyncset.done @!p0 $0x0  }
0x3c: {  	[sflag:s0] =	ssyncadd.s32 @!p0 s1  }
0x3d: {  	[bflag:$0x3] =	sbarrier.arrive $0xFFFF  }
0x3e: {  	_ =	shalt  }

// kernel: kernel.15.cloned.1.call-start
scs
__scs_entry_jumppad:
0x0: {  	(pc) =	sbr.rel $0x88, $3  }
0x1: {  	(tag) =	ssettag $0x0;
	lr =	simm.s32 $0x1  }
0x2: {  	[smem:$0x3F97] =	sst lr;
	_ =	strace $0xD0000000  }
0x3: {  	_ = 	snop  }
0x4: {  	_ = 	snop  }
0x5: {  	_ = 	snop  }
0x6: {  	_ = 	snop  }
0x7: {  	_ = 	snop  }
__scs_overlays_trampoline_lowered:
0x8: {  	[smem:$0x3FA6] =	sst s0  }
0x9: {  	[smem:$0x3FA7] =	sst s1  }
0xa: {  	[smem:$0x3FA8] =	sst s2  }
0xb: {  	[smem:$0x3FA9] =	sst s3  }
0xc: {  	[smem:$0x3FAA] =	sst s4  }
0xd: {  	[smem:$0x3FAB] =	sst s5  }
0xe: {  	[smem:$0x3FAC] =	sst s6  }
0xf: {  	[smem:$0x3FAD] =	sst s7  }
0x10: {  	[smem:$0x3FAE] =	sst s8  }
0x11: {  	[smem:$0x3FAF] =	sst s9;
	s0 =	simm.s32 @!p0 $0x0  }
0x12: {  	s1 =	sld [smem:$0x3F95];
	s0 =	simm.s32 @p0 $0x1  }
0x13: {  	[smem:$0x3FB0] =	sst s0;
	s0 =	simm.s32 @!p1 $0x0  }
0x14: {  	s2 =	sld [smem:$0x3F94];
	s0 =	simm.s32 @p1 $0x1  }
0x15: {  	[smem:$0x3FB1] =	sst s0;
	s0 =	simm.s32 @!p2 $0x0  }
0x16: {  	s3 =	sld [smem:$0x3FDB];
	s0 =	simm.s32 @p2 $0x1  }
0x17: {  	s4 =	simm.s32 $0x1BF5;
	[smem:$0x3FB3] =	sst s0  }
0x18: {  	s0 =	sld [smem:$0x3F96];
	_ =	swait.ge [sflag:s4], $0x0  }
0x19: {  	s7 =	sld [smem:$0x3F97]  }
0x1a: {  	s8 =	sadd.s32 $0xFFFFE003, lr  }
0x1b: {  	s9 =	sadd.s32 $0xFFFFFEF7, lr;
	s5 =	simm.s32 $0xFFFFFFFF;
	p2 =	slt.u32 s8, $0xFFFFF086  }
0x1c: {  	p1 =	slt.u32 s9, $0xF7A;
	s5 =	simm.s32 @!p2 $0x0  }
0x1d: {  	s5 =	simm.s32 @p1 $0x1;
	p0 =	seq.s32 s7, s2  }
0x1e: {  	s7 =	smul.u32 @!p0 $0xF7A, s2;
	p2 =	seq.s32 @!p0 s5, $0x0  }
0x1f: {  	s9 =	smul.u32 $0xF7A, s1;
	s8 =	simm.s32 @!p0 $0x1BF5;
	p2 =	por !p2, p0  }
0x20: {  	[sflag:s8] =	ssyncset.s32 @!p0 $0xFFFFF086;
	s6 =	sadd.s32 @!p0 s3, s7;
	s7 =	simm.s32 @!p0 $0x108  }
0x21: {  	s3 =	sadd.s32 s3, s9;
	s6 =	sadd.s32 @!p0 $0x88, s6;
	s7 =	simm.s32 @p2 $0x1082  }
0x22: {  	[simem:s7], [sflag:s8] =	dma.local @!p0 [hbm:s6], $0xF7A  }
0x23: {  	s9 =	sor.u32 $0xD0000000, s2;
	s6 =	simm.s32 $0x108;
	_ =	swait.ge @!p0 [sflag:s8], $0x0  }
0x24: {  	s3 =	sadd.s32 $0x88, s3;
	s6 =	simm.s32 @!p1 $0x1082;
	[sflag:s4] =	ssyncset.s32 $0xFFFFF086  }
0x25: {  	[simem:s6], [sflag:s4] =	dma.local [hbm:s3], $0xF7A  }
0x26: {  	[smem:$0x3F97] =	sst s1;
	(tag) =	ssettag s2;
	_ =	strace s9  }
0x27: {  	s1 =	sld [smem:$0x3FA7]  }
0x28: {  	s2 =	sld [smem:$0x3FA8]  }
0x29: {  	s4 =	sld [smem:$0x3FAA]  }
0x2a: {  	p0 =	seq.s32 s5, $0x0;
	s5 =	sld [smem:$0x3FAB]  }
0x2b: {  	s6 =	sld [smem:$0x3FAC]  }
0x2c: {  	s7 =	sld [smem:$0x3FAD]  }
0x2d: {  	s3 =	simm.s32 $0x108;
	s8 =	sld [smem:$0x3FAE]  }
0x2e: {  	s3 =	simm.s32 @!p0 $0x1082;
	s9 =	sld [smem:$0x3FAF]  }
0x2f: {  	lr =	sadd.s32 s0, s3;
	s0 =	sld [smem:$0x3FA6]  }
0x30: {  	s3 =	sld [smem:$0x3FA9]  }
0x31: {  	[smem:$0x3FB2] =	sst s10  }
0x32: {  	s10 =	sld [smem:$0x3FB0];
	_ =	sdelay $0x3  }
0x33: {  	p0 =	seq.s32 s10, $0x1;
	s10 =	sld [smem:$0x3FB2];
	_ =	sdelay $0x3  }
0x34: {  	[smem:$0x3FB2] =	sst s10  }
0x35: {  	s10 =	sld [smem:$0x3FB1];
	_ =	sdelay $0x3  }
0x36: {  	p1 =	seq.s32 s10, $0x1;
	s10 =	sld [smem:$0x3FB2];
	_ =	sdelay $0x3  }
0x37: {  	[smem:$0x3FB2] =	sst s10  }
0x38: {  	s10 =	sld [smem:$0x3FB3]  }
0x39: {  	_ = 	snop;
	(pc) =	sbr.ind lr, $3  }
0x3a: {  	_ = 	snop  }
0x3b: {  	_ = 	snop  }
0x3c: {  	p2 =	seq.s32 s10, $0x1;
	s10 =	sld [smem:$0x3FB2]  }
0x3d: {  	_ =	shalt  }
0x3e: {  	_ =	shalt  }
0x3f: {  	_ =	shalt  }
0x40: {  	_ =	shalt  }
0x41: {  	_ =	shalt  }
0x42: {  	_ =	shalt  }
0x43: {  	_ =	shalt  }
0x44: {  	_ =	shalt  }
0x45: {  	_ =	shalt  }
0x46: {  	_ =	shalt  }
0x47: {  	_ =	shalt  }
0x48: {  	_ =	shalt  }
0x49: {  	_ =	shalt  }
0x4a: {  	_ =	shalt  }
0x4b: {  	_ =	shalt  }
0x4c: {  	_ =	shalt  }
0x4d: {  	_ =	shalt  }
0x4e: {  	_ =	shalt  }
0x4f: {  	_ =	shalt  }
0x50: {  	_ =	shalt  }
0x51: {  	_ =	shalt  }
0x52: {  	_ =	shalt  }
0x53: {  	_ =	shalt  }
0x54: {  	_ =	shalt  }
0x55: {  	_ =	shalt  }
0x56: {  	_ =	shalt  }
0x57: {  	_ =	shalt  }
0x58: {  	_ =	shalt  }
0x59: {  	_ =	shalt  }
0x5a: {  	_ =	shalt  }
0x5b: {  	_ =	shalt  }
0x5c: {  	_ =	shalt  }
0x5d: {  	_ =	shalt  }
0x5e: {  	_ =	shalt  }
0x5f: {  	_ =	shalt  }
0x60: {  	_ =	shalt  }
0x61: {  	_ =	shalt  }
0x62: {  	_ =	shalt  }
0x63: {  	_ =	shalt  }
0x64: {  	_ =	shalt  }
0x65: {  	_ =	shalt  }
0x66: {  	_ =	shalt  }
0x67: {  	_ =	shalt  }
0x68: {  	_ =	shalt  }
0x69: {  	_ =	shalt  }
0x6a: {  	_ =	shalt  }
0x6b: {  	_ =	shalt  }
0x6c: {  	_ =	shalt  }
0x6d: {  	_ =	shalt  }
0x6e: {  	_ =	shalt  }
0x6f: {  	_ =	shalt  }
0x70: {  	_ =	shalt  }
0x71: {  	_ =	shalt  }
0x72: {  	_ =	shalt  }
0x73: {  	_ =	shalt  }
0x74: {  	_ =	shalt  }
0x75: {  	_ =	shalt  }
0x76: {  	_ =	shalt  }
0x77: {  	_ =	shalt  }
0x78: {  	_ =	shalt  }
0x79: {  	_ =	shalt  }
0x7a: {  	_ =	shalt  }
0x7b: {  	_ =	shalt  }
0x7c: {  	_ =	shalt  }
0x7d: {  	_ =	shalt  }
0x7e: {  	_ =	shalt  }
0x7f: {  	_ =	shalt  }
0x80: {  	_ =	shalt  }
0x81: {  	_ =	shalt  }
0x82: {  	_ =	shalt  }
0x83: {  	_ =	shalt  }
0x84: {  	_ =	shalt  }
0x85: {  	_ =	shalt  }
0x86: {  	_ =	shalt  }
0x87: {  	_ =	shalt  }
.Lfunc_end0:
.L_simem_size_0:
called_computation.1_lowered:
.L_overlay_start_0:
0x88: {  	s2 =	sld [smem:$0x3FD9]  }
0x89: {  	s3 =	sld [smem:$0x3FFE];
	_ =	sdelay $0x1  }
0x8a: {  	s1 =	srdreg.scid  }
0x8b: {  	s0 =	sand.u32 $0x1, s1  }
0x8c: {  	s16 =	sshll.u32 s0, $0xA;
	s2 =	sadd.s32 s3, s2  }
0x8d: {  	s2 =	sadd.s32 s2, s16  }
0x8e: {  	[smem:$0x3FBE] =	sst s2  }
0x8f: {  	_ = 	snop  }
0x90: {  	(tm) =	ssettm $0x1  }
0x91: {  	s17 =	sld [smem:$0x3FFB];
	_ =	sdelay $0x3  }
0x92: {  	_ =	strace s17  }
0x93: {  	s2 =	sld [smem:$0x3FFC];
	_ =	sdelay $0x3  }
0x94: {  	_ =	strace s2  }
0x95: {  	s2 =	sld [smem:$0x3FFD];
	_ =	sdelay $0x3  }
0x96: {  	_ =	strace s2  }
0x97: {  	_ =	strace $0x8FFFFFFF  }
0x98: {  	s18 =	sld [smem:$0x3FDB];
	_ =	sdelay $0x1  }
0x99: {  	s19 =	simm.s32 $_scs_section_size  }
0x9a: {  	s4 =	simm.s32 $_size__tile_overlayer_lowered;
	s5 =	simm.s32 $_tile_overlayer_lowered  }
0x9b: {  	s22 =	simm.s32 $0x1BFF;
	s21 =	sshll.u32 s5, $0x1;
	s2 =	sadd.s32 s19, s18  }
0x9c: {  	s6 =	simm.s32 $0x0;
	s20 =	sshll.u32 s4, $0x1;
	s4 =	sadd.s32 s21, s2  }
0x9d: {  	[timem:s6], [sflag:s22] =	dma.local [hbm:s4], s20  }
0x9e: {  	_ =	swait.ge [sflag:s22], s20  }
0x9f: {  	s3 =	ssub.s32 $0x0, s20;
	[sflag:s22] =	ssyncset.done $0x0  }
0xa0: {  	[sflag:s22] =	ssyncadd.s32 s3;
	_ =	sdelay $0x1  }
0xa1: {  	s23 =	simm.s32 $0x1B8B  }
0xa2: {  	_ =	swait.ge [sflag:s23], $0x1  }
0xa3: {  	[sflag:s23] =	ssyncset.done $0x0  }
0xa4: {  	s25 =	simm.s32 $0x1B8E;
	s24 =	sld [smem:$0x3FFE];
	[sflag:s23] =	ssyncadd.s32 $0xFFFFFFFF  }
0xa5: {  	s26 =	simm.s32 $execute0_lowered;
	[smem:$0x3FD2] =	sst s25  }
0xa6: {  	s4 =	sshll.u32 s26, $0x1;
	_ =	strace $0x80000049;
	[dreg:$0x1] =	wrdreg $0xFFFFFFFF  }
0xa7: {  	s28 =	simm.s32 $_size_execute0_lowered;
	s2 =	sadd.s32 s2, s4;
	[dreg:$0x0] =	wrdreg $0x0  }
0xa8: {  	s4 =	sshll.u32 s28, $0x1;
	[dreg:$0x2] =	wrdreg s2  }
0xa9: {  	[dreg:$0x3] =	wrdreg s4  }
0xaa: {  	[dreg:$0x4] =	wrdreg $0xC0  }
0xab: {  	_ =	task [dreg:s6], $0x5FFFF  }
0xac: {  	[dreg:$0x1] =	wrdreg $0xFFFFFFFF  }
0xad: {  	[dreg:$0x0] =	wrdreg $0x60  }
0xae: {  	[dreg:$0x2] =	wrdreg s24  }
0xaf: {  	[dreg:$0x3] =	wrdreg $0x0  }
0xb0: {  	[dreg:$0x4] =	wrdreg $0x50000  }
0xb1: {  	[dreg:$0x5] =	wrdreg $0x9  }
0xb2: {  	_ =	task.clear_ibuf [dreg:s6], $0x6FFFF;
	_ =	strace $0x90000049  }
0xb3: {  	s29 =	simm.s32 $0x9;
	_ =	strace $0x8000004B  }
0xb4: {  	_ =	swait.ge [sflag:s29], $0x1  }
0xb5: {  	[sflag:s29] =	ssyncadd.s32 $0xFFFFFFFF  }
0xb6: {  	_ =	strace $0x9000004B  }
0xb7: {  	_ =	sfence  }
0xb8: {  	s30 =	sld [smem:$0x0];
	_ =	sdelay $0x2  }
0xb9: {  	s31 =	sshll.u32 s1, $0xD;
	s1 =	sshrl.u32 s1, $0x2  }
0xba: {  	s3 =	sand.u32 $0x4000, s31;
	s1 =	sadd.s32 s1, s30  }
0xbb: {  	s0 =	sor.u32 s3, s0;
	s1 =	sshll.u32 s1, $0x11  }
0xbc: {  	s0 =	sor.u32 s1, s0  }
0xbd: {  	s0 =	sadd.s32 $0x8F2B, s0  }
0xbe: {  	[sflag:s0] =	ssyncadd.remote.s32 $0x1  }
0xbf: {  	_ =	sfence.sel $0xFFFF  }
0xc0: {  	[dreg:$0x0] =	wrdreg $0xFFFFFFFF;
	(pc) =	sbr.abs _section_cstart, $3  }
0xc1: {  	[dreg:$0x1] =	wrdreg $0xFFFFFFFF  }
0xc2: {  	_ =	task.clear_ibuf [dreg:s6], $0x2FFFF;
	_ =	strace $0x9FFFFFFF  }
0xc3: {  	(tm) =	ssettm $0x7FFFFFFF  }
tec
execute0_lowered:
.L_overlay_start_1:
0x0: {  	(tag) =	ssettag $0x1  }
0x1: {  	s5 =	rddreg [dreg:$0x0]  }
0x2: {  	s1 =	rddreg [dreg:$0x1]  }
0x3: {  	s2 =	rddreg [dreg:$0x2];
	s3 =	srdreg.scid  }
0x4: {  	s4 =	simm.s32 $0x0;
	s0 =	stileid.u32;
	s16 =	simm.s32 $0xC800  }
0x5: {  	s17 =	simm.s32 $0x1;
	s18 =	simm.s32 $0x2;
	s19 =	simm.s32 $0x3  }
0x6: {  	s20 =	simm.s32 $0x4;
	s21 =	simm.s32 $0x100;
	s22 =	simm.s32 $0xF000  }
0x7: {  	s23 =	simm.s32 $0x11000;
	s26 =	simm.s32 $0xC700;
	s28 =	simm.s32 $0xEE00  }
0x8: {  	s29 =	simm.s32 $0xEF00;
	s30 =	simm.s32 $0x0;
	s6 =	sand.u32 $0x1, s3  }
0x9: {  	[smem:$0x7FF] =	sst s4;
	s8 =	smul.u32 $0x5000, s0;
	s7 =	sshll.u32 s6, $0x4  }
0xa: {  	_ =	strace $0x8000004A;
	s9 =	smul.u32 $0xA000, s6;
	s6 =	ssub.s32 $0x2, s6  }
0xb: {  	s7 =	sor.u32 s0, s7;
	s24 =	sshrl.u32 s8, $0x3;
	s31 =	sshrl.u32 s6, $0x1  }
0xc: {  	s14 =	sadd.s32 s8, s1;
	s15 =	sadd.s32 s8, s2;
	s7 =	smul.u32 $0x500, s7  }
0xd: {  	s10 =	sadd.s32 s24, s5;
	s12 =	sadd.s32 s9, s5;
	s13 =	ssub.s32 s6, s31  }
0xe: {  	s6 =	sadd.s32 $0x4A000, s10;
	s8 =	sadd.s32 $0x3600, s10;
	s25 =	sadd.s32 $0x54000, s12  }
0xf: {  	s12 =	sshrl.u32 s14, $0x3;
	s14 =	sshrl.u32 s15, $0x3;
	s15 =	simm.s32 $0xA000  }
0x10: {  	s11 =	sadd.s32 s7, s5;
	s5 =	sshll.u32 s0, $0x6;
	s24 =	sadd.s32 s24, s25  }
0x11: {  	s25 =	simm.s32 $0x5;
	s7 =	sor.u32 $0x1C01, s5;
	s9 =	sadd.s32 $0x40000, s11  }
0x12: {  	s10 =	sadd.s32 $0xD600, s11;
	s11 =	smax.u32 s13, $0x1;
	s13 =	sor.u32 $0x1C02, s5  }
.LBB2_1:
0x13: {  	[spmem:s12], [sflag:s7] =	dma.local [hbm:s6], $0xA00  }
0x14: {  	[spmem:s14], [sflag:s13] =	dma.local [hbm:s8], $0xA00  }
0x15: {  	[tilespmem:s15], [sflag:$0x3] =	stream.linear.gather [hbm4b:s9+s4], $0x2800, $0x38;
	[tilespmem:$0x13000] =	vst v63  }
0x16: {  	_ = 	snop  }
0x17: {  	[tilespmem:s16], [sflag:$0x4] =	stream.linear.gather [hbm4b:s10+s4], $0x2800, $0x38;
	[tilespmem:$0x13000] =	vst v63  }
0x18: {  	_ =	swait.ge [sflag:s17], $0xA00  }
0x19: {  	[sflag:s17] =	ssyncset.done $0x0  }
0x1a: {  	[sflag:s17] =	ssyncadd.s32 $0xFFFFF600  }
0x1b: {  	_ =	swait.ge [sflag:s18], $0xA00  }
0x1c: {  	[sflag:s18] =	ssyncset.done $0x0  }
0x1d: {  	[sflag:s18] =	ssyncadd.s32 $0xFFFFF600  }
0x1e: {  	_ =	swait.ge [sflag:s19], $0x2800  }
0x1f: {  	[sflag:s19] =	ssyncset.done $0x0  }
0x20: {  	[sflag:s19] =	ssyncadd.s32 $0xFFFFD800  }
0x21: {  	_ =	swait.ge [sflag:s20], $0x2800  }
0x22: {  	[sflag:s20] =	ssyncset.done $0x0  }
0x23: {  	[sflag:s20] =	ssyncadd.s32 $0xFFFFD800  }
0x24: {  	[bflag:$0x0] =	sbarrier.arrive $0xFFFF  }
0x25: {  	[tilespmem:s22], [sflag:$0x1] =	stream.indirect.gather [spmem:s2], $0x20, s15, s21, $0xb8;
	[tilespmem:$0x13000] =	vst v63  }
0x26: {  	_ =	swait.ge [sflag:s17], $0x2000  }
0x27: {  	[sflag:s17] =	ssyncset.done $0x0  }
0x28: {  	s31 =	simm.s32 $0xA100;
	[sflag:s17] =	ssyncadd.s32 $0xFFFFE000  }
0x29: {  	[tilespmem:s23], [sflag:$0x2] =	stream.indirect.gather [spmem:s2], $0x20, s31, s21, $0xb8;
	[tilespmem:$0x13000] =	vst v63  }
0x2a: {  	s31 =	simm.s32 $0xC800  }
0x2b: {  	[spmem:s1] =	stream.indirect.scatter.add.f32 [tilespmem:s22], [sflag:$0x5], $0x20, s31, s21, $0xb8;
	[tilespmem:$0x13000] =	vst v63  }
0x2c: {  	_ =	swait.ge [sflag:s25], $0x2000  }
0x2d: {  	[sflag:s25] =	ssyncset.done $0x0  }
0x2e: {  	[sflag:s25] =	ssyncadd.s32 $0xFFFFE000  }
0x2f: {  	_ =	swait.ge [sflag:s18], $0x2000  }
0x30: {  	[sflag:s18] =	ssyncset.done $0x0  }
0x31: {  	s31 =	simm.s32 $0xA200;
	[sflag:s18] =	ssyncadd.s32 $0xFFFFE000  }
0x32: {  	[tilespmem:s22], [sflag:$0x1] =	stream.indirect.gather [spmem:s2], $0x20, s31, s21, $0xb8;
	[tilespmem:$0x13000] =	vst v63  }
0x33: {  	s31 =	simm.s32 $0xC900  }
0x34: {  	[spmem:s1] =	stream.indirect.scatter.add.f32 [tilespmem:s23], [sflag:$0x5], $0x20, s31, s21, $0xb8;
	[tilespmem:$0x13000] =	vst v63  }
0x35: {  	_ =	swait.ge [sflag:s25], $0x2000  }
0x36: {  	s31 =	simm.s32 $0x800;
	[sflag:s25] =	ssyncset.done $0x0  }
.LBB2_2:
0x37: {  	p0 =	sne.s32 s31, $0x9000  }
0x38: {  	[sflag:s25] =	ssyncadd.s32 $0xFFFFE000;
	s0 =	smov.u32 s31;
	s31 =	sadd.s32 $0x800, s31  }
0x39: {  	_ = 	snop  }
0x3a: {  	_ =	swait.ge [sflag:s17], $0x2000  }
0x3b: {  	s0 =	sshra.s32 s0, $0x2;
	[sflag:s17] =	ssyncset.done $0x0  }
0x3c: {  	s3 =	sadd.s32 $0xA100, s0;
	[sflag:s17] =	ssyncadd.s32 $0xFFFFE000  }
0x3d: {  	[tilespmem:s23], [sflag:$0x2] =	stream.indirect.gather [spmem:s2], $0x20, s3, s21, $0xb8;
	[tilespmem:$0x13000] =	vst v63  }
0x3e: {  	s3 =	sadd.s32 $0xC800, s0  }
0x3f: {  	[spmem:s1] =	stream.indirect.scatter.add.f32 [tilespmem:s22], [sflag:$0x5], $0x20, s3, s21, $0xb8;
	[tilespmem:$0x13000] =	vst v63  }
0x40: {  	_ =	swait.ge [sflag:s25], $0x2000  }
0x41: {  	[sflag:s25] =	ssyncset.done $0x0  }
0x42: {  	[sflag:s25] =	ssyncadd.s32 $0xFFFFE000  }
0x43: {  	_ =	swait.ge [sflag:s18], $0x2000  }
0x44: {  	[sflag:s18] =	ssyncset.done $0x0  }
0x45: {  	s3 =	sadd.s32 $0xA200, s0;
	[sflag:s18] =	ssyncadd.s32 $0xFFFFE000  }
0x46: {  	[tilespmem:s22], [sflag:$0x1] =	stream.indirect.gather [spmem:s2], $0x20, s3, s21, $0xb8;
	[tilespmem:$0x13000] =	vst v63  }
.Ltmp0:
0x47: {  	_ = 	snop;
	(pc) =	sbr.rel @p0 .LBB2_2-.Ltmp0, $4  }
0x48: {  	s0 =	sadd.s32 $0xC900, s0  }
0x49: {  	[spmem:s1] =	stream.indirect.scatter.add.f32 [tilespmem:s23], [sflag:$0x5], $0x20, s0, s21, $0xb8;
	[tilespmem:$0x13000] =	vst v63  }
0x4a: {  	_ =	swait.ge [sflag:s25], $0x2000  }
0x4b: {  	[sflag:s25] =	ssyncset.done $0x0  }
0x4c: {  	[sflag:s25] =	ssyncadd.s32 $0xFFFFE000  }
0x4d: {  	_ =	swait.ge [sflag:s17], $0x2000  }
0x4e: {  	[sflag:s17] =	ssyncset.done $0x0  }
0x4f: {  	[sflag:s17] =	ssyncadd.s32 $0xFFFFE000  }
0x50: {  	[tilespmem:s23], [sflag:$0x2] =	stream.indirect.gather [spmem:s2], $0x20, s26, s21, $0xb8;
	[tilespmem:$0x13000] =	vst v63  }
0x51: {  	_ = 	snop  }
0x52: {  	[spmem:s1] =	stream.indirect.scatter.add.f32 [tilespmem:s22], [sflag:$0x5], $0x20, s28, s21, $0xb8;
	[tilespmem:$0x13000] =	vst v63  }
0x53: {  	_ =	swait.ge [sflag:s25], $0x2000  }
0x54: {  	[sflag:s25] =	ssyncset.done $0x0  }
0x55: {  	[sflag:s25] =	ssyncadd.s32 $0xFFFFE000  }
0x56: {  	_ =	swait.ge [sflag:s18], $0x2000  }
0x57: {  	[sflag:s18] =	ssyncset.done $0x0  }
0x58: {  	[sflag:s18] =	ssyncadd.s32 $0xFFFFE000  }
0x59: {  	[spmem:s1] =	stream.indirect.scatter.add.f32 [tilespmem:s23], [sflag:$0x5], $0x20, s29, s21, $0xb8;
	[tilespmem:$0x13000] =	vst v63  }
0x5a: {  	_ =	swait.ge [sflag:s25], $0x2000  }
0x5b: {  	s30 =	sadd.s32 $0x1, s30;
	[sflag:s25] =	ssyncset.done $0x0  }
0x5c: {  	p0 =	sne.s32 s30, s11;
	[sflag:s25] =	ssyncadd.s32 $0xFFFFE000  }
.Ltmp1:
0x5d: {  	s0 =	sor.u32 $0x1C05, s5;
	[bflag:$0x0] =	sbarrier.arrive $0xFFFF;
	(pc) =	sbr.rel @p0 .LBB2_1-.Ltmp1, $4  }
0x5e: {  	[hbm:s24], [sflag:s0] =	dma.local [spmem:s12], $0xA00  }
0x5f: {  	_ =	swait.ge [sflag:s25], $0xA00  }
0x60: {  	[sflag:s25] =	ssyncset.done $0x0  }
0x61: {  	[sflag:s25] =	ssyncadd.s32 $0xFFFFF600  }
0x62: {  	_ =	sfence.sel $0x180000  }
0x63: {  	[bflag:$0x0] =	sbarrier.arrive $0xFFFF  }
0x64: {  	_ =	strace $0x9000004A  }
0x65: {  	s0 =	stileid.u32;
	[bflag:$0x2] =	sbarrier.arrive $0xFFFF  }
0x66: {  	p0 =	sne.s32 s0, $0x0;
	s0 =	rddreg [dreg:$0x3]  }
0x67: {  	s0 =	sadd.s32 @!p0 $0x100000, s0  }
0x68: {  	[sflag:s0] =	ssyncadd.tile.s32 @!p0 $0x1;
	_ =	shalt  }
.Lfunc_end2:
_tile_overlayer_lowered:
.L_overlay_start_2:
0x69: {  	(tag) =	ssettag $0x2  }
0x6a: {  	s0 =	rddreg [dreg:$0x0];
	s2 =	stileid.u32  }
0x6b: {  	s1 =	rddreg [dreg:$0x1];
	p0 =	sne.s32 s2, $0x0  }
0x6c: {  	s3 =	rddreg [dreg:$0x2];
	[bflag:$0x3] =	sbarrier.arrive $0xFFFF;
	s2 =	simm.s32 @!p0 $0x1C05  }
0x6d: {  	[timem:s3], [sflag:s2] =	dma.local @!p0 [hbm:s0], s1  }
0x6e: {  	s0 =	simm.s32 @!p0 $0x5  }
0x6f: {  	_ =	swait.ge @!p0 [sflag:s0], s1  }
0x70: {  	s1 =	ssub.s32 @!p0 $0x0, s1;
	[sflag:s0] =	ssyncset.done @!p0 $0x0  }
0x71: {  	[sflag:s0] =	ssyncadd.s32 @!p0 s1  }
0x72: {  	[bflag:$0x3] =	sbarrier.arrive $0xFFFF  }
0x73: {  	_ =	shalt  }

// kernel: kernel.18.cloned.1.call-start
scs
__scs_entry_jumppad:
0x0: {  	(pc) =	sbr.rel $0x88, $3  }
0x1: {  	(tag) =	ssettag $0x0;
	lr =	simm.s32 $0x1  }
0x2: {  	[smem:$0x3F97] =	sst lr;
	_ =	strace $0xD0000000  }
0x3: {  	_ = 	snop  }
0x4: {  	_ = 	snop  }
0x5: {  	_ = 	snop  }
0x6: {  	_ = 	snop  }
0x7: {  	_ = 	snop  }
__scs_overlays_trampoline_lowered:
0x8: {  	[smem:$0x3FA6] =	sst s0  }
0x9: {  	[smem:$0x3FA7] =	sst s1  }
0xa: {  	[smem:$0x3FA8] =	sst s2  }
0xb: {  	[smem:$0x3FA9] =	sst s3  }
0xc: {  	[smem:$0x3FAA] =	sst s4  }
0xd: {  	[smem:$0x3FAB] =	sst s5  }
0xe: {  	[smem:$0x3FAC] =	sst s6  }
0xf: {  	[smem:$0x3FAD] =	sst s7  }
0x10: {  	[smem:$0x3FAE] =	sst s8  }
0x11: {  	[smem:$0x3FAF] =	sst s9;
	s0 =	simm.s32 @!p0 $0x0  }
0x12: {  	s1 =	sld [smem:$0x3F95];
	s0 =	simm.s32 @p0 $0x1  }
0x13: {  	[smem:$0x3FB0] =	sst s0;
	s0 =	simm.s32 @!p1 $0x0  }
0x14: {  	s2 =	sld [smem:$0x3F94];
	s0 =	simm.s32 @p1 $0x1  }
0x15: {  	[smem:$0x3FB1] =	sst s0;
	s0 =	simm.s32 @!p2 $0x0  }
0x16: {  	s3 =	sld [smem:$0x3FDB];
	s0 =	simm.s32 @p2 $0x1  }
0x17: {  	s4 =	simm.s32 $0x1BF5;
	[smem:$0x3FB3] =	sst s0  }
0x18: {  	s0 =	sld [smem:$0x3F96];
	_ =	swait.ge [sflag:s4], $0x0  }
0x19: {  	s7 =	sld [smem:$0x3F97]  }
0x1a: {  	s8 =	sadd.s32 $0xFFFFE003, lr  }
0x1b: {  	s9 =	sadd.s32 $0xFFFFFEF7, lr;
	s5 =	simm.s32 $0xFFFFFFFF;
	p2 =	slt.u32 s8, $0xFFFFF086  }
0x1c: {  	p1 =	slt.u32 s9, $0xF7A;
	s5 =	simm.s32 @!p2 $0x0  }
0x1d: {  	s5 =	simm.s32 @p1 $0x1;
	p0 =	seq.s32 s7, s2  }
0x1e: {  	s7 =	smul.u32 @!p0 $0xF7A, s2;
	p2 =	seq.s32 @!p0 s5, $0x0  }
0x1f: {  	s9 =	smul.u32 $0xF7A, s1;
	s8 =	simm.s32 @!p0 $0x1BF5;
	p2 =	por !p2, p0  }
0x20: {  	[sflag:s8] =	ssyncset.s32 @!p0 $0xFFFFF086;
	s6 =	sadd.s32 @!p0 s3, s7;
	s7 =	simm.s32 @!p0 $0x108  }
0x21: {  	s3 =	sadd.s32 s3, s9;
	s6 =	sadd.s32 @!p0 $0x88, s6;
	s7 =	simm.s32 @p2 $0x1082  }
0x22: {  	[simem:s7], [sflag:s8] =	dma.local @!p0 [hbm:s6], $0xF7A  }
0x23: {  	s9 =	sor.u32 $0xD0000000, s2;
	s6 =	simm.s32 $0x108;
	_ =	swait.ge @!p0 [sflag:s8], $0x0  }
0x24: {  	s3 =	sadd.s32 $0x88, s3;
	s6 =	simm.s32 @!p1 $0x1082;
	[sflag:s4] =	ssyncset.s32 $0xFFFFF086  }
0x25: {  	[simem:s6], [sflag:s4] =	dma.local [hbm:s3], $0xF7A  }
0x26: {  	[smem:$0x3F97] =	sst s1;
	(tag) =	ssettag s2;
	_ =	strace s9  }
0x27: {  	s1 =	sld [smem:$0x3FA7]  }
0x28: {  	s2 =	sld [smem:$0x3FA8]  }
0x29: {  	s4 =	sld [smem:$0x3FAA]  }
0x2a: {  	p0 =	seq.s32 s5, $0x0;
	s5 =	sld [smem:$0x3FAB]  }
0x2b: {  	s6 =	sld [smem:$0x3FAC]  }
0x2c: {  	s7 =	sld [smem:$0x3FAD]  }
0x2d: {  	s3 =	simm.s32 $0x108;
	s8 =	sld [smem:$0x3FAE]  }
0x2e: {  	s3 =	simm.s32 @!p0 $0x1082;
	s9 =	sld [smem:$0x3FAF]  }
0x2f: {  	lr =	sadd.s32 s0, s3;
	s0 =	sld [smem:$0x3FA6]  }
0x30: {  	s3 =	sld [smem:$0x3FA9]  }
0x31: {  	[smem:$0x3FB2] =	sst s10  }
0x32: {  	s10 =	sld [smem:$0x3FB0];
	_ =	sdelay $0x3  }
0x33: {  	p0 =	seq.s32 s10, $0x1;
	s10 =	sld [smem:$0x3FB2];
	_ =	sdelay $0x3  }
0x34: {  	[smem:$0x3FB2] =	sst s10  }
0x35: {  	s10 =	sld [smem:$0x3FB1];
	_ =	sdelay $0x3  }
0x36: {  	p1 =	seq.s32 s10, $0x1;
	s10 =	sld [smem:$0x3FB2];
	_ =	sdelay $0x3  }
0x37: {  	[smem:$0x3FB2] =	sst s10  }
0x38: {  	s10 =	sld [smem:$0x3FB3]  }
0x39: {  	_ = 	snop;
	(pc) =	sbr.ind lr, $3  }
0x3a: {  	_ = 	snop  }
0x3b: {  	_ = 	snop  }
0x3c: {  	p2 =	seq.s32 s10, $0x1;
	s10 =	sld [smem:$0x3FB2]  }
0x3d: {  	_ =	shalt  }
0x3e: {  	_ =	shalt  }
0x3f: {  	_ =	shalt  }
0x40: {  	_ =	shalt  }
0x41: {  	_ =	shalt  }
0x42: {  	_ =	shalt  }
0x43: {  	_ =	shalt  }
0x44: {  	_ =	shalt  }
0x45: {  	_ =	shalt  }
0x46: {  	_ =	shalt  }
0x47: {  	_ =	shalt  }
0x48: {  	_ =	shalt  }
0x49: {  	_ =	shalt  }
0x4a: {  	_ =	shalt  }
0x4b: {  	_ =	shalt  }
0x4c: {  	_ =	shalt  }
0x4d: {  	_ =	shalt  }
0x4e: {  	_ =	shalt  }
0x4f: {  	_ =	shalt  }
0x50: {  	_ =	shalt  }
0x51: {  	_ =	shalt  }
0x52: {  	_ =	shalt  }
0x53: {  	_ =	shalt  }
0x54: {  	_ =	shalt  }
0x55: {  	_ =	shalt  }
0x56: {  	_ =	shalt  }
0x57: {  	_ =	shalt  }
0x58: {  	_ =	shalt  }
0x59: {  	_ =	shalt  }
0x5a: {  	_ =	shalt  }
0x5b: {  	_ =	shalt  }
0x5c: {  	_ =	shalt  }
0x5d: {  	_ =	shalt  }
0x5e: {  	_ =	shalt  }
0x5f: {  	_ =	shalt  }
0x60: {  	_ =	shalt  }
0x61: {  	_ =	shalt  }
0x62: {  	_ =	shalt  }
0x63: {  	_ =	shalt  }
0x64: {  	_ =	shalt  }
0x65: {  	_ =	shalt  }
0x66: {  	_ =	shalt  }
0x67: {  	_ =	shalt  }
0x68: {  	_ =	shalt  }
0x69: {  	_ =	shalt  }
0x6a: {  	_ =	shalt  }
0x6b: {  	_ =	shalt  }
0x6c: {  	_ =	shalt  }
0x6d: {  	_ =	shalt  }
0x6e: {  	_ =	shalt  }
0x6f: {  	_ =	shalt  }
0x70: {  	_ =	shalt  }
0x71: {  	_ =	shalt  }
0x72: {  	_ =	shalt  }
0x73: {  	_ =	shalt  }
0x74: {  	_ =	shalt  }
0x75: {  	_ =	shalt  }
0x76: {  	_ =	shalt  }
0x77: {  	_ =	shalt  }
0x78: {  	_ =	shalt  }
0x79: {  	_ =	shalt  }
0x7a: {  	_ =	shalt  }
0x7b: {  	_ =	shalt  }
0x7c: {  	_ =	shalt  }
0x7d: {  	_ =	shalt  }
0x7e: {  	_ =	shalt  }
0x7f: {  	_ =	shalt  }
0x80: {  	_ =	shalt  }
0x81: {  	_ =	shalt  }
0x82: {  	_ =	shalt  }
0x83: {  	_ =	shalt  }
0x84: {  	_ =	shalt  }
0x85: {  	_ =	shalt  }
0x86: {  	_ =	shalt  }
0x87: {  	_ =	shalt  }
.Lfunc_end0:
.L_simem_size_0:
called_computation.2_lowered:
.L_overlay_start_0:
0x88: {  	s2 =	sld [smem:$0x3FD9]  }
0x89: {  	s3 =	sld [smem:$0x3FFE];
	_ =	sdelay $0x1  }
0x8a: {  	s1 =	srdreg.scid  }
0x8b: {  	s0 =	sand.u32 $0x1, s1  }
0x8c: {  	s16 =	sshll.u32 s0, $0xA;
	s2 =	sadd.s32 s3, s2  }
0x8d: {  	s2 =	sadd.s32 s2, s16  }
0x8e: {  	[smem:$0x3FBE] =	sst s2  }
0x8f: {  	_ = 	snop  }
0x90: {  	(tm) =	ssettm $0x1  }
0x91: {  	s17 =	sld [smem:$0x3FFB];
	_ =	sdelay $0x3  }
0x92: {  	_ =	strace s17  }
0x93: {  	s2 =	sld [smem:$0x3FFC];
	_ =	sdelay $0x3  }
0x94: {  	_ =	strace s2  }
0x95: {  	s2 =	sld [smem:$0x3FFD];
	_ =	sdelay $0x3  }
0x96: {  	_ =	strace s2  }
0x97: {  	_ =	strace $0x8FFFFFFF  }
0x98: {  	s18 =	sld [smem:$0x3FDB];
	_ =	sdelay $0x1  }
0x99: {  	s19 =	simm.s32 $_scs_section_size  }
0x9a: {  	s4 =	simm.s32 $_size__tile_overlayer_lowered;
	s5 =	simm.s32 $_tile_overlayer_lowered  }
0x9b: {  	s22 =	simm.s32 $0x1BFF;
	s21 =	sshll.u32 s5, $0x1;
	s2 =	sadd.s32 s19, s18  }
0x9c: {  	s6 =	simm.s32 $0x0;
	s20 =	sshll.u32 s4, $0x1;
	s4 =	sadd.s32 s21, s2  }
0x9d: {  	[timem:s6], [sflag:s22] =	dma.local [hbm:s4], s20  }
0x9e: {  	_ =	swait.ge [sflag:s22], s20  }
0x9f: {  	s3 =	ssub.s32 $0x0, s20;
	[sflag:s22] =	ssyncset.done $0x0  }
0xa0: {  	[sflag:s22] =	ssyncadd.s32 s3;
	_ =	sdelay $0x1  }
0xa1: {  	s23 =	simm.s32 $0x1B8B  }
0xa2: {  	_ =	swait.ge [sflag:s23], $0x1  }
0xa3: {  	[sflag:s23] =	ssyncset.done $0x0  }
0xa4: {  	s25 =	simm.s32 $0x1B8E;
	s24 =	sld [smem:$0x3FFE];
	[sflag:s23] =	ssyncadd.s32 $0xFFFFFFFF  }
0xa5: {  	s26 =	simm.s32 $execute0_lowered;
	[smem:$0x3FD2] =	sst s25  }
0xa6: {  	s4 =	sshll.u32 s26, $0x1;
	_ =	strace $0x8000004C;
	[dreg:$0x1] =	wrdreg $0xFFFFFFFF  }
0xa7: {  	s28 =	simm.s32 $_size_execute0_lowered;
	s2 =	sadd.s32 s2, s4;
	[dreg:$0x0] =	wrdreg $0x0  }
0xa8: {  	s4 =	sshll.u32 s28, $0x1;
	[dreg:$0x2] =	wrdreg s2  }
0xa9: {  	[dreg:$0x3] =	wrdreg s4  }
0xaa: {  	[dreg:$0x4] =	wrdreg $0xC0  }
0xab: {  	_ =	task [dreg:s6], $0x5FFFF  }
0xac: {  	[dreg:$0x1] =	wrdreg $0xFFFFFFFF  }
0xad: {  	[dreg:$0x0] =	wrdreg $0x60  }
0xae: {  	[dreg:$0x2] =	wrdreg s24  }
0xaf: {  	[dreg:$0x3] =	wrdreg $0x0  }
0xb0: {  	[dreg:$0x4] =	wrdreg $0x50000  }
0xb1: {  	[dreg:$0x5] =	wrdreg $0x9  }
0xb2: {  	_ =	task.clear_ibuf [dreg:s6], $0x6FFFF;
	_ =	strace $0x9000004C  }
0xb3: {  	s29 =	simm.s32 $0x9;
	_ =	strace $0x8000004E  }
0xb4: {  	_ =	swait.ge [sflag:s29], $0x1  }
0xb5: {  	[sflag:s29] =	ssyncadd.s32 $0xFFFFFFFF  }
0xb6: {  	_ =	strace $0x9000004E  }
0xb7: {  	_ =	sfence  }
0xb8: {  	s30 =	sld [smem:$0x0];
	_ =	sdelay $0x2  }
0xb9: {  	s31 =	sshll.u32 s1, $0xD;
	s1 =	sshrl.u32 s1, $0x2  }
0xba: {  	s3 =	sand.u32 $0x4000, s31;
	s1 =	sadd.s32 s1, s30  }
0xbb: {  	s0 =	sor.u32 s3, s0;
	s1 =	sshll.u32 s1, $0x11  }
0xbc: {  	s0 =	sor.u32 s1, s0  }
0xbd: {  	s0 =	sadd.s32 $0x8F2B, s0  }
0xbe: {  	[sflag:s0] =	ssyncadd.remote.s32 $0x1  }
0xbf: {  	_ =	sfence.sel $0xFFFF  }
0xc0: {  	[dreg:$0x0] =	wrdreg $0xFFFFFFFF;
	(pc) =	sbr.abs _section_cstart, $3  }
0xc1: {  	[dreg:$0x1] =	wrdreg $0xFFFFFFFF  }
0xc2: {  	_ =	task.clear_ibuf [dreg:s6], $0x2FFFF;
	_ =	strace $0x9FFFFFFF  }
0xc3: {  	(tm) =	ssettm $0x7FFFFFFF  }
tec
execute0_lowered:
.L_overlay_start_1:
0x0: {  	(tag) =	ssettag $0x1  }
0x1: {  	s5 =	rddreg [dreg:$0x0]  }
0x2: {  	s1 =	rddreg [dreg:$0x1]  }
0x3: {  	s2 =	rddreg [dreg:$0x2];
	s3 =	srdreg.scid  }
0x4: {  	s4 =	simm.s32 $0x0;
	s0 =	stileid.u32;
	s16 =	simm.s32 $0xC800  }
0x5: {  	s17 =	simm.s32 $0x1;
	s18 =	simm.s32 $0x2;
	s19 =	simm.s32 $0x3  }
0x6: {  	s20 =	simm.s32 $0x4;
	s21 =	simm.s32 $0x100;
	s22 =	simm.s32 $0xF000  }
0x7: {  	s23 =	simm.s32 $0x11000;
	s26 =	simm.s32 $0xC700;
	s28 =	simm.s32 $0xEE00  }
0x8: {  	s29 =	simm.s32 $0xEF00;
	s30 =	simm.s32 $0x0;
	s6 =	sand.u32 $0x1, s3  }
0x9: {  	[smem:$0x7FF] =	sst s4;
	s8 =	smul.u32 $0x5000, s0;
	s7 =	sshll.u32 s6, $0x4  }
0xa: {  	_ =	strace $0x8000004D;
	s9 =	smul.u32 $0xA000, s6;
	s6 =	ssub.s32 $0x2, s6  }
0xb: {  	s7 =	sor.u32 s0, s7;
	s24 =	sshrl.u32 s8, $0x3;
	s31 =	sshrl.u32 s6, $0x1  }
0xc: {  	s14 =	sadd.s32 s8, s1;
	s15 =	sadd.s32 s8, s2;
	s7 =	smul.u32 $0x500, s7  }
0xd: {  	s10 =	sadd.s32 s24, s5;
	s12 =	sadd.s32 s9, s5;
	s13 =	ssub.s32 s6, s31  }
0xe: {  	s6 =	sadd.s32 $0x4A000, s10;
	s8 =	sadd.s32 $0x3600, s10;
	s25 =	sadd.s32 $0x54000, s12  }
0xf: {  	s12 =	sshrl.u32 s14, $0x3;
	s14 =	sshrl.u32 s15, $0x3;
	s15 =	simm.s32 $0xA000  }
0x10: {  	s11 =	sadd.s32 s7, s5;
	s5 =	sshll.u32 s0, $0x6;
	s24 =	sadd.s32 s24, s25  }
0x11: {  	s25 =	simm.s32 $0x5;
	s7 =	sor.u32 $0x1C01, s5;
	s9 =	sadd.s32 $0x40000, s11  }
0x12: {  	s10 =	sadd.s32 $0xD600, s11;
	s11 =	smax.u32 s13, $0x1;
	s13 =	sor.u32 $0x1C02, s5  }
.LBB2_1:
0x13: {  	[spmem:s12], [sflag:s7] =	dma.local [hbm:s6], $0xA00  }
0x14: {  	[spmem:s14], [sflag:s13] =	dma.local [hbm:s8], $0xA00  }
0x15: {  	[tilespmem:s15], [sflag:$0x3] =	stream.linear.gather [hbm4b:s9+s4], $0x2800, $0x38;
	[tilespmem:$0x13000] =	vst v63  }
0x16: {  	_ = 	snop  }
0x17: {  	[tilespmem:s16], [sflag:$0x4] =	stream.linear.gather [hbm4b:s10+s4], $0x2800, $0x38;
	[tilespmem:$0x13000] =	vst v63  }
0x18: {  	_ =	swait.ge [sflag:s17], $0xA00  }
0x19: {  	[sflag:s17] =	ssyncset.done $0x0  }
0x1a: {  	[sflag:s17] =	ssyncadd.s32 $0xFFFFF600  }
0x1b: {  	_ =	swait.ge [sflag:s18], $0xA00  }
0x1c: {  	[sflag:s18] =	ssyncset.done $0x0  }
0x1d: {  	[sflag:s18] =	ssyncadd.s32 $0xFFFFF600  }
0x1e: {  	_ =	swait.ge [sflag:s19], $0x2800  }
0x1f: {  	[sflag:s19] =	ssyncset.done $0x0  }
0x20: {  	[sflag:s19] =	ssyncadd.s32 $0xFFFFD800  }
0x21: {  	_ =	swait.ge [sflag:s20], $0x2800  }
0x22: {  	[sflag:s20] =	ssyncset.done $0x0  }
0x23: {  	[sflag:s20] =	ssyncadd.s32 $0xFFFFD800  }
0x24: {  	[bflag:$0x0] =	sbarrier.arrive $0xFFFF  }
0x25: {  	[tilespmem:s22], [sflag:$0x1] =	stream.indirect.gather [spmem:s2], $0x20, s15, s21, $0xb8;
	[tilespmem:$0x13000] =	vst v63  }
0x26: {  	_ =	swait.ge [sflag:s17], $0x2000  }
0x27: {  	[sflag:s17] =	ssyncset.done $0x0  }
0x28: {  	s31 =	simm.s32 $0xA100;
	[sflag:s17] =	ssyncadd.s32 $0xFFFFE000  }
0x29: {  	[tilespmem:s23], [sflag:$0x2] =	stream.indirect.gather [spmem:s2], $0x20, s31, s21, $0xb8;
	[tilespmem:$0x13000] =	vst v63  }
0x2a: {  	s31 =	simm.s32 $0xC800  }
0x2b: {  	[spmem:s1] =	stream.indirect.scatter.add.f32 [tilespmem:s22], [sflag:$0x5], $0x20, s31, s21, $0xb8;
	[tilespmem:$0x13000] =	vst v63  }
0x2c: {  	_ =	swait.ge [sflag:s25], $0x2000  }
0x2d: {  	[sflag:s25] =	ssyncset.done $0x0  }
0x2e: {  	[sflag:s25] =	ssyncadd.s32 $0xFFFFE000  }
0x2f: {  	_ =	swait.ge [sflag:s18], $0x2000  }
0x30: {  	[sflag:s18] =	ssyncset.done $0x0  }
0x31: {  	s31 =	simm.s32 $0xA200;
	[sflag:s18] =	ssyncadd.s32 $0xFFFFE000  }
0x32: {  	[tilespmem:s22], [sflag:$0x1] =	stream.indirect.gather [spmem:s2], $0x20, s31, s21, $0xb8;
	[tilespmem:$0x13000] =	vst v63  }
0x33: {  	s31 =	simm.s32 $0xC900  }
0x34: {  	[spmem:s1] =	stream.indirect.scatter.add.f32 [tilespmem:s23], [sflag:$0x5], $0x20, s31, s21, $0xb8;
	[tilespmem:$0x13000] =	vst v63  }
0x35: {  	_ =	swait.ge [sflag:s25], $0x2000  }
0x36: {  	s31 =	simm.s32 $0x800;
	[sflag:s25] =	ssyncset.done $0x0  }
.LBB2_2:
0x37: {  	p0 =	sne.s32 s31, $0x9000  }
0x38: {  	[sflag:s25] =	ssyncadd.s32 $0xFFFFE000;
	s0 =	smov.u32 s31;
	s31 =	sadd.s32 $0x800, s31  }
0x39: {  	_ = 	snop  }
0x3a: {  	_ =	swait.ge [sflag:s17], $0x2000  }
0x3b: {  	s0 =	sshra.s32 s0, $0x2;
	[sflag:s17] =	ssyncset.done $0x0  }
0x3c: {  	s3 =	sadd.s32 $0xA100, s0;
	[sflag:s17] =	ssyncadd.s32 $0xFFFFE000  }
0x3d: {  	[tilespmem:s23], [sflag:$0x2] =	stream.indirect.gather [spmem:s2], $0x20, s3, s21, $0xb8;
	[tilespmem:$0x13000] =	vst v63  }
0x3e: {  	s3 =	sadd.s32 $0xC800, s0  }
0x3f: {  	[spmem:s1] =	stream.indirect.scatter.add.f32 [tilespmem:s22], [sflag:$0x5], $0x20, s3, s21, $0xb8;
	[tilespmem:$0x13000] =	vst v63  }
0x40: {  	_ =	swait.ge [sflag:s25], $0x2000  }
0x41: {  	[sflag:s25] =	ssyncset.done $0x0  }
0x42: {  	[sflag:s25] =	ssyncadd.s32 $0xFFFFE000  }
0x43: {  	_ =	swait.ge [sflag:s18], $0x2000  }
0x44: {  	[sflag:s18] =	ssyncset.done $0x0  }
0x45: {  	s3 =	sadd.s32 $0xA200, s0;
	[sflag:s18] =	ssyncadd.s32 $0xFFFFE000  }
0x46: {  	[tilespmem:s22], [sflag:$0x1] =	stream.indirect.gather [spmem:s2], $0x20, s3, s21, $0xb8;
	[tilespmem:$0x13000] =	vst v63  }
.Ltmp0:
0x47: {  	_ = 	snop;
	(pc) =	sbr.rel @p0 .LBB2_2-.Ltmp0, $4  }
0x48: {  	s0 =	sadd.s32 $0xC900, s0  }
0x49: {  	[spmem:s1] =	stream.indirect.scatter.add.f32 [tilespmem:s23], [sflag:$0x5], $0x20, s0, s21, $0xb8;
	[tilespmem:$0x13000] =	vst v63  }
0x4a: {  	_ =	swait.ge [sflag:s25], $0x2000  }
0x4b: {  	[sflag:s25] =	ssyncset.done $0x0  }
0x4c: {  	[sflag:s25] =	ssyncadd.s32 $0xFFFFE000  }
0x4d: {  	_ =	swait.ge [sflag:s17], $0x2000  }
0x4e: {  	[sflag:s17] =	ssyncset.done $0x0  }
0x4f: {  	[sflag:s17] =	ssyncadd.s32 $0xFFFFE000  }
0x50: {  	[tilespmem:s23], [sflag:$0x2] =	stream.indirect.gather [spmem:s2], $0x20, s26, s21, $0xb8;
	[tilespmem:$0x13000] =	vst v63  }
0x51: {  	_ = 	snop  }
0x52: {  	[spmem:s1] =	stream.indirect.scatter.add.f32 [tilespmem:s22], [sflag:$0x5], $0x20, s28, s21, $0xb8;
	[tilespmem:$0x13000] =	vst v63  }
0x53: {  	_ =	swait.ge [sflag:s25], $0x2000  }
0x54: {  	[sflag:s25] =	ssyncset.done $0x0  }
0x55: {  	[sflag:s25] =	ssyncadd.s32 $0xFFFFE000  }
0x56: {  	_ =	swait.ge [sflag:s18], $0x2000  }
0x57: {  	[sflag:s18] =	ssyncset.done $0x0  }
0x58: {  	[sflag:s18] =	ssyncadd.s32 $0xFFFFE000  }
0x59: {  	[spmem:s1] =	stream.indirect.scatter.add.f32 [tilespmem:s23], [sflag:$0x5], $0x20, s29, s21, $0xb8;
	[tilespmem:$0x13000] =	vst v63  }
0x5a: {  	_ =	swait.ge [sflag:s25], $0x2000  }
0x5b: {  	s30 =	sadd.s32 $0x1, s30;
	[sflag:s25] =	ssyncset.done $0x0  }
0x5c: {  	p0 =	sne.s32 s30, s11;
	[sflag:s25] =	ssyncadd.s32 $0xFFFFE000  }
.Ltmp1:
0x5d: {  	s0 =	sor.u32 $0x1C05, s5;
	[bflag:$0x0] =	sbarrier.arrive $0xFFFF;
	(pc) =	sbr.rel @p0 .LBB2_1-.Ltmp1, $4  }
0x5e: {  	[hbm:s24], [sflag:s0] =	dma.local [spmem:s12], $0xA00  }
0x5f: {  	_ =	swait.ge [sflag:s25], $0xA00  }
0x60: {  	[sflag:s25] =	ssyncset.done $0x0  }
0x61: {  	[sflag:s25] =	ssyncadd.s32 $0xFFFFF600  }
0x62: {  	_ =	sfence.sel $0x180000  }
0x63: {  	[bflag:$0x0] =	sbarrier.arrive $0xFFFF  }
0x64: {  	_ =	strace $0x9000004D  }
0x65: {  	s0 =	stileid.u32;
	[bflag:$0x2] =	sbarrier.arrive $0xFFFF  }
0x66: {  	p0 =	sne.s32 s0, $0x0;
	s0 =	rddreg [dreg:$0x3]  }
0x67: {  	s0 =	sadd.s32 @!p0 $0x100000, s0  }
0x68: {  	[sflag:s0] =	ssyncadd.tile.s32 @!p0 $0x1;
	_ =	shalt  }
.Lfunc_end2:
_tile_overlayer_lowered:
.L_overlay_start_2:
0x69: {  	(tag) =	ssettag $0x2  }
0x6a: {  	s0 =	rddreg [dreg:$0x0];
	s2 =	stileid.u32  }
0x6b: {  	s1 =	rddreg [dreg:$0x1];
	p0 =	sne.s32 s2, $0x0  }
0x6c: {  	s3 =	rddreg [dreg:$0x2];
	[bflag:$0x3] =	sbarrier.arrive $0xFFFF;
	s2 =	simm.s32 @!p0 $0x1C05  }
0x6d: {  	[timem:s3], [sflag:s2] =	dma.local @!p0 [hbm:s0], s1  }
0x6e: {  	s0 =	simm.s32 @!p0 $0x5  }
0x6f: {  	_ =	swait.ge @!p0 [sflag:s0], s1  }
0x70: {  	s1 =	ssub.s32 @!p0 $0x0, s1;
	[sflag:s0] =	ssyncset.done @!p0 $0x0  }
0x71: {  	[sflag:s0] =	ssyncadd.s32 @!p0 s1  }
0x72: {  	[bflag:$0x3] =	sbarrier.arrive $0xFFFF  }
0x73: {  	_ =	shalt  }

// kernel: kernel.21.cloned.1.call-start
scs
__scs_entry_jumppad:
0x0: {  	(pc) =	sbr.rel $0x88, $3  }
0x1: {  	(tag) =	ssettag $0x0;
	lr =	simm.s32 $0x1  }
0x2: {  	[smem:$0x3F97] =	sst lr;
	_ =	strace $0xD0000000  }
0x3: {  	_ = 	snop  }
0x4: {  	_ = 	snop  }
0x5: {  	_ = 	snop  }
0x6: {  	_ = 	snop  }
0x7: {  	_ = 	snop  }
__scs_overlays_trampoline_lowered:
0x8: {  	[smem:$0x3FA6] =	sst s0  }
0x9: {  	[smem:$0x3FA7] =	sst s1  }
0xa: {  	[smem:$0x3FA8] =	sst s2  }
0xb: {  	[smem:$0x3FA9] =	sst s3  }
0xc: {  	[smem:$0x3FAA] =	sst s4  }
0xd: {  	[smem:$0x3FAB] =	sst s5  }
0xe: {  	[smem:$0x3FAC] =	sst s6  }
0xf: {  	[smem:$0x3FAD] =	sst s7  }
0x10: {  	[smem:$0x3FAE] =	sst s8  }
0x11: {  	[smem:$0x3FAF] =	sst s9;
	s0 =	simm.s32 @!p0 $0x0  }
0x12: {  	s1 =	sld [smem:$0x3F95];
	s0 =	simm.s32 @p0 $0x1  }
0x13: {  	[smem:$0x3FB0] =	sst s0;
	s0 =	simm.s32 @!p1 $0x0  }
0x14: {  	s2 =	sld [smem:$0x3F94];
	s0 =	simm.s32 @p1 $0x1  }
0x15: {  	[smem:$0x3FB1] =	sst s0;
	s0 =	simm.s32 @!p2 $0x0  }
0x16: {  	s3 =	sld [smem:$0x3FDB];
	s0 =	simm.s32 @p2 $0x1  }
0x17: {  	s4 =	simm.s32 $0x1BF5;
	[smem:$0x3FB3] =	sst s0  }
0x18: {  	s0 =	sld [smem:$0x3F96];
	_ =	swait.ge [sflag:s4], $0x0  }
0x19: {  	s7 =	sld [smem:$0x3F97]  }
0x1a: {  	s8 =	sadd.s32 $0xFFFFE003, lr  }
0x1b: {  	s9 =	sadd.s32 $0xFFFFFEF7, lr;
	s5 =	simm.s32 $0xFFFFFFFF;
	p2 =	slt.u32 s8, $0xFFFFF086  }
0x1c: {  	p1 =	slt.u32 s9, $0xF7A;
	s5 =	simm.s32 @!p2 $0x0  }
0x1d: {  	s5 =	simm.s32 @p1 $0x1;
	p0 =	seq.s32 s7, s2  }
0x1e: {  	s7 =	smul.u32 @!p0 $0xF7A, s2;
	p2 =	seq.s32 @!p0 s5, $0x0  }
0x1f: {  	s9 =	smul.u32 $0xF7A, s1;
	s8 =	simm.s32 @!p0 $0x1BF5;
	p2 =	por !p2, p0  }
0x20: {  	[sflag:s8] =	ssyncset.s32 @!p0 $0xFFFFF086;
	s6 =	sadd.s32 @!p0 s3, s7;
	s7 =	simm.s32 @!p0 $0x108  }
0x21: {  	s3 =	sadd.s32 s3, s9;
	s6 =	sadd.s32 @!p0 $0x88, s6;
	s7 =	simm.s32 @p2 $0x1082  }
0x22: {  	[simem:s7], [sflag:s8] =	dma.local @!p0 [hbm:s6], $0xF7A  }
0x23: {  	s9 =	sor.u32 $0xD0000000, s2;
	s6 =	simm.s32 $0x108;
	_ =	swait.ge @!p0 [sflag:s8], $0x0  }
0x24: {  	s3 =	sadd.s32 $0x88, s3;
	s6 =	simm.s32 @!p1 $0x1082;
	[sflag:s4] =	ssyncset.s32 $0xFFFFF086  }
0x25: {  	[simem:s6], [sflag:s4] =	dma.local [hbm:s3], $0xF7A  }
0x26: {  	[smem:$0x3F97] =	sst s1;
	(tag) =	ssettag s2;
	_ =	strace s9  }
0x27: {  	s1 =	sld [smem:$0x3FA7]  }
0x28: {  	s2 =	sld [smem:$0x3FA8]  }
0x29: {  	s4 =	sld [smem:$0x3FAA]  }
0x2a: {  	p0 =	seq.s32 s5, $0x0;
	s5 =	sld [smem:$0x3FAB]  }
0x2b: {  	s6 =	sld [smem:$0x3FAC]  }
0x2c: {  	s7 =	sld [smem:$0x3FAD]  }
0x2d: {  	s3 =	simm.s32 $0x108;
	s8 =	sld [smem:$0x3FAE]  }
0x2e: {  	s3 =	simm.s32 @!p0 $0x1082;
	s9 =	sld [smem:$0x3FAF]  }
0x2f: {  	lr =	sadd.s32 s0, s3;
	s0 =	sld [smem:$0x3FA6]  }
0x30: {  	s3 =	sld [smem:$0x3FA9]  }
0x31: {  	[smem:$0x3FB2] =	sst s10  }
0x32: {  	s10 =	sld [smem:$0x3FB0];
	_ =	sdelay $0x3  }
0x33: {  	p0 =	seq.s32 s10, $0x1;
	s10 =	sld [smem:$0x3FB2];
	_ =	sdelay $0x3  }
0x34: {  	[smem:$0x3FB2] =	sst s10  }
0x35: {  	s10 =	sld [smem:$0x3FB1];
	_ =	sdelay $0x3  }
0x36: {  	p1 =	seq.s32 s10, $0x1;
	s10 =	sld [smem:$0x3FB2];
	_ =	sdelay $0x3  }
0x37: {  	[smem:$0x3FB2] =	sst s10  }
0x38: {  	s10 =	sld [smem:$0x3FB3]  }
0x39: {  	_ = 	snop;
	(pc) =	sbr.ind lr, $3  }
0x3a: {  	_ = 	snop  }
0x3b: {  	_ = 	snop  }
0x3c: {  	p2 =	seq.s32 s10, $0x1;
	s10 =	sld [smem:$0x3FB2]  }
0x3d: {  	_ =	shalt  }
0x3e: {  	_ =	shalt  }
0x3f: {  	_ =	shalt  }
0x40: {  	_ =	shalt  }
0x41: {  	_ =	shalt  }
0x42: {  	_ =	shalt  }
0x43: {  	_ =	shalt  }
0x44: {  	_ =	shalt  }
0x45: {  	_ =	shalt  }
0x46: {  	_ =	shalt  }
0x47: {  	_ =	shalt  }
0x48: {  	_ =	shalt  }
0x49: {  	_ =	shalt  }
0x4a: {  	_ =	shalt  }
0x4b: {  	_ =	shalt  }
0x4c: {  	_ =	shalt  }
0x4d: {  	_ =	shalt  }
0x4e: {  	_ =	shalt  }
0x4f: {  	_ =	shalt  }
0x50: {  	_ =	shalt  }
0x51: {  	_ =	shalt  }
0x52: {  	_ =	shalt  }
0x53: {  	_ =	shalt  }
0x54: {  	_ =	shalt  }
0x55: {  	_ =	shalt  }
0x56: {  	_ =	shalt  }
0x57: {  	_ =	shalt  }
0x58: {  	_ =	shalt  }
0x59: {  	_ =	shalt  }
0x5a: {  	_ =	shalt  }
0x5b: {  	_ =	shalt  }
0x5c: {  	_ =	shalt  }
0x5d: {  	_ =	shalt  }
0x5e: {  	_ =	shalt  }
0x5f: {  	_ =	shalt  }
0x60: {  	_ =	shalt  }
0x61: {  	_ =	shalt  }
0x62: {  	_ =	shalt  }
0x63: {  	_ =	shalt  }
0x64: {  	_ =	shalt  }
0x65: {  	_ =	shalt  }
0x66: {  	_ =	shalt  }
0x67: {  	_ =	shalt  }
0x68: {  	_ =	shalt  }
0x69: {  	_ =	shalt  }
0x6a: {  	_ =	shalt  }
0x6b: {  	_ =	shalt  }
0x6c: {  	_ =	shalt  }
0x6d: {  	_ =	shalt  }
0x6e: {  	_ =	shalt  }
0x6f: {  	_ =	shalt  }
0x70: {  	_ =	shalt  }
0x71: {  	_ =	shalt  }
0x72: {  	_ =	shalt  }
0x73: {  	_ =	shalt  }
0x74: {  	_ =	shalt  }
0x75: {  	_ =	shalt  }
0x76: {  	_ =	shalt  }
0x77: {  	_ =	shalt  }
0x78: {  	_ =	shalt  }
0x79: {  	_ =	shalt  }
0x7a: {  	_ =	shalt  }
0x7b: {  	_ =	shalt  }
0x7c: {  	_ =	shalt  }
0x7d: {  	_ =	shalt  }
0x7e: {  	_ =	shalt  }
0x7f: {  	_ =	shalt  }
0x80: {  	_ =	shalt  }
0x81: {  	_ =	shalt  }
0x82: {  	_ =	shalt  }
0x83: {  	_ =	shalt  }
0x84: {  	_ =	shalt  }
0x85: {  	_ =	shalt  }
0x86: {  	_ =	shalt  }
0x87: {  	_ =	shalt  }
.Lfunc_end0:
.L_simem_size_0:
called_computation.3_lowered:
.L_overlay_start_0:
0x88: {  	s2 =	sld [smem:$0x3FD9]  }
0x89: {  	s3 =	sld [smem:$0x3FFE];
	_ =	sdelay $0x1  }
0x8a: {  	s1 =	srdreg.scid  }
0x8b: {  	s0 =	sand.u32 $0x1, s1  }
0x8c: {  	s16 =	sshll.u32 s0, $0xA;
	s2 =	sadd.s32 s3, s2  }
0x8d: {  	s2 =	sadd.s32 s2, s16  }
0x8e: {  	[smem:$0x3FBE] =	sst s2  }
0x8f: {  	_ = 	snop  }
0x90: {  	(tm) =	ssettm $0x1  }
0x91: {  	s17 =	sld [smem:$0x3FFB];
	_ =	sdelay $0x3  }
0x92: {  	_ =	strace s17  }
0x93: {  	s2 =	sld [smem:$0x3FFC];
	_ =	sdelay $0x3  }
0x94: {  	_ =	strace s2  }
0x95: {  	s2 =	sld [smem:$0x3FFD];
	_ =	sdelay $0x3  }
0x96: {  	_ =	strace s2  }
0x97: {  	_ =	strace $0x8FFFFFFF  }
0x98: {  	s18 =	sld [smem:$0x3FDB];
	_ =	sdelay $0x1  }
0x99: {  	s19 =	simm.s32 $_scs_section_size  }
0x9a: {  	s4 =	simm.s32 $_size__tile_overlayer_lowered;
	s5 =	simm.s32 $_tile_overlayer_lowered  }
0x9b: {  	s22 =	simm.s32 $0x1BFF;
	s21 =	sshll.u32 s5, $0x1;
	s2 =	sadd.s32 s19, s18  }
0x9c: {  	s6 =	simm.s32 $0x0;
	s20 =	sshll.u32 s4, $0x1;
	s4 =	sadd.s32 s21, s2  }
0x9d: {  	[timem:s6], [sflag:s22] =	dma.local [hbm:s4], s20  }
0x9e: {  	_ =	swait.ge [sflag:s22], s20  }
0x9f: {  	s3 =	ssub.s32 $0x0, s20;
	[sflag:s22] =	ssyncset.done $0x0  }
0xa0: {  	[sflag:s22] =	ssyncadd.s32 s3;
	_ =	sdelay $0x1  }
0xa1: {  	s23 =	simm.s32 $0x1B8B  }
0xa2: {  	_ =	swait.ge [sflag:s23], $0x1  }
0xa3: {  	[sflag:s23] =	ssyncset.done $0x0  }
0xa4: {  	s25 =	simm.s32 $0x1B8E;
	s24 =	sld [smem:$0x3FFE];
	[sflag:s23] =	ssyncadd.s32 $0xFFFFFFFF  }
0xa5: {  	s26 =	simm.s32 $execute0_lowered;
	[smem:$0x3FD2] =	sst s25  }
0xa6: {  	s4 =	sshll.u32 s26, $0x1;
	_ =	strace $0x8000004F;
	[dreg:$0x1] =	wrdreg $0xFFFFFFFF  }
0xa7: {  	s28 =	simm.s32 $_size_execute0_lowered;
	s2 =	sadd.s32 s2, s4;
	[dreg:$0x0] =	wrdreg $0x0  }
0xa8: {  	s4 =	sshll.u32 s28, $0x1;
	[dreg:$0x2] =	wrdreg s2  }
0xa9: {  	[dreg:$0x3] =	wrdreg s4  }
0xaa: {  	[dreg:$0x4] =	wrdreg $0xC0  }
0xab: {  	_ =	task [dreg:s6], $0x5FFFF  }
0xac: {  	[dreg:$0x1] =	wrdreg $0xFFFFFFFF  }
0xad: {  	[dreg:$0x0] =	wrdreg $0x60  }
0xae: {  	[dreg:$0x2] =	wrdreg s24  }
0xaf: {  	[dreg:$0x3] =	wrdreg $0x0  }
0xb0: {  	[dreg:$0x4] =	wrdreg $0x50000  }
0xb1: {  	[dreg:$0x5] =	wrdreg $0x9  }
0xb2: {  	_ =	task.clear_ibuf [dreg:s6], $0x6FFFF;
	_ =	strace $0x9000004F  }
0xb3: {  	s29 =	simm.s32 $0x9;
	_ =	strace $0x80000051  }
0xb4: {  	_ =	swait.ge [sflag:s29], $0x1  }
0xb5: {  	[sflag:s29] =	ssyncadd.s32 $0xFFFFFFFF  }
0xb6: {  	_ =	strace $0x90000051  }
0xb7: {  	_ =	sfence  }
0xb8: {  	s30 =	sld [smem:$0x0];
	_ =	sdelay $0x2  }
0xb9: {  	s31 =	sshll.u32 s1, $0xD;
	s1 =	sshrl.u32 s1, $0x2  }
0xba: {  	s3 =	sand.u32 $0x4000, s31;
	s1 =	sadd.s32 s1, s30  }
0xbb: {  	s0 =	sor.u32 s3, s0;
	s1 =	sshll.u32 s1, $0x11  }
0xbc: {  	s0 =	sor.u32 s1, s0  }
0xbd: {  	s0 =	sadd.s32 $0x8F2B, s0  }
0xbe: {  	[sflag:s0] =	ssyncadd.remote.s32 $0x1  }
0xbf: {  	_ =	sfence.sel $0xFFFF  }
0xc0: {  	[dreg:$0x0] =	wrdreg $0xFFFFFFFF;
	(pc) =	sbr.abs _section_cstart, $3  }
0xc1: {  	[dreg:$0x1] =	wrdreg $0xFFFFFFFF  }
0xc2: {  	_ =	task.clear_ibuf [dreg:s6], $0x2FFFF;
	_ =	strace $0x9FFFFFFF  }
0xc3: {  	(tm) =	ssettm $0x7FFFFFFF  }
tec
execute0_lowered:
.L_overlay_start_1:
0x0: {  	(tag) =	ssettag $0x1  }
0x1: {  	s5 =	rddreg [dreg:$0x0]  }
0x2: {  	s1 =	rddreg [dreg:$0x1]  }
0x3: {  	s2 =	rddreg [dreg:$0x2];
	s3 =	srdreg.scid  }
0x4: {  	s4 =	simm.s32 $0x0;
	s0 =	stileid.u32;
	s16 =	simm.s32 $0xC800  }
0x5: {  	s17 =	simm.s32 $0x1;
	s18 =	simm.s32 $0x2;
	s19 =	simm.s32 $0x3  }
0x6: {  	s20 =	simm.s32 $0x4;
	s21 =	simm.s32 $0x100;
	s22 =	simm.s32 $0xF000  }
0x7: {  	s23 =	simm.s32 $0x11000;
	s26 =	simm.s32 $0xC700;
	s28 =	simm.s32 $0xEE00  }
0x8: {  	s29 =	simm.s32 $0xEF00;
	s30 =	simm.s32 $0x0;
	s6 =	sand.u32 $0x1, s3  }
0x9: {  	[smem:$0x7FF] =	sst s4;
	s8 =	smul.u32 $0x5000, s0;
	s7 =	sshll.u32 s6, $0x4  }
0xa: {  	_ =	strace $0x80000050;
	s9 =	smul.u32 $0xA000, s6;
	s6 =	ssub.s32 $0x2, s6  }
0xb: {  	s7 =	sor.u32 s0, s7;
	s24 =	sshrl.u32 s8, $0x3;
	s31 =	sshrl.u32 s6, $0x1  }
0xc: {  	s14 =	sadd.s32 s8, s1;
	s15 =	sadd.s32 s8, s2;
	s7 =	smul.u32 $0x500, s7  }
0xd: {  	s10 =	sadd.s32 s24, s5;
	s12 =	sadd.s32 s9, s5;
	s13 =	ssub.s32 s6, s31  }
0xe: {  	s6 =	sadd.s32 $0x4A000, s10;
	s8 =	sadd.s32 $0x3600, s10;
	s25 =	sadd.s32 $0x54000, s12  }
0xf: {  	s12 =	sshrl.u32 s14, $0x3;
	s14 =	sshrl.u32 s15, $0x3;
	s15 =	simm.s32 $0xA000  }
0x10: {  	s11 =	sadd.s32 s7, s5;
	s5 =	sshll.u32 s0, $0x6;
	s24 =	sadd.s32 s24, s25  }
0x11: {  	s25 =	simm.s32 $0x5;
	s7 =	sor.u32 $0x1C01, s5;
	s9 =	sadd.s32 $0x40000, s11  }
0x12: {  	s10 =	sadd.s32 $0xD600, s11;
	s11 =	smax.u32 s13, $0x1;
	s13 =	sor.u32 $0x1C02, s5  }
.LBB2_1:
0x13: {  	[spmem:s12], [sflag:s7] =	dma.local [hbm:s6], $0xA00  }
0x14: {  	[spmem:s14], [sflag:s13] =	dma.local [hbm:s8], $0xA00  }
0x15: {  	[tilespmem:s15], [sflag:$0x3] =	stream.linear.gather [hbm4b:s9+s4], $0x2800, $0x38;
	[tilespmem:$0x13000] =	vst v63  }
0x16: {  	_ = 	snop  }
0x17: {  	[tilespmem:s16], [sflag:$0x4] =	stream.linear.gather [hbm4b:s10+s4], $0x2800, $0x38;
	[tilespmem:$0x13000] =	vst v63  }
0x18: {  	_ =	swait.ge [sflag:s17], $0xA00  }
0x19: {  	[sflag:s17] =	ssyncset.done $0x0  }
0x1a: {  	[sflag:s17] =	ssyncadd.s32 $0xFFFFF600  }
0x1b: {  	_ =	swait.ge [sflag:s18], $0xA00  }
0x1c: {  	[sflag:s18] =	ssyncset.done $0x0  }
0x1d: {  	[sflag:s18] =	ssyncadd.s32 $0xFFFFF600  }
0x1e: {  	_ =	swait.ge [sflag:s19], $0x2800  }
0x1f: {  	[sflag:s19] =	ssyncset.done $0x0  }
0x20: {  	[sflag:s19] =	ssyncadd.s32 $0xFFFFD800  }
0x21: {  	_ =	swait.ge [sflag:s20], $0x2800  }
0x22: {  	[sflag:s20] =	ssyncset.done $0x0  }
0x23: {  	[sflag:s20] =	ssyncadd.s32 $0xFFFFD800  }
0x24: {  	[bflag:$0x0] =	sbarrier.arrive $0xFFFF  }
0x25: {  	[tilespmem:s22], [sflag:$0x1] =	stream.indirect.gather [spmem:s2], $0x20, s15, s21, $0xb8;
	[tilespmem:$0x13000] =	vst v63  }
0x26: {  	_ =	swait.ge [sflag:s17], $0x2000  }
0x27: {  	[sflag:s17] =	ssyncset.done $0x0  }
0x28: {  	s31 =	simm.s32 $0xA100;
	[sflag:s17] =	ssyncadd.s32 $0xFFFFE000  }
0x29: {  	[tilespmem:s23], [sflag:$0x2] =	stream.indirect.gather [spmem:s2], $0x20, s31, s21, $0xb8;
	[tilespmem:$0x13000] =	vst v63  }
0x2a: {  	s31 =	simm.s32 $0xC800  }
0x2b: {  	[spmem:s1] =	stream.indirect.scatter.add.f32 [tilespmem:s22], [sflag:$0x5], $0x20, s31, s21, $0xb8;
	[tilespmem:$0x13000] =	vst v63  }
0x2c: {  	_ =	swait.ge [sflag:s25], $0x2000  }
0x2d: {  	[sflag:s25] =	ssyncset.done $0x0  }
0x2e: {  	[sflag:s25] =	ssyncadd.s32 $0xFFFFE000  }
0x2f: {  	_ =	swait.ge [sflag:s18], $0x2000  }
0x30: {  	[sflag:s18] =	ssyncset.done $0x0  }
0x31: {  	s31 =	simm.s32 $0xA200;
	[sflag:s18] =	ssyncadd.s32 $0xFFFFE000  }
0x32: {  	[tilespmem:s22], [sflag:$0x1] =	stream.indirect.gather [spmem:s2], $0x20, s31, s21, $0xb8;
	[tilespmem:$0x13000] =	vst v63  }
0x33: {  	s31 =	simm.s32 $0xC900  }
0x34: {  	[spmem:s1] =	stream.indirect.scatter.add.f32 [tilespmem:s23], [sflag:$0x5], $0x20, s31, s21, $0xb8;
	[tilespmem:$0x13000] =	vst v63  }
0x35: {  	_ =	swait.ge [sflag:s25], $0x2000  }
0x36: {  	s31 =	simm.s32 $0x800;
	[sflag:s25] =	ssyncset.done $0x0  }
.LBB2_2:
0x37: {  	p0 =	sne.s32 s31, $0x9000  }
0x38: {  	[sflag:s25] =	ssyncadd.s32 $0xFFFFE000;
	s0 =	smov.u32 s31;
	s31 =	sadd.s32 $0x800, s31  }
0x39: {  	_ = 	snop  }
0x3a: {  	_ =	swait.ge [sflag:s17], $0x2000  }
0x3b: {  	s0 =	sshra.s32 s0, $0x2;
	[sflag:s17] =	ssyncset.done $0x0  }
0x3c: {  	s3 =	sadd.s32 $0xA100, s0;
	[sflag:s17] =	ssyncadd.s32 $0xFFFFE000  }
0x3d: {  	[tilespmem:s23], [sflag:$0x2] =	stream.indirect.gather [spmem:s2], $0x20, s3, s21, $0xb8;
	[tilespmem:$0x13000] =	vst v63  }
0x3e: {  	s3 =	sadd.s32 $0xC800, s0  }
0x3f: {  	[spmem:s1] =	stream.indirect.scatter.add.f32 [tilespmem:s22], [sflag:$0x5], $0x20, s3, s21, $0xb8;
	[tilespmem:$0x13000] =	vst v63  }
0x40: {  	_ =	swait.ge [sflag:s25], $0x2000  }
0x41: {  	[sflag:s25] =	ssyncset.done $0x0  }
0x42: {  	[sflag:s25] =	ssyncadd.s32 $0xFFFFE000  }
0x43: {  	_ =	swait.ge [sflag:s18], $0x2000  }
0x44: {  	[sflag:s18] =	ssyncset.done $0x0  }
0x45: {  	s3 =	sadd.s32 $0xA200, s0;
	[sflag:s18] =	ssyncadd.s32 $0xFFFFE000  }
0x46: {  	[tilespmem:s22], [sflag:$0x1] =	stream.indirect.gather [spmem:s2], $0x20, s3, s21, $0xb8;
	[tilespmem:$0x13000] =	vst v63  }
.Ltmp0:
0x47: {  	_ = 	snop;
	(pc) =	sbr.rel @p0 .LBB2_2-.Ltmp0, $4  }
0x48: {  	s0 =	sadd.s32 $0xC900, s0  }
0x49: {  	[spmem:s1] =	stream.indirect.scatter.add.f32 [tilespmem:s23], [sflag:$0x5], $0x20, s0, s21, $0xb8;
	[tilespmem:$0x13000] =	vst v63  }
0x4a: {  	_ =	swait.ge [sflag:s25], $0x2000  }
0x4b: {  	[sflag:s25] =	ssyncset.done $0x0  }
0x4c: {  	[sflag:s25] =	ssyncadd.s32 $0xFFFFE000  }
0x4d: {  	_ =	swait.ge [sflag:s17], $0x2000  }
0x4e: {  	[sflag:s17] =	ssyncset.done $0x0  }
0x4f: {  	[sflag:s17] =	ssyncadd.s32 $0xFFFFE000  }
0x50: {  	[tilespmem:s23], [sflag:$0x2] =	stream.indirect.gather [spmem:s2], $0x20, s26, s21, $0xb8;
	[tilespmem:$0x13000] =	vst v63  }
0x51: {  	_ = 	snop  }
0x52: {  	[spmem:s1] =	stream.indirect.scatter.add.f32 [tilespmem:s22], [sflag:$0x5], $0x20, s28, s21, $0xb8;
	[tilespmem:$0x13000] =	vst v63  }
0x53: {  	_ =	swait.ge [sflag:s25], $0x2000  }
0x54: {  	[sflag:s25] =	ssyncset.done $0x0  }
0x55: {  	[sflag:s25] =	ssyncadd.s32 $0xFFFFE000  }
0x56: {  	_ =	swait.ge [sflag:s18], $0x2000  }
0x57: {  	[sflag:s18] =	ssyncset.done $0x0  }
0x58: {  	[sflag:s18] =	ssyncadd.s32 $0xFFFFE000  }
0x59: {  	[spmem:s1] =	stream.indirect.scatter.add.f32 [tilespmem:s23], [sflag:$0x5], $0x20, s29, s21, $0xb8;
	[tilespmem:$0x13000] =	vst v63  }
0x5a: {  	_ =	swait.ge [sflag:s25], $0x2000  }
0x5b: {  	s30 =	sadd.s32 $0x1, s30;
	[sflag:s25] =	ssyncset.done $0x0  }
0x5c: {  	p0 =	sne.s32 s30, s11;
	[sflag:s25] =	ssyncadd.s32 $0xFFFFE000  }
.Ltmp1:
0x5d: {  	s0 =	sor.u32 $0x1C05, s5;
	[bflag:$0x0] =	sbarrier.arrive $0xFFFF;
	(pc) =	sbr.rel @p0 .LBB2_1-.Ltmp1, $4  }
0x5e: {  	[hbm:s24], [sflag:s0] =	dma.local [spmem:s12], $0xA00  }
0x5f: {  	_ =	swait.ge [sflag:s25], $0xA00  }
0x60: {  	[sflag:s25] =	ssyncset.done $0x0  }
0x61: {  	[sflag:s25] =	ssyncadd.s32 $0xFFFFF600  }
0x62: {  	_ =	sfence.sel $0x180000  }
0x63: {  	[bflag:$0x0] =	sbarrier.arrive $0xFFFF  }
0x64: {  	_ =	strace $0x90000050  }
0x65: {  	s0 =	stileid.u32;
	[bflag:$0x2] =	sbarrier.arrive $0xFFFF  }
0x66: {  	p0 =	sne.s32 s0, $0x0;
	s0 =	rddreg [dreg:$0x3]  }
0x67: {  	s0 =	sadd.s32 @!p0 $0x100000, s0  }
0x68: {  	[sflag:s0] =	ssyncadd.tile.s32 @!p0 $0x1;
	_ =	shalt  }
.Lfunc_end2:
_tile_overlayer_lowered:
.L_overlay_start_2:
0x69: {  	(tag) =	ssettag $0x2  }
0x6a: {  	s0 =	rddreg [dreg:$0x0];
	s2 =	stileid.u32  }
0x6b: {  	s1 =	rddreg [dreg:$0x1];
	p0 =	sne.s32 s2, $0x0  }
0x6c: {  	s3 =	rddreg [dreg:$0x2];
	[bflag:$0x3] =	sbarrier.arrive $0xFFFF;
	s2 =	simm.s32 @!p0 $0x1C05  }
0x6d: {  	[timem:s3], [sflag:s2] =	dma.local @!p0 [hbm:s0], s1  }
0x6e: {  	s0 =	simm.s32 @!p0 $0x5  }
0x6f: {  	_ =	swait.ge @!p0 [sflag:s0], s1  }
0x70: {  	s1 =	ssub.s32 @!p0 $0x0, s1;
	[sflag:s0] =	ssyncset.done @!p0 $0x0  }
0x71: {  	[sflag:s0] =	ssyncadd.s32 @!p0 s1  }
0x72: {  	[bflag:$0x3] =	sbarrier.arrive $0xFFFF  }
0x73: {  	_ =	shalt  }

// kernel: kernel.24.cloned.1.call-start
scs
__scs_entry_jumppad:
0x0: {  	(pc) =	sbr.rel $0x88, $3  }
0x1: {  	(tag) =	ssettag $0x0;
	lr =	simm.s32 $0x1  }
0x2: {  	[smem:$0x3F97] =	sst lr;
	_ =	strace $0xD0000000  }
0x3: {  	_ = 	snop  }
0x4: {  	_ = 	snop  }
0x5: {  	_ = 	snop  }
0x6: {  	_ = 	snop  }
0x7: {  	_ = 	snop  }
__scs_overlays_trampoline_lowered:
0x8: {  	[smem:$0x3FA6] =	sst s0  }
0x9: {  	[smem:$0x3FA7] =	sst s1  }
0xa: {  	[smem:$0x3FA8] =	sst s2  }
0xb: {  	[smem:$0x3FA9] =	sst s3  }
0xc: {  	[smem:$0x3FAA] =	sst s4  }
0xd: {  	[smem:$0x3FAB] =	sst s5  }
0xe: {  	[smem:$0x3FAC] =	sst s6  }
0xf: {  	[smem:$0x3FAD] =	sst s7  }
0x10: {  	[smem:$0x3FAE] =	sst s8  }
0x11: {  	[smem:$0x3FAF] =	sst s9;
	s0 =	simm.s32 @!p0 $0x0  }
0x12: {  	s1 =	sld [smem:$0x3F95];
	s0 =	simm.s32 @p0 $0x1  }
0x13: {  	[smem:$0x3FB0] =	sst s0;
	s0 =	simm.s32 @!p1 $0x0  }
0x14: {  	s2 =	sld [smem:$0x3F94];
	s0 =	simm.s32 @p1 $0x1  }
0x15: {  	[smem:$0x3FB1] =	sst s0;
	s0 =	simm.s32 @!p2 $0x0  }
0x16: {  	s3 =	sld [smem:$0x3FDB];
	s0 =	simm.s32 @p2 $0x1  }
0x17: {  	s4 =	simm.s32 $0x1BF5;
	[smem:$0x3FB3] =	sst s0  }
0x18: {  	s0 =	sld [smem:$0x3F96];
	_ =	swait.ge [sflag:s4], $0x0  }
0x19: {  	s7 =	sld [smem:$0x3F97]  }
0x1a: {  	s8 =	sadd.s32 $0xFFFFE003, lr  }
0x1b: {  	s9 =	sadd.s32 $0xFFFFFEF7, lr;
	s5 =	simm.s32 $0xFFFFFFFF;
	p2 =	slt.u32 s8, $0xFFFFF086  }
0x1c: {  	p1 =	slt.u32 s9, $0xF7A;
	s5 =	simm.s32 @!p2 $0x0  }
0x1d: {  	s5 =	simm.s32 @p1 $0x1;
	p0 =	seq.s32 s7, s2  }
0x1e: {  	s7 =	smul.u32 @!p0 $0xF7A, s2;
	p2 =	seq.s32 @!p0 s5, $0x0  }
0x1f: {  	s9 =	smul.u32 $0xF7A, s1;
	s8 =	simm.s32 @!p0 $0x1BF5;
	p2 =	por !p2, p0  }
0x20: {  	[sflag:s8] =	ssyncset.s32 @!p0 $0xFFFFF086;
	s6 =	sadd.s32 @!p0 s3, s7;
	s7 =	simm.s32 @!p0 $0x108  }
0x21: {  	s3 =	sadd.s32 s3, s9;
	s6 =	sadd.s32 @!p0 $0x88, s6;
	s7 =	simm.s32 @p2 $0x1082  }
0x22: {  	[simem:s7], [sflag:s8] =	dma.local @!p0 [hbm:s6], $0xF7A  }
0x23: {  	s9 =	sor.u32 $0xD0000000, s2;
	s6 =	simm.s32 $0x108;
	_ =	swait.ge @!p0 [sflag:s8], $0x0  }
0x24: {  	s3 =	sadd.s32 $0x88, s3;
	s6 =	simm.s32 @!p1 $0x1082;
	[sflag:s4] =	ssyncset.s32 $0xFFFFF086  }
0x25: {  	[simem:s6], [sflag:s4] =	dma.local [hbm:s3], $0xF7A  }
0x26: {  	[smem:$0x3F97] =	sst s1;
	(tag) =	ssettag s2;
	_ =	strace s9  }
0x27: {  	s1 =	sld [smem:$0x3FA7]  }
0x28: {  	s2 =	sld [smem:$0x3FA8]  }
0x29: {  	s4 =	sld [smem:$0x3FAA]  }
0x2a: {  	p0 =	seq.s32 s5, $0x0;
	s5 =	sld [smem:$0x3FAB]  }
0x2b: {  	s6 =	sld [smem:$0x3FAC]  }
0x2c: {  	s7 =	sld [smem:$0x3FAD]  }
0x2d: {  	s3 =	simm.s32 $0x108;
	s8 =	sld [smem:$0x3FAE]  }
0x2e: {  	s3 =	simm.s32 @!p0 $0x1082;
	s9 =	sld [smem:$0x3FAF]  }
0x2f: {  	lr =	sadd.s32 s0, s3;
	s0 =	sld [smem:$0x3FA6]  }
0x30: {  	s3 =	sld [smem:$0x3FA9]  }
0x31: {  	[smem:$0x3FB2] =	sst s10  }
0x32: {  	s10 =	sld [smem:$0x3FB0];
	_ =	sdelay $0x3  }
0x33: {  	p0 =	seq.s32 s10, $0x1;
	s10 =	sld [smem:$0x3FB2];
	_ =	sdelay $0x3  }
0x34: {  	[smem:$0x3FB2] =	sst s10  }
0x35: {  	s10 =	sld [smem:$0x3FB1];
	_ =	sdelay $0x3  }
0x36: {  	p1 =	seq.s32 s10, $0x1;
	s10 =	sld [smem:$0x3FB2];
	_ =	sdelay $0x3  }
0x37: {  	[smem:$0x3FB2] =	sst s10  }
0x38: {  	s10 =	sld [smem:$0x3FB3]  }
0x39: {  	_ = 	snop;
	(pc) =	sbr.ind lr, $3  }
0x3a: {  	_ = 	snop  }
0x3b: {  	_ = 	snop  }
0x3c: {  	p2 =	seq.s32 s10, $0x1;
	s10 =	sld [smem:$0x3FB2]  }
0x3d: {  	_ =	shalt  }
0x3e: {  	_ =	shalt  }
0x3f: {  	_ =	shalt  }
0x40: {  	_ =	shalt  }
0x41: {  	_ =	shalt  }
0x42: {  	_ =	shalt  }
0x43: {  	_ =	shalt  }
0x44: {  	_ =	shalt  }
0x45: {  	_ =	shalt  }
0x46: {  	_ =	shalt  }
0x47: {  	_ =	shalt  }
0x48: {  	_ =	shalt  }
0x49: {  	_ =	shalt  }
0x4a: {  	_ =	shalt  }
0x4b: {  	_ =	shalt  }
0x4c: {  	_ =	shalt  }
0x4d: {  	_ =	shalt  }
0x4e: {  	_ =	shalt  }
0x4f: {  	_ =	shalt  }
0x50: {  	_ =	shalt  }
0x51: {  	_ =	shalt  }
0x52: {  	_ =	shalt  }
0x53: {  	_ =	shalt  }
0x54: {  	_ =	shalt  }
0x55: {  	_ =	shalt  }
0x56: {  	_ =	shalt  }
0x57: {  	_ =	shalt  }
0x58: {  	_ =	shalt  }
0x59: {  	_ =	shalt  }
0x5a: {  	_ =	shalt  }
0x5b: {  	_ =	shalt  }
0x5c: {  	_ =	shalt  }
0x5d: {  	_ =	shalt  }
0x5e: {  	_ =	shalt  }
0x5f: {  	_ =	shalt  }
0x60: {  	_ =	shalt  }
0x61: {  	_ =	shalt  }
0x62: {  	_ =	shalt  }
0x63: {  	_ =	shalt  }
0x64: {  	_ =	shalt  }
0x65: {  	_ =	shalt  }
0x66: {  	_ =	shalt  }
0x67: {  	_ =	shalt  }
0x68: {  	_ =	shalt  }
0x69: {  	_ =	shalt  }
0x6a: {  	_ =	shalt  }
0x6b: {  	_ =	shalt  }
0x6c: {  	_ =	shalt  }
0x6d: {  	_ =	shalt  }
0x6e: {  	_ =	shalt  }
0x6f: {  	_ =	shalt  }
0x70: {  	_ =	shalt  }
0x71: {  	_ =	shalt  }
0x72: {  	_ =	shalt  }
0x73: {  	_ =	shalt  }
0x74: {  	_ =	shalt  }
0x75: {  	_ =	shalt  }
0x76: {  	_ =	shalt  }
0x77: {  	_ =	shalt  }
0x78: {  	_ =	shalt  }
0x79: {  	_ =	shalt  }
0x7a: {  	_ =	shalt  }
0x7b: {  	_ =	shalt  }
0x7c: {  	_ =	shalt  }
0x7d: {  	_ =	shalt  }
0x7e: {  	_ =	shalt  }
0x7f: {  	_ =	shalt  }
0x80: {  	_ =	shalt  }
0x81: {  	_ =	shalt  }
0x82: {  	_ =	shalt  }
0x83: {  	_ =	shalt  }
0x84: {  	_ =	shalt  }
0x85: {  	_ =	shalt  }
0x86: {  	_ =	shalt  }
0x87: {  	_ =	shalt  }
.Lfunc_end0:
.L_simem_size_0:
called_computation.4_lowered:
.L_overlay_start_0:
0x88: {  	s2 =	sld [smem:$0x3FD9]  }
0x89: {  	s3 =	sld [smem:$0x3FFE];
	_ =	sdelay $0x1  }
0x8a: {  	s1 =	srdreg.scid  }
0x8b: {  	s0 =	sand.u32 $0x1, s1  }
0x8c: {  	s17 =	sshll.u32 s0, $0xA;
	s2 =	sadd.s32 s3, s2  }
0x8d: {  	s2 =	sadd.s32 s2, s17  }
0x8e: {  	[smem:$0x3FBE] =	sst s2  }
0x8f: {  	_ = 	snop  }
0x90: {  	s2 =	sld [smem:$0x3FD0];
	(tm) =	ssettm $0x1  }
0x91: {  	s18 =	sld [smem:$0x3FFB];
	_ =	sdelay $0x3  }
0x92: {  	_ =	strace s18  }
0x93: {  	s3 =	sld [smem:$0x3FFC];
	_ =	sdelay $0x3  }
0x94: {  	_ =	strace s3  }
0x95: {  	s3 =	sld [smem:$0x3FFD];
	_ =	sdelay $0x3  }
0x96: {  	_ =	strace s3  }
0x97: {  	_ =	strace $0x8FFFFFFF  }
0x98: {  	s19 =	sld [smem:$0x3FDB];
	_ =	sdelay $0x1  }
0x99: {  	s4 =	simm.s32 $_scs_section_size  }
0x9a: {  	s5 =	simm.s32 $_size__tile_overlayer_lowered;
	s6 =	simm.s32 $_tile_overlayer_lowered  }
0x9b: {  	s22 =	simm.s32 $0x1BFF;
	s21 =	sshll.u32 s6, $0x1;
	s3 =	sadd.s32 s4, s19  }
0x9c: {  	s7 =	simm.s32 $0x0;
	s20 =	sshll.u32 s5, $0x1;
	s5 =	sadd.s32 s21, s3  }
0x9d: {  	[timem:s7], [sflag:s22] =	dma.local [hbm:s5], s20  }
0x9e: {  	_ =	swait.ge [sflag:s22], s20  }
0x9f: {  	s4 =	ssub.s32 $0x0, s20;
	[sflag:s22] =	ssyncset.done $0x0  }
0xa0: {  	[sflag:s22] =	ssyncadd.s32 s4;
	_ =	sdelay $0x1  }
0xa1: {  	s23 =	simm.s32 $0x1B8B  }
0xa2: {  	_ =	swait.ge [sflag:s23], $0x1  }
0xa3: {  	[sflag:s23] =	ssyncset.done $0x0  }
0xa4: {  	s25 =	simm.s32 $0x1B8E;
	s24 =	sld [smem:$0x3FFE];
	[sflag:s23] =	ssyncadd.s32 $0xFFFFFFFF  }
0xa5: {  	s26 =	simm.s32 $execute0_lowered;
	[smem:$0x3FD2] =	sst s25  }
0xa6: {  	s5 =	sshll.u32 s26, $0x1;
	_ =	strace $0x80000052;
	[dreg:$0x1] =	wrdreg $0xFFFFFFFF  }
0xa7: {  	s28 =	simm.s32 $_size_execute0_lowered;
	s3 =	sadd.s32 s3, s5;
	[dreg:$0x0] =	wrdreg $0x0  }
0xa8: {  	s5 =	sshll.u32 s28, $0x1;
	[dreg:$0x2] =	wrdreg s3  }
0xa9: {  	[dreg:$0x3] =	wrdreg s5  }
0xaa: {  	[dreg:$0x4] =	wrdreg $0xC0  }
0xab: {  	_ =	task [dreg:s7], $0x5FFFF  }
0xac: {  	[dreg:$0x1] =	wrdreg $0xFFFFFFFF  }
0xad: {  	[dreg:$0x0] =	wrdreg $0x60  }
0xae: {  	[dreg:$0x2] =	wrdreg s24  }
0xaf: {  	[dreg:$0x3] =	wrdreg s2  }
0xb0: {  	[dreg:$0x4] =	wrdreg $0x0  }
0xb1: {  	[dreg:$0x5] =	wrdreg $0x50000  }
0xb2: {  	[dreg:$0x6] =	wrdreg $0x9  }
0xb3: {  	_ =	task.clear_ibuf [dreg:s7], $0x7FFFF;
	_ =	strace $0x90000052  }
0xb4: {  	s29 =	simm.s32 $0x9;
	_ =	strace $0x80000054  }
0xb5: {  	_ =	swait.ge [sflag:s29], $0x1  }
0xb6: {  	[sflag:s29] =	ssyncadd.s32 $0xFFFFFFFF  }
0xb7: {  	_ =	strace $0x90000054  }
0xb8: {  	_ =	sfence  }
0xb9: {  	s30 =	sld [smem:$0x0];
	_ =	sdelay $0x2  }
0xba: {  	s31 =	sshll.u32 s1, $0xD;
	s1 =	sshrl.u32 s1, $0x2  }
0xbb: {  	s3 =	sand.u32 $0x4000, s31;
	s1 =	sadd.s32 s1, s30  }
0xbc: {  	s0 =	sor.u32 s3, s0;
	s1 =	sshll.u32 s1, $0x11  }
0xbd: {  	s0 =	sor.u32 s1, s0  }
0xbe: {  	s0 =	sadd.s32 $0x8F2B, s0  }
0xbf: {  	[sflag:s0] =	ssyncadd.remote.s32 $0x1  }
0xc0: {  	_ =	sfence.sel $0xFFFF  }
0xc1: {  	[dreg:$0x0] =	wrdreg $0xFFFFFFFF;
	(pc) =	sbr.abs _section_cstart, $3  }
0xc2: {  	[dreg:$0x1] =	wrdreg $0xFFFFFFFF  }
0xc3: {  	_ =	task.clear_ibuf [dreg:s7], $0x2FFFF;
	_ =	strace $0x9FFFFFFF  }
0xc4: {  	(tm) =	ssettm $0x7FFFFFFF  }
0xc5: {  	_ =	shalt  }
tec
execute0_lowered:
.L_overlay_start_1:
0x0: {  	(tag) =	ssettag $0x1  }
0x1: {  	s0 =	rddreg [dreg:$0x0]  }
0x2: {  	s2 =	rddreg [dreg:$0x2]  }
0x3: {  	s3 =	rddreg [dreg:$0x3];
	s4 =	simm.s32 $0x0;
	s1 =	srdreg.scid  }
0x4: {  	s17 =	stileid.u32;
	s28 =	simm.s32 $0xA000;
	s31 =	simm.s32 $0x5  }
0x5: {  	s29 =	simm.s32 $0x13000;
	s30 =	simm.s32 $0x15800;
	[smem:$0x7FF] =	sst s4  }
0x6: {  	s1 =	sand.u32 $0x1, s1;
	s7 =	sadd.s32 $0x54000, s0;
	s8 =	smul.u32 $0x5000, s17  }
0x7: {  	s10 =	sadd.s32 $0x3600, s0;
	s11 =	sadd.s32 $0x68000, s0;
	s23 =	smul.u32 $0x280, s17  }
0x8: {  	s16 =	sadd.s32 $0x6D000, s0;
	s19 =	smul.u32 $0x500, s17;
	_ =	strace $0x80000053  }
0x9: {  	s5 =	sshll.u32 s1, $0x4;
	s9 =	smul.u32 $0xA000, s1;
	s12 =	ssub.s32 $0x2, s1  }
0xa: {  	p0 =	sne.s32 s1, $0x0;
	s1 =	simm.s32 $0x4;
	s5 =	sor.u32 s17, s5  }
0xb: {  	s6 =	sshrl.u32 s8, $0x3;
	s14 =	sshrl.u32 s12, $0x1;
	s24 =	sadd.s32 s8, s2  }
0xc: {  	s22 =	sadd.s32 s8, s3;
	s8 =	simm.s32 $0x2;
	s5 =	smul.u32 $0x500, s5  }
0xd: {  	s13 =	sadd.s32 s6, s0;
	s15 =	sadd.s32 s9, s0;
	s12 =	ssub.s32 s12, s14  }
0xe: {  	[dreg:$0x5] =	wrdreg s24;
	s9 =	sshll.u32 s17, $0x6;
	s18 =	sadd.s32 s7, s6  }
0xf: {  	s14 =	sadd.s32 $0x140, s23;
	s20 =	sadd.s32 s10, s6;
	[dreg:$0xc] =	wrdreg s22  }
0x10: {  	s23 =	sadd.s32 s16, s6;
	s25 =	sadd.s32 $0x4A000, s13;
	[dreg:$0x9] =	wrdreg s18  }
0x11: {  	s13 =	sadd.s32 $0x5E000, s0;
	[dreg:$0xa] =	wrdreg s20;
	s21 =	sshll.u32 s14, $0x1  }
0x12: {  	[dreg:$0xe] =	wrdreg s23;
	s20 =	smov.u32 s9;
	s5 =	sadd.s32 s5, s0  }
0x13: {  	[dreg:$0x6] =	wrdreg s25;
	s0 =	sadd.s32 s11, s21;
	s25 =	sshll.u32 s14, $0x5  }
0x14: {  	s26 =	sadd.s32 $0x40000, s5;
	s5 =	sadd.s32 $0xD600, s5;
	[dreg:$0xd] =	wrdreg s0  }
0x15: {  	s22 =	sadd.s32 s25, s3;
	s0 =	simm.s32 $0x1;
	[dreg:$0x7] =	wrdreg s26  }
0x16: {  	[dreg:$0x8] =	wrdreg s5;
	s5 =	sadd.s32 s11, s19;
	s19 =	sshll.u32 s14, $0x2  }
0x17: {  	s26 =	sadd.s32 $0x77000, s15;
	s11 =	simm.s32 $0xF000;
	s14 =	simm.s32 $0x0  }
0x18: {  	[dreg:$0xb] =	wrdreg s5;
	s24 =	sadd.s32 s7, s19;
	s21 =	sadd.s32 s10, s19  }
0x19: {  	s23 =	sadd.s32 s16, s19;
	s25 =	sadd.s32 s6, s26;
	s26 =	sor.u32 $0x1C01, s9  }
0x1a: {  	s5 =	simm.s32 $0x3;
	s7 =	simm.s32 $0x18000;
	s10 =	simm.s32 $0x100  }
0x1b: {  	[dreg:$0xf] =	wrdreg s24;
	s24 =	smax.u32 s12, $0x1;
	s12 =	simm.s32 $0x11000  }
.LBB2_1:
0x1c: {  	s9 =	rddreg [dreg:$0x5]  }
0x1d: {  	s17 =	rddreg [dreg:$0x6];
	s15 =	sshrl.u32 s9, $0x3  }
0x1e: {  	[spmem:s15], [sflag:s26] =	dma.local [hbm:s17], $0xA00  }
0x1f: {  	s9 =	rddreg [dreg:$0x7]  }
0x20: {  	[tilespmem:s28], [sflag:$0x3] =	stream.linear.gather [hbm4b:s9+s4], $0x2800, $0x38;
	[tilespmem:$0x1BD00] =	vst v63  }
0x21: {  	s16 =	simm.s32 $0xC800;
	s18 =	rddreg [dreg:$0x8]  }
0x22: {  	[tilespmem:s16], [sflag:$0x4] =	stream.linear.gather [hbm4b:s18+s4], $0x2800, $0x38;
	[tilespmem:$0x1BD00] =	vst v63  }
0x23: {  	s17 =	simm.s32 $0x1BC00;
	s16 =	rddreg [dreg:$0x1]  }
0x24: {  	[tilespmem:s17], [sflag:$0x5] =	stream.linear.gather [hbm4b:s16+s4], $0x100, $0x38;
	[tilespmem:$0x1BD00] =	vst v63  }
0x25: {  	_ =	swait.ge [sflag:s31], $0x100  }
0x26: {  	[sflag:s31] =	ssyncset.done $0x0  }
0x27: {  	[sflag:s31] =	ssyncadd.s32 $0xFFFFFF00  }
0x28: {  	_ =	swait.ge [sflag:s0], $0xA00  }
0x29: {  	[sflag:s0] =	ssyncset.done $0x0  }
0x2a: {  	[sflag:s0] =	ssyncadd.s32 $0xFFFFF600  }
0x2b: {  	_ =	swait.ge [sflag:s5], $0x2800  }
0x2c: {  	[sflag:s5] =	ssyncset.done $0x0  }
0x2d: {  	[sflag:s5] =	ssyncadd.s32 $0xFFFFD800  }
0x2e: {  	_ =	swait.ge [sflag:s1], $0x2800  }
0x2f: {  	[sflag:s1] =	ssyncset.done $0x0  }
0x30: {  	[sflag:s1] =	ssyncadd.s32 $0xFFFFD800  }
0x31: {  	s18 =	rddreg [dreg:$0x9];
	v0 =	vld [tilespmem:$0x1BC00]  }
0x32: {  	v1 =	vld [tilespmem:$0x1BC10];
	[tilespmem:s29], [sflag:$0x1] =	stream.linear.gather [hbm4b:s18+s4], $0x2800, $0x38  }
0x33: {  	s9 =	sadd.s32 s6, s13  }
0x34: {  	[tilespmem:s30], [sflag:$0x2] =	stream.linear.gather [hbm4b:s9+s4], $0x2800, $0x38;
	[tilespmem:$0x1BD00] =	vst v63  }
0x35: {  	s17 =	rddreg [dreg:$0xa]  }
0x36: {  	[tilespmem:s7], [sflag:$0x3] =	stream.linear.gather [hbm4b:s17+s4], $0x2800, $0x38;
	[tilespmem:$0x1BD00] =	vst v63  }
0x37: {  	s16 =	simm.s32 $0x1A800;
	s18 =	rddreg [dreg:$0xb]  }
0x38: {  	[tilespmem:s16], [sflag:$0x4] =	stream.linear.gather [hbm4b:s18+s4], $0x1400, $0x38;
	[tilespmem:$0x1BD00] =	vst v63  }
0x39: {  	_ =	swait.ge [sflag:s0], $0x2800  }
0x3a: {  	[sflag:s0] =	ssyncset.done $0x0  }
0x3b: {  	[sflag:s0] =	ssyncadd.s32 $0xFFFFD800  }
0x3c: {  	_ =	swait.ge [sflag:s8], $0x2800  }
0x3d: {  	[sflag:s8] =	ssyncset.done $0x0  }
0x3e: {  	[sflag:s8] =	ssyncadd.s32 $0xFFFFD800  }
0x3f: {  	_ =	swait.ge [sflag:s5], $0x2800  }
0x40: {  	[sflag:s5] =	ssyncset.done $0x0  }
0x41: {  	[sflag:s5] =	ssyncadd.s32 $0xFFFFD800  }
0x42: {  	_ =	swait.ge [sflag:s1], $0x1400  }
0x43: {  	[sflag:s1] =	ssyncset.done $0x0  }
0x44: {  	s18 =	simm.s32 $0x0;
	[sflag:s1] =	ssyncadd.s32 $0xFFFFEC00  }
0x45: {  	v3 =	vld [tilespmem:s18+$0x15810]  }
0x46: {  	v4 =	vld [tilespmem:s18+$0x13010]  }
0x47: {  	v5 =	vld [tilespmem:s18+$0x15800]  }
0x48: {  	v6 =	vld [tilespmem:s18+$0x13000]  }
0x49: {  	v2 =	vld [tilespmem:s18+$0x18010]  }
0x4a: {  	v8 =	vld [tilespmem:s18+$0x18000]  }
0x4b: {  	v7 =	vld [tilespmem:s16+$0x0]  }
0x4c: {  	v3 =	vadd.f32 v3, v4  }
0x4d: {  	v4 =	vadd.f32 v5, v6  }
0x4e: {  	v2 =	vadd.f32 v2, v3  }
0x4f: {  	v3 =	vadd.f32 v8, v4  }
0x50: {  	v2 =	vmul.f32 v2, v7  }
0x51: {  	v3 =	vmul.f32 v3, v7  }
0x52: {  	v2 =	vadd.f32 v2, v1  }
0x53: {  	v4 =	vadd.f32 v3, v0  }
0x54: {  	s17 =	simm.s32 $0x20;
	v3 =	vmax.f32 v2, $0.0e+00  }
0x55: {  	v2 =	vld [tilespmem:s17+$0x18010];
	v6 =	vmax.f32 v4, $0.0e+00;
	v5 =	vmul.f32 v3, v7  }
0x56: {  	v4 =	vld [tilespmem:s17+$0x15810];
	v6 =	vmul.f32 v6, v7  }
0x57: {  	v3 =	vld [tilespmem:s17+$0x15800];
	[tilespmem:s18+$0x13010] =	vst v5  }
0x58: {  	v5 =	vld [tilespmem:s17+$0x13010];
	[tilespmem:s18+$0x13000] =	vst v6;
	s18 =	simm.s32 $0x100  }
.LBB2_2:
0x59: {  	p1 =	sne.s32 s18, $0x9F80;
	v6 =	vld [tilespmem:s17+$0x13000];
	s16 =	sadd.s32 $0x10, s16  }
0x5a: {  	v7 =	vld [tilespmem:s16+$0x0]  }
0x5b: {  	v8 =	vld [tilespmem:s17+$0x18000];
	_ =	sdelay $0x1  }
0x5c: {  	v4 =	vadd.f32 v4, v5  }
0x5d: {  	v3 =	vadd.f32 v3, v6  }
0x5e: {  	v2 =	vadd.f32 v2, v4  }
0x5f: {  	v3 =	vadd.f32 v8, v3  }
0x60: {  	v2 =	vmul.f32 v2, v7  }
0x61: {  	v3 =	vmul.f32 v3, v7  }
0x62: {  	v2 =	vadd.f32 v2, v1  }
0x63: {  	v3 =	vadd.f32 v3, v0  }
.Ltmp0:
0x64: {  	s9 =	sshra.s32 s18, $0x2;
	v4 =	vmax.f32 v2, $0.0e+00;
	(pc) =	sbr.rel @p1 .LBB2_2-.Ltmp0, $4  }
0x65: {  	v2 =	vld [tilespmem:s9+$0x18010];
	v5 =	vmax.f32 v3, $0.0e+00;
	v6 =	vmul.f32 v4, v7  }
0x66: {  	v3 =	vld [tilespmem:s9+$0x15800];
	v7 =	vmul.f32 v5, v7  }
0x67: {  	v4 =	vld [tilespmem:s9+$0x15810];
	[tilespmem:s17+$0x13010] =	vst v6  }
0x68: {  	s18 =	sadd.s32 $0x80, s18;
	v5 =	vld [tilespmem:s9+$0x13010];
	[tilespmem:s17+$0x13000] =	vst v7;
	s17 =	smov.u32 s9  }
0x69: {  	v6 =	vld [tilespmem:s17+$0x13000];
	_ =	sdelay $0x1  }
0x6a: {  	s9 =	sadd.s32 $0x10, s16;
	v7 =	vld [tilespmem:s17+$0x18000]  }
0x6b: {  	v8 =	vld [tilespmem:s9+$0x0]  }
0x6c: {  	v4 =	vadd.f32 v4, v5  }
0x6d: {  	v3 =	vadd.f32 v3, v6  }
0x6e: {  	v2 =	vadd.f32 v2, v4  }
0x6f: {  	v3 =	vadd.f32 v7, v3  }
0x70: {  	v2 =	vmul.f32 v2, v8  }
0x71: {  	v3 =	vmul.f32 v3, v8  }
0x72: {  	v2 =	vadd.f32 v2, v1  }
0x73: {  	v3 =	vadd.f32 v3, v0  }
0x74: {  	v2 =	vmax.f32 v2, $0.0e+00  }
0x75: {  	v3 =	vmax.f32 v3, $0.0e+00;
	v2 =	vmul.f32 v2, v8  }
0x76: {  	v3 =	vmul.f32 v3, v8  }
0x77: {  	[tilespmem:s17+$0x13010] =	vst v2  }
0x78: {  	[tilespmem:s17+$0x13000] =	vst v3;
	s17 =	rddreg [dreg:$0xc]  }
0x79: {  	[spmem:s17] =	stream.linear.scatter [tilespmem:s29], [sflag:$0x5], $0x2800, $0x38;
	[tilespmem:$0x1BD00] =	vst v63  }
0x7a: {  	_ =	swait.ge [sflag:s31], $0x2800  }
0x7b: {  	s16 =	simm.s32 @!p0 $0x13000;
	[sflag:s31] =	ssyncset.done $0x0  }
0x7c: {  	s9 =	simm.s32 @!p0 $0x0;
	s17 =	rddreg [dreg:$0xe];
	[sflag:s31] =	ssyncadd.s32 $0xFFFFD800  }
0x7d: {  	[hbm4b:s17+s9] =	stream.linear.scatter @!p0 [tilespmem:s16], [sflag:$0x5], $0x2800, $0x38;
	[tilespmem:$0x1BD00] =	vst v63  }
0x7e: {  	s9 =	simm.s32 @!p0 $0x5  }
0x7f: {  	_ =	swait.ge @!p0 [sflag:s9], $0x2800  }
0x80: {  	[sflag:s9] =	ssyncset.done @!p0 $0x0  }
0x81: {  	s18 =	rddreg [dreg:$0xf];
	[sflag:s9] =	ssyncadd.s32 @!p0 $0xFFFFD800;
	s9 =	simm.s32 $0x0  }
0x82: {  	[tilespmem:s29], [sflag:$0x1] =	stream.linear.gather [hbm4b:s18+s9], $0x2800, $0x38;
	[tilespmem:$0x1BD00] =	vst v63  }
0x83: {  	s17 =	sadd.s32 s19, s13  }
0x84: {  	[tilespmem:s30], [sflag:$0x2] =	stream.linear.gather [hbm4b:s17+s9], $0x2800, $0x38;
	[tilespmem:$0x1BD00] =	vst v63  }
0x85: {  	_ = 	snop  }
0x86: {  	[tilespmem:s7], [sflag:$0x3] =	stream.linear.gather [hbm4b:s21+s9], $0x2800, $0x38;
	[tilespmem:$0x1BD00] =	vst v63  }
0x87: {  	s16 =	simm.s32 $0x1A800;
	s18 =	rddreg [dreg:$0xd]  }
0x88: {  	[tilespmem:s16], [sflag:$0x4] =	stream.linear.gather [hbm4b:s18+s9], $0x1400, $0x38;
	[tilespmem:$0x1BD00] =	vst v63  }
0x89: {  	_ =	swait.ge [sflag:s0], $0x2800  }
0x8a: {  	[sflag:s0] =	ssyncset.done $0x0  }
0x8b: {  	[sflag:s0] =	ssyncadd.s32 $0xFFFFD800  }
0x8c: {  	_ =	swait.ge [sflag:s8], $0x2800  }
0x8d: {  	[sflag:s8] =	ssyncset.done $0x0  }
0x8e: {  	[sflag:s8] =	ssyncadd.s32 $0xFFFFD800  }
0x8f: {  	_ =	swait.ge [sflag:s5], $0x2800  }
0x90: {  	[sflag:s5] =	ssyncset.done $0x0  }
0x91: {  	[sflag:s5] =	ssyncadd.s32 $0xFFFFD800  }
0x92: {  	_ =	swait.ge [sflag:s1], $0x1400  }
0x93: {  	[sflag:s1] =	ssyncset.done $0x0  }
0x94: {  	s9 =	simm.s32 $0x0;
	[sflag:s1] =	ssyncadd.s32 $0xFFFFEC00  }
0x95: {  	v3 =	vld [tilespmem:s9+$0x15810]  }
0x96: {  	v4 =	vld [tilespmem:s9+$0x13010]  }
0x97: {  	v5 =	vld [tilespmem:s9+$0x15800]  }
0x98: {  	v6 =	vld [tilespmem:s9+$0x13000]  }
0x99: {  	v2 =	vld [tilespmem:s9+$0x18010]  }
0x9a: {  	v63 =	vld [tilespmem:s9+$0x18000]  }
0x9b: {  	v7 =	vld [tilespmem:s16+$0x0]  }
0x9c: {  	v3 =	vadd.f32 v3, v4  }
0x9d: {  	v4 =	vadd.f32 v5, v6  }
0x9e: {  	v2 =	vadd.f32 v2, v3  }
0x9f: {  	v3 =	vadd.f32 v63, v4  }
0xa0: {  	v2 =	vmul.f32 v2, v7  }
0xa1: {  	v3 =	vmul.f32 v3, v7  }
0xa2: {  	v2 =	vadd.f32 v2, v1  }
0xa3: {  	v4 =	vadd.f32 v3, v0  }
0xa4: {  	s17 =	simm.s32 $0x20;
	v3 =	vmax.f32 v2, $0.0e+00  }
0xa5: {  	v2 =	vld [tilespmem:s17+$0x18010];
	v6 =	vmax.f32 v4, $0.0e+00;
	v5 =	vmul.f32 v3, v7  }
0xa6: {  	v4 =	vld [tilespmem:s17+$0x15810];
	v6 =	vmul.f32 v6, v7  }
0xa7: {  	v3 =	vld [tilespmem:s17+$0x15800];
	[tilespmem:s9+$0x13010] =	vst v5  }
0xa8: {  	s18 =	simm.s32 $0x100;
	v5 =	vld [tilespmem:s17+$0x13010];
	[tilespmem:s9+$0x13000] =	vst v6  }
.LBB2_4:
0xa9: {  	p1 =	sne.s32 s18, $0x9F80;
	v6 =	vld [tilespmem:s17+$0x13000];
	s16 =	sadd.s32 $0x10, s16  }
0xaa: {  	v7 =	vld [tilespmem:s16+$0x0]  }
0xab: {  	v8 =	vld [tilespmem:s17+$0x18000];
	_ =	sdelay $0x1  }
0xac: {  	v4 =	vadd.f32 v4, v5  }
0xad: {  	v3 =	vadd.f32 v3, v6  }
0xae: {  	v2 =	vadd.f32 v2, v4  }
0xaf: {  	v3 =	vadd.f32 v8, v3  }
0xb0: {  	v2 =	vmul.f32 v2, v7  }
0xb1: {  	v3 =	vmul.f32 v3, v7  }
0xb2: {  	v2 =	vadd.f32 v2, v1  }
0xb3: {  	v3 =	vadd.f32 v3, v0  }
.Ltmp1:
0xb4: {  	s9 =	sshra.s32 s18, $0x2;
	v4 =	vmax.f32 v2, $0.0e+00;
	(pc) =	sbr.rel @p1 .LBB2_4-.Ltmp1, $4  }
0xb5: {  	v2 =	vld [tilespmem:s9+$0x18010];
	v5 =	vmax.f32 v3, $0.0e+00;
	v6 =	vmul.f32 v4, v7  }
0xb6: {  	v3 =	vld [tilespmem:s9+$0x15800];
	v7 =	vmul.f32 v5, v7  }
0xb7: {  	v4 =	vld [tilespmem:s9+$0x15810];
	[tilespmem:s17+$0x13010] =	vst v6  }
0xb8: {  	s18 =	sadd.s32 $0x80, s18;
	v5 =	vld [tilespmem:s9+$0x13010];
	[tilespmem:s17+$0x13000] =	vst v7;
	s17 =	smov.u32 s9  }
0xb9: {  	v6 =	vld [tilespmem:s17+$0x13000];
	_ =	sdelay $0x1  }
0xba: {  	s9 =	sadd.s32 $0x10, s16;
	v7 =	vld [tilespmem:s17+$0x18000]  }
0xbb: {  	v8 =	vld [tilespmem:s9+$0x0]  }
0xbc: {  	v4 =	vadd.f32 v4, v5  }
0xbd: {  	v3 =	vadd.f32 v3, v6  }
0xbe: {  	v2 =	vadd.f32 v2, v4  }
0xbf: {  	v3 =	vadd.f32 v7, v3  }
0xc0: {  	v2 =	vmul.f32 v2, v8  }
0xc1: {  	v3 =	vmul.f32 v3, v8  }
0xc2: {  	v1 =	vadd.f32 v2, v1  }
0xc3: {  	v0 =	vadd.f32 v3, v0  }
0xc4: {  	v1 =	vmax.f32 v1, $0.0e+00  }
0xc5: {  	v0 =	vmax.f32 v0, $0.0e+00;
	v1 =	vmul.f32 v1, v8  }
0xc6: {  	v0 =	vmul.f32 v0, v8  }
0xc7: {  	[tilespmem:s17+$0x13010] =	vst v1  }
0xc8: {  	[tilespmem:s17+$0x13000] =	vst v0  }
0xc9: {  	[spmem:s22] =	stream.linear.scatter [tilespmem:s29], [sflag:$0x5], $0x2800, $0x38;
	[tilespmem:$0x1BD00] =	vst v63  }
0xca: {  	_ =	swait.ge [sflag:s31], $0x2800  }
0xcb: {  	[sflag:s31] =	ssyncset.done $0x0  }
0xcc: {  	s16 =	simm.s32 @!p0 $0x13000;
	s9 =	simm.s32 @!p0 $0x0;
	[sflag:s31] =	ssyncadd.s32 $0xFFFFD800  }
0xcd: {  	[hbm4b:s23+s9] =	stream.linear.scatter @!p0 [tilespmem:s16], [sflag:$0x5], $0x2800, $0x38;
	[tilespmem:$0x1BD00] =	vst v63  }
0xce: {  	s9 =	simm.s32 @!p0 $0x5  }
0xcf: {  	_ =	swait.ge @!p0 [sflag:s9], $0x2800  }
0xd0: {  	[sflag:s9] =	ssyncset.done @!p0 $0x0  }
0xd1: {  	[sflag:s9] =	ssyncadd.s32 @!p0 $0xFFFFD800  }
0xd2: {  	[bflag:$0x0] =	sbarrier.arrive $0xFFFF  }
0xd3: {  	[tilespmem:s11], [sflag:$0x1] =	stream.indirect.gather [spmem:s3], $0x20, s28, s10, $0xb8;
	[tilespmem:$0x1BD00] =	vst v63  }
0xd4: {  	_ =	swait.ge [sflag:s0], $0x2000  }
0xd5: {  	[sflag:s0] =	ssyncset.done $0x0  }
0xd6: {  	s18 =	simm.s32 $0xA100;
	[sflag:s0] =	ssyncadd.s32 $0xFFFFE000  }
0xd7: {  	[tilespmem:s12], [sflag:$0x2] =	stream.indirect.gather [spmem:s3], $0x20, s18, s10, $0xb8;
	[tilespmem:$0x1BD00] =	vst v63  }
0xd8: {  	s16 =	simm.s32 $0xC800  }
0xd9: {  	[spmem:s2] =	stream.indirect.scatter.add.f32 [tilespmem:s11], [sflag:$0x5], $0x20, s16, s10, $0xb8;
	[tilespmem:$0x1BD00] =	vst v63  }
0xda: {  	_ =	swait.ge [sflag:s31], $0x2000  }
0xdb: {  	[sflag:s31] =	ssyncset.done $0x0  }
0xdc: {  	[sflag:s31] =	ssyncadd.s32 $0xFFFFE000  }
0xdd: {  	_ =	swait.ge [sflag:s8], $0x2000  }
0xde: {  	[sflag:s8] =	ssyncset.done $0x0  }
0xdf: {  	s17 =	simm.s32 $0xA200;
	[sflag:s8] =	ssyncadd.s32 $0xFFFFE000  }
0xe0: {  	[tilespmem:s11], [sflag:$0x1] =	stream.indirect.gather [spmem:s3], $0x20, s17, s10, $0xb8;
	[tilespmem:$0x1BD00] =	vst v63  }
0xe1: {  	s18 =	simm.s32 $0xC900  }
0xe2: {  	[spmem:s2] =	stream.indirect.scatter.add.f32 [tilespmem:s12], [sflag:$0x5], $0x20, s18, s10, $0xb8;
	[tilespmem:$0x1BD00] =	vst v63  }
0xe3: {  	_ =	swait.ge [sflag:s31], $0x2000  }
0xe4: {  	s16 =	simm.s32 $0x800;
	[sflag:s31] =	ssyncset.done $0x0  }
.LBB2_6:
0xe5: {  	p1 =	sne.s32 s16, $0x9000  }
0xe6: {  	[sflag:s31] =	ssyncadd.s32 $0xFFFFE000;
	s9 =	smov.u32 s16;
	s16 =	sadd.s32 $0x800, s16  }
0xe7: {  	_ = 	snop  }
0xe8: {  	_ =	swait.ge [sflag:s0], $0x2000  }
0xe9: {  	s9 =	sshra.s32 s9, $0x2;
	[sflag:s0] =	ssyncset.done $0x0  }
0xea: {  	s17 =	sadd.s32 $0xA100, s9;
	[sflag:s0] =	ssyncadd.s32 $0xFFFFE000  }
0xeb: {  	[tilespmem:s12], [sflag:$0x2] =	stream.indirect.gather [spmem:s3], $0x20, s17, s10, $0xb8;
	[tilespmem:$0x1BD00] =	vst v63  }
0xec: {  	s17 =	sadd.s32 $0xC800, s9  }
0xed: {  	[spmem:s2] =	stream.indirect.scatter.add.f32 [tilespmem:s11], [sflag:$0x5], $0x20, s17, s10, $0xb8;
	[tilespmem:$0x1BD00] =	vst v63  }
0xee: {  	_ =	swait.ge [sflag:s31], $0x2000  }
0xef: {  	[sflag:s31] =	ssyncset.done $0x0  }
0xf0: {  	[sflag:s31] =	ssyncadd.s32 $0xFFFFE000  }
0xf1: {  	_ =	swait.ge [sflag:s8], $0x2000  }
0xf2: {  	[sflag:s8] =	ssyncset.done $0x0  }
0xf3: {  	s17 =	sadd.s32 $0xA200, s9;
	[sflag:s8] =	ssyncadd.s32 $0xFFFFE000  }
0xf4: {  	[tilespmem:s11], [sflag:$0x1] =	stream.indirect.gather [spmem:s3], $0x20, s17, s10, $0xb8;
	[tilespmem:$0x1BD00] =	vst v63  }
.Ltmp2:
0xf5: {  	_ = 	snop;
	(pc) =	sbr.rel @p1 .LBB2_6-.Ltmp2, $4  }
0xf6: {  	s9 =	sadd.s32 $0xC900, s9  }
0xf7: {  	[spmem:s2] =	stream.indirect.scatter.add.f32 [tilespmem:s12], [sflag:$0x5], $0x20, s9, s10, $0xb8;
	[tilespmem:$0x1BD00] =	vst v63  }
0xf8: {  	_ =	swait.ge [sflag:s31], $0x2000  }
0xf9: {  	[sflag:s31] =	ssyncset.done $0x0  }
0xfa: {  	[sflag:s31] =	ssyncadd.s32 $0xFFFFE000  }
0xfb: {  	_ =	swait.ge [sflag:s0], $0x2000  }
0xfc: {  	[sflag:s0] =	ssyncset.done $0x0  }
0xfd: {  	s9 =	simm.s32 $0xC700;
	[sflag:s0] =	ssyncadd.s32 $0xFFFFE000  }
0xfe: {  	[tilespmem:s12], [sflag:$0x2] =	stream.indirect.gather [spmem:s3], $0x20, s9, s10, $0xb8;
	[tilespmem:$0x1BD00] =	vst v63  }
0xff: {  	s16 =	simm.s32 $0xEE00  }
0x100: {  	[spmem:s2] =	stream.indirect.scatter.add.f32 [tilespmem:s11], [sflag:$0x5], $0x20, s16, s10, $0xb8;
	[tilespmem:$0x1BD00] =	vst v63  }
0x101: {  	_ =	swait.ge [sflag:s31], $0x2000  }
0x102: {  	[sflag:s31] =	ssyncset.done $0x0  }
0x103: {  	[sflag:s31] =	ssyncadd.s32 $0xFFFFE000  }
0x104: {  	_ =	swait.ge [sflag:s8], $0x2000  }
0x105: {  	[sflag:s8] =	ssyncset.done $0x0  }
0x106: {  	s17 =	simm.s32 $0xEF00;
	[sflag:s8] =	ssyncadd.s32 $0xFFFFE000  }
0x107: {  	[spmem:s2] =	stream.indirect.scatter.add.f32 [tilespmem:s12], [sflag:$0x5], $0x20, s17, s10, $0xb8;
	[tilespmem:$0x1BD00] =	vst v63  }
0x108: {  	_ =	swait.ge [sflag:s31], $0x2000  }
0x109: {  	s14 =	sadd.s32 $0x1, s14;
	[sflag:s31] =	ssyncset.done $0x0  }
0x10a: {  	p1 =	sne.s32 s14, s24;
	[sflag:s31] =	ssyncadd.s32 $0xFFFFE000  }
.Ltmp3:
0x10b: {  	s18 =	sor.u32 $0x1C05, s20;
	[bflag:$0x0] =	sbarrier.arrive $0xFFFF;
	(pc) =	sbr.rel @p1 .LBB2_1-.Ltmp3, $4  }
0x10c: {  	[hbm:s25], [sflag:s18] =	dma.local [spmem:s15], $0xA00  }
0x10d: {  	_ =	swait.ge [sflag:s31], $0xA00  }
0x10e: {  	[sflag:s31] =	ssyncset.done $0x0  }
0x10f: {  	[sflag:s31] =	ssyncadd.s32 $0xFFFFF600  }
0x110: {  	_ =	sfence.sel $0x180000  }
0x111: {  	[bflag:$0x0] =	sbarrier.arrive $0xFFFF  }
0x112: {  	_ =	strace $0x90000053  }
0x113: {  	s0 =	stileid.u32;
	[bflag:$0x2] =	sbarrier.arrive $0xFFFF  }
0x114: {  	p0 =	sne.s32 s0, $0x0;
	s0 =	rddreg [dreg:$0x4]  }
0x115: {  	s0 =	sadd.s32 @!p0 $0x100000, s0  }
0x116: {  	[sflag:s0] =	ssyncadd.tile.s32 @!p0 $0x1;
	_ =	shalt  }
.Lfunc_end2:
_tile_overlayer_lowered:
.L_overlay_start_2:
0x117: {  	(tag) =	ssettag $0x2  }
0x118: {  	s0 =	rddreg [dreg:$0x0];
	s2 =	stileid.u32  }
0x119: {  	s1 =	rddreg [dreg:$0x1];
	p0 =	sne.s32 s2, $0x0  }
0x11a: {  	s3 =	rddreg [dreg:$0x2];
	[bflag:$0x3] =	sbarrier.arrive $0xFFFF;
	s2 =	simm.s32 @!p0 $0x1C05  }
0x11b: {  	[timem:s3], [sflag:s2] =	dma.local @!p0 [hbm:s0], s1  }
0x11c: {  	s0 =	simm.s32 @!p0 $0x5  }
0x11d: {  	_ =	swait.ge @!p0 [sflag:s0], s1  }
0x11e: {  	s1 =	ssub.s32 @!p0 $0x0, s1;
	[sflag:s0] =	ssyncset.done @!p0 $0x0  }
0x11f: {  	[sflag:s0] =	ssyncadd.s32 @!p0 s1  }
0x120: {  	[bflag:$0x3] =	sbarrier.arrive $0xFFFF  }
0x121: {  	_ =	shalt  }

</sc_bundles>
